<compile_context>
chip_gen: v7x
topology: tpu7x:2x2x1
jax: 0.10.2.dev20260603
libtpu: 0.0.44.dev20260713+nightly
codegen_flags: <defaults>
</compile_context>

<pallas_src>
import functools

import jax
import jax.numpy as jnp
from jax import lax
from jax.experimental import pallas as pl
from jax.experimental.pallas import tpu as pltpu
from jax.experimental.pallas import tpu_sc as plsc

F = 2
B = 16384
H = 20
D = 32
V = 1000000
N = B * H
NC = 2
NS = 16
NW = NC * NS
PER_W = N // NW
CH = 1024
NCH = PER_W // CH
NBUF = 3

_mesh = plsc.VectorSubcoreMesh(core_axis_name="c", subcore_axis_name="s")


@functools.partial(
    pl.kernel,
    mesh=_mesh,
    compiler_params=pltpu.CompilerParams(use_tc_tiling_on_sc=False),
    out_type=jax.ShapeDtypeStruct((N, D), jnp.float32),
    scratch_types=[
        pltpu.VMEM((NBUF, CH), jnp.int32),
        pltpu.VMEM((NBUF, CH, D), jnp.float32),
        pltpu.SemaphoreType.DMA,
        pltpu.SemaphoreType.DMA,
        pltpu.SemaphoreType.DMA,
    ],
)
def _lookup1(idx_hbm, tab_hbm, out_hbm, idx_v, rows_v, sem0, sem1, sem2):
    wid = lax.axis_index("s") * NC + lax.axis_index("c")
    base = wid * PER_W
    sems = (sem0, sem1, sem2)

    def start(j):
        slot = j % NBUF
        off = base + j * CH
        pltpu.sync_copy(idx_hbm.at[pl.ds(off, CH)], idx_v.at[slot])
        return pltpu.async_copy(
            tab_hbm.at[idx_v.at[slot]], rows_v.at[slot], sems[slot])

    inflight = {j: start(j) for j in range(NBUF - 1)}
    for j in range(NCH):
        if j + NBUF - 1 < NCH:
            inflight[j + NBUF - 1] = start(j + NBUF - 1)
        inflight[j].wait()
        slot = j % NBUF
        pltpu.sync_copy(rows_v.at[slot], out_hbm.at[pl.ds(base + j * CH, CH)])


def kernel(indices, table_0, table_1):
    i0 = indices[0].reshape(N).astype(jnp.int32)
    i1 = indices[1].reshape(N).astype(jnp.int32)
    o0 = _lookup1(i0, table_0)
    o1 = _lookup1(i1, table_1)
    return jnp.stack([o0.reshape(B, H, D), o1.reshape(B, H, D)], axis=0)

# --- scband reference (transcript-rebuilt; emitter-appended) ---
"""Pipeline reference for scband-dummy-parameter-server-10728828305836 (READ-ONLY COPY).

The authoritative reference and input builder live on the scoring server;
editing this copy changes nothing except your own understanding.
"""

import jax, jax.numpy as jnp
import numpy as np

VOCAB = 1000000
DIM = 32
BATCH = 16384
HIST = 20
NUM_FEATURES = 2


def setup_inputs(seed: int = 0) -> dict:
    key = jax.random.key(seed)
    k_idx, k_t0, k_t1 = jax.random.split(key, 3)
    # KeyedJaggedTensor modeled as fixed-length per-feature index tensor:
    # indices[f, b, l] = id looked up for feature f, sample b, position l
    indices = jax.random.randint(k_idx, (NUM_FEATURES, BATCH, HIST), 0, VOCAB, dtype=jnp.int64)
    # Embedding tables (one per EmbeddingConfig), float32, meta-device params materialized here
    table_0 = jax.random.normal(k_t0, (VOCAB, DIM), dtype=jnp.float32)
    table_1 = jax.random.normal(k_t1, (VOCAB, DIM), dtype=jnp.float32)
    return {"indices": indices, "table_0": table_0, "table_1": table_1}


def reference(indices, table_0, table_1):
    # EmbeddingCollection: sequence (non-pooled) embedding lookup per feature.
    # Returns Dict[str, JaggedTensor]; here we return the per-feature dense
    # embedding values stacked as [F, B, L, D] (JaggedTensor.values() per feature).
    emb_f0 = jnp.take(table_0, indices[0], axis=0)  # [B, L, D]
    emb_f1 = jnp.take(table_1, indices[1], axis=0)  # [B, L, D]
    return jnp.stack([emb_f0, emb_f1], axis=0)  # [F, B, L, D]

if __name__ == "__main__":
    import jax
    _d = setup_inputs()
    print(jax.jit(kernel)(*tuple(_d.values())))

</pallas_src>

<mosaic_0001>
#map = affine_map<(d0, d1) -> (0)>
#map1 = affine_map<(d0, d1) -> (0, 0)>
module attributes {stable_mosaic.version = 14 : i64} {
  func.func @_lookup1(%arg0: i32, %arg1: i32, %arg2: memref<327680xi32, #tpu.memory_space<hbm>>, %arg3: memref<1000000x32xf32, #tpu.memory_space<hbm>>, %arg4: memref<327680x32xf32, #tpu.memory_space<hbm>>, %arg5: memref<3x1024xi32, #tpu.memory_space<vmem>>, %arg6: memref<3x1024x32xf32, #tpu.memory_space<vmem>>, %arg7: memref<!tpu.dma_semaphore, #tpu.memory_space<semaphore_mem>>, %arg8: memref<!tpu.dma_semaphore, #tpu.memory_space<semaphore_mem>>, %arg9: memref<!tpu.dma_semaphore, #tpu.memory_space<semaphore_mem>>) attributes {dimension_semantics = [#tpu.dimension_semantics<core_parallel>, #tpu.dimension_semantics<subcore_parallel>], iteration_bounds = array<i64: 2, 16>, scalar_prefetch = 0 : i64, scratch_operands = 5 : i64, tpu.core_type = #tpu.core_type<sc_vector_subcore>, window_params = [{transform_indices = #map}, {transform_indices = #map1}, {transform_indices = #map1}]} {
    %mul3A = arith.constant 2 : i32
    %mul3A_0 = arith.muli %arg1, %mul3A : i32
    %add3A = arith.addi %mul3A_0, %arg0 : i32
    %mul3A_1 = arith.constant 10240 : i32
    %mul3A_2 = arith.muli %add3A, %mul3A_1 : i32
    %add3A_3 = arith.constant 0 : i32
    %add3A_4 = arith.addi %mul3A_2, %add3A_3 : i32
    %run_scoped3A = arith.constant 0 : i32
    "tpu.region"() ({
      %run_scoped3A_300 = tpu.sem_alloc : memref<!tpu.dma_semaphore, #tpu.memory_space<semaphore_mem>>
      %dma_start3A_301 = arith.constant 0 : i32
      %dma_start3A_302 = tpu.memref_slice %arg5[%run_scoped3A, %dma_start3A_301] : memref<3x1024xi32, #tpu.memory_space<vmem>> -> memref<1x1024xi32, #tpu.memory_space<vmem>>
      %dma_start3A_303 = tpu.memref_squeeze %dma_start3A_302 : memref<1x1024xi32, #tpu.memory_space<vmem>> -> memref<1024xi32, #tpu.memory_space<vmem>>
      %dma_start3A_304 = tpu.memref_slice %arg2[%add3A_4] : memref<327680xi32, #tpu.memory_space<hbm>> -> memref<1024xi32, #tpu.memory_space<hbm>>
      %dma_start3A_305 = arith.constant 0 : i32
      %dma_start3A_306 = tpu.memref_slice %arg5[%run_scoped3A, %dma_start3A_305] : memref<3x1024xi32, #tpu.memory_space<vmem>> -> memref<1x1024xi32, #tpu.memory_space<vmem>>
      %dma_start3A_307 = tpu.memref_squeeze %dma_start3A_306 : memref<1x1024xi32, #tpu.memory_space<vmem>> -> memref<1024xi32, #tpu.memory_space<vmem>>
      %dma_start3A_308 = tpu.memref_slice %arg2[%add3A_4] : memref<327680xi32, #tpu.memory_space<hbm>> -> memref<1024xi32, #tpu.memory_space<hbm>>
      tpu.enqueue_dma source(%dma_start3A_308 : memref<1024xi32, #tpu.memory_space<hbm>>) target(%dma_start3A_307 : memref<1024xi32, #tpu.memory_space<vmem>>) target_semaphore(%run_scoped3A_300 : memref<!tpu.dma_semaphore, #tpu.memory_space<semaphore_mem>>)
      %dma_wait3A_309 = arith.constant 0 : i32
      %dma_wait3A_310 = tpu.memref_slice %arg5[%run_scoped3A, %dma_wait3A_309] : memref<3x1024xi32, #tpu.memory_space<vmem>> -> memref<1x1024xi32, #tpu.memory_space<vmem>>
      %dma_wait3A_311 = tpu.memref_squeeze %dma_wait3A_310 : memref<1x1024xi32, #tpu.memory_space<vmem>> -> memref<1024xi32, #tpu.memory_space<vmem>>
      %dma_wait3A_312 = tpu.memref_slice %arg2[%add3A_4] : memref<327680xi32, #tpu.memory_space<hbm>> -> memref<1024xi32, #tpu.memory_space<hbm>>
      %dma_wait3A_313 = arith.constant 0 : i32
      %dma_wait3A_314 = tpu.memref_slice %arg5[%run_scoped3A, %dma_wait3A_313] : memref<3x1024xi32, #tpu.memory_space<vmem>> -> memref<1x1024xi32, #tpu.memory_space<vmem>>
      %dma_wait3A_315 = tpu.memref_squeeze %dma_wait3A_314 : memref<1x1024xi32, #tpu.memory_space<vmem>> -> memref<1024xi32, #tpu.memory_space<vmem>>
      %dma_wait3A_316 = tpu.memref_slice %arg2[%add3A_4] : memref<327680xi32, #tpu.memory_space<hbm>> -> memref<1024xi32, #tpu.memory_space<hbm>>
      tpu.wait_dma2 semaphore(%run_scoped3A_300 : memref<!tpu.dma_semaphore, #tpu.memory_space<semaphore_mem>>) src(%dma_wait3A_316 : memref<1024xi32, #tpu.memory_space<hbm>>) dst(%dma_wait3A_315 : memref<1024xi32, #tpu.memory_space<vmem>>)
      tpu.yield
    }) : () -> ()
    %dma_start3A = arith.constant 0 : i32
    %dma_start3A_5 = arith.constant 0 : i32
    %dma_start3A_6 = arith.constant 0 : i32
    %dma_start3A_7 = arith.constant 0 : i32
    %dma_start3A_8 = tpu.memref_slice %arg6[%dma_start3A_5, %dma_start3A_6, %dma_start3A_7] : memref<3x1024x32xf32, #tpu.memory_space<vmem>> -> memref<1x1024x32xf32, #tpu.memory_space<vmem>>
    %dma_start3A_9 = tpu.memref_squeeze %dma_start3A_8 : memref<1x1024x32xf32, #tpu.memory_space<vmem>> -> memref<1024x32xf32, #tpu.memory_space<vmem>>
    %dma_start3A_10 = arith.constant 0 : i32
    %dma_start3A_11 = tpu.memref_slice %arg5[%dma_start3A, %dma_start3A_10] : memref<3x1024xi32, #tpu.memory_space<vmem>> -> memref<1x1024xi32, #tpu.memory_space<vmem>>
    %dma_start3A_12 = tpu.memref_squeeze %dma_start3A_11 : memref<1x1024xi32, #tpu.memory_space<vmem>> -> memref<1024xi32, #tpu.memory_space<vmem>>
    %dma_start3A_13 = arith.constant 0 : i32
    %dma_start3A_14 = arith.constant 0 : i32
    %dma_start3A_15 = tpu.memref_slice %arg3[%dma_start3A_13, %dma_start3A_14] : memref<1000000x32xf32, #tpu.memory_space<hbm>> -> memref<1000000x32xf32, #tpu.memory_space<hbm>>
    tpu.enqueue_indirect_dma source(%dma_start3A_15 : memref<1000000x32xf32, #tpu.memory_space<hbm>>) target(%dma_start3A_9 : memref<1024x32xf32, #tpu.memory_space<vmem>>) offsets(%dma_start3A_12 : memref<1024xi32, #tpu.memory_space<vmem>>) semaphore(%arg7 : memref<!tpu.dma_semaphore, #tpu.memory_space<semaphore_mem>>)
    %add3A_16 = arith.constant 1024 : i32
    %add3A_17 = arith.addi %mul3A_2, %add3A_16 : i32
    %run_scoped3A_18 = arith.constant 1 : i32
    "tpu.region"() ({
      %run_scoped3A_300 = tpu.sem_alloc : memref<!tpu.dma_semaphore, #tpu.memory_space<semaphore_mem>>
      %dma_start3A_301 = arith.constant 0 : i32
      %dma_start3A_302 = tpu.memref_slice %arg5[%run_scoped3A_18, %dma_start3A_301] : memref<3x1024xi32, #tpu.memory_space<vmem>> -> memref<1x1024xi32, #tpu.memory_space<vmem>>
      %dma_start3A_303 = tpu.memref_squeeze %dma_start3A_302 : memref<1x1024xi32, #tpu.memory_space<vmem>> -> memref<1024xi32, #tpu.memory_space<vmem>>
      %dma_start3A_304 = tpu.memref_slice %arg2[%add3A_17] : memref<327680xi32, #tpu.memory_space<hbm>> -> memref<1024xi32, #tpu.memory_space<hbm>>
      %dma_start3A_305 = arith.constant 0 : i32
      %dma_start3A_306 = tpu.memref_slice %arg5[%run_scoped3A_18, %dma_start3A_305] : memref<3x1024xi32, #tpu.memory_space<vmem>> -> memref<1x1024xi32, #tpu.memory_space<vmem>>
      %dma_start3A_307 = tpu.memref_squeeze %dma_start3A_306 : memref<1x1024xi32, #tpu.memory_space<vmem>> -> memref<1024xi32, #tpu.memory_space<vmem>>
      %dma_start3A_308 = tpu.memref_slice %arg2[%add3A_17] : memref<327680xi32, #tpu.memory_space<hbm>> -> memref<1024xi32, #tpu.memory_space<hbm>>
      tpu.enqueue_dma source(%dma_start3A_308 : memref<1024xi32, #tpu.memory_space<hbm>>) target(%dma_start3A_307 : memref<1024xi32, #tpu.memory_space<vmem>>) target_semaphore(%run_scoped3A_300 : memref<!tpu.dma_semaphore, #tpu.memory_space<semaphore_mem>>)
      %dma_wait3A_309 = arith.constant 0 : i32
      %dma_wait3A_310 = tpu.memref_slice %arg5[%run_scoped3A_18, %dma_wait3A_309] : memref<3x1024xi32, #tpu.memory_space<vmem>> -> memref<1x1024xi32, #tpu.memory_space<vmem>>
      %dma_wait3A_311 = tpu.memref_squeeze %dma_wait3A_310 : memref<1x1024xi32, #tpu.memory_space<vmem>> -> memref<1024xi32, #tpu.memory_space<vmem>>
      %dma_wait3A_312 = tpu.memref_slice %arg2[%add3A_17] : memref<327680xi32, #tpu.memory_space<hbm>> -> memref<1024xi32, #tpu.memory_space<hbm>>
      %dma_wait3A_313 = arith.constant 0 : i32
      %dma_wait3A_314 = tpu.memref_slice %arg5[%run_scoped3A_18, %dma_wait3A_313] : memref<3x1024xi32, #tpu.memory_space<vmem>> -> memref<1x1024xi32, #tpu.memory_space<vmem>>
      %dma_wait3A_315 = tpu.memref_squeeze %dma_wait3A_314 : memref<1x1024xi32, #tpu.memory_space<vmem>> -> memref<1024xi32, #tpu.memory_space<vmem>>
      %dma_wait3A_316 = tpu.memref_slice %arg2[%add3A_17] : memref<327680xi32, #tpu.memory_space<hbm>> -> memref<1024xi32, #tpu.memory_space<hbm>>
      tpu.wait_dma2 semaphore(%run_scoped3A_300 : memref<!tpu.dma_semaphore, #tpu.memory_space<semaphore_mem>>) src(%dma_wait3A_316 : memref<1024xi32, #tpu.memory_space<hbm>>) dst(%dma_wait3A_315 : memref<1024xi32, #tpu.memory_space<vmem>>)
      tpu.yield
    }) : () -> ()
    %dma_start3A_19 = arith.constant 1 : i32
    %dma_start3A_20 = arith.constant 1 : i32
    %dma_start3A_21 = arith.constant 0 : i32
    %dma_start3A_22 = arith.constant 0 : i32
    %dma_start3A_23 = tpu.memref_slice %arg6[%dma_start3A_20, %dma_start3A_21, %dma_start3A_22] : memref<3x1024x32xf32, #tpu.memory_space<vmem>> -> memref<1x1024x32xf32, #tpu.memory_space<vmem>>
    %dma_start3A_24 = tpu.memref_squeeze %dma_start3A_23 : memref<1x1024x32xf32, #tpu.memory_space<vmem>> -> memref<1024x32xf32, #tpu.memory_space<vmem>>
    %dma_start3A_25 = arith.constant 0 : i32
    %dma_start3A_26 = tpu.memref_slice %arg5[%dma_start3A_19, %dma_start3A_25] : memref<3x1024xi32, #tpu.memory_space<vmem>> -> memref<1x1024xi32, #tpu.memory_space<vmem>>
    %dma_start3A_27 = tpu.memref_squeeze %dma_start3A_26 : memref<1x1024xi32, #tpu.memory_space<vmem>> -> memref<1024xi32, #tpu.memory_space<vmem>>
    %dma_start3A_28 = arith.constant 0 : i32
    %dma_start3A_29 = arith.constant 0 : i32
    %dma_start3A_30 = tpu.memref_slice %arg3[%dma_start3A_28, %dma_start3A_29] : memref<1000000x32xf32, #tpu.memory_space<hbm>> -> memref<1000000x32xf32, #tpu.memory_space<hbm>>
    tpu.enqueue_indirect_dma source(%dma_start3A_30 : memref<1000000x32xf32, #tpu.memory_space<hbm>>) target(%dma_start3A_24 : memref<1024x32xf32, #tpu.memory_space<vmem>>) offsets(%dma_start3A_27 : memref<1024xi32, #tpu.memory_space<vmem>>) semaphore(%arg8 : memref<!tpu.dma_semaphore, #tpu.memory_space<semaphore_mem>>)
    %add3A_31 = arith.constant 2048 : i32
    %add3A_32 = arith.addi %mul3A_2, %add3A_31 : i32
    %run_scoped3A_33 = arith.constant 2 : i32
    "tpu.region"() ({
      %run_scoped3A_300 = tpu.sem_alloc : memref<!tpu.dma_semaphore, #tpu.memory_space<semaphore_mem>>
      %dma_start3A_301 = arith.constant 0 : i32
      %dma_start3A_302 = tpu.memref_slice %arg5[%run_scoped3A_33, %dma_start3A_301] : memref<3x1024xi32, #tpu.memory_space<vmem>> -> memref<1x1024xi32, #tpu.memory_space<vmem>>
      %dma_start3A_303 = tpu.memref_squeeze %dma_start3A_302 : memref<1x1024xi32, #tpu.memory_space<vmem>> -> memref<1024xi32, #tpu.memory_space<vmem>>
      %dma_start3A_304 = tpu.memref_slice %arg2[%add3A_32] : memref<327680xi32, #tpu.memory_space<hbm>> -> memref<1024xi32, #tpu.memory_space<hbm>>
      %dma_start3A_305 = arith.constant 0 : i32
      %dma_start3A_306 = tpu.memref_slice %arg5[%run_scoped3A_33, %dma_start3A_305] : memref<3x1024xi32, #tpu.memory_space<vmem>> -> memref<1x1024xi32, #tpu.memory_space<vmem>>
      %dma_start3A_307 = tpu.memref_squeeze %dma_start3A_306 : memref<1x1024xi32, #tpu.memory_space<vmem>> -> memref<1024xi32, #tpu.memory_space<vmem>>
      %dma_start3A_308 = tpu.memref_slice %arg2[%add3A_32] : memref<327680xi32, #tpu.memory_space<hbm>> -> memref<1024xi32, #tpu.memory_space<hbm>>
      tpu.enqueue_dma source(%dma_start3A_308 : memref<1024xi32, #tpu.memory_space<hbm>>) target(%dma_start3A_307 : memref<1024xi32, #tpu.memory_space<vmem>>) target_semaphore(%run_scoped3A_300 : memref<!tpu.dma_semaphore, #tpu.memory_space<semaphore_mem>>)
      %dma_wait3A_309 = arith.constant 0 : i32
      %dma_wait3A_310 = tpu.memref_slice %arg5[%run_scoped3A_33, %dma_wait3A_309] : memref<3x1024xi32, #tpu.memory_space<vmem>> -> memref<1x1024xi32, #tpu.memory_space<vmem>>
      %dma_wait3A_311 = tpu.memref_squeeze %dma_wait3A_310 : memref<1x1024xi32, #tpu.memory_space<vmem>> -> memref<1024xi32, #tpu.memory_space<vmem>>
      %dma_wait3A_312 = tpu.memref_slice %arg2[%add3A_32] : memref<327680xi32, #tpu.memory_space<hbm>> -> memref<1024xi32, #tpu.memory_space<hbm>>
      %dma_wait3A_313 = arith.constant 0 : i32
      %dma_wait3A_314 = tpu.memref_slice %arg5[%run_scoped3A_33, %dma_wait3A_313] : memref<3x1024xi32, #tpu.memory_space<vmem>> -> memref<1x1024xi32, #tpu.memory_space<vmem>>
      %dma_wait3A_315 = tpu.memref_squeeze %dma_wait3A_314 : memref<1x1024xi32, #tpu.memory_space<vmem>> -> memref<1024xi32, #tpu.memory_space<vmem>>
      %dma_wait3A_316 = tpu.memref_slice %arg2[%add3A_32] : memref<327680xi32, #tpu.memory_space<hbm>> -> memref<1024xi32, #tpu.memory_space<hbm>>
      tpu.wait_dma2 semaphore(%run_scoped3A_300 : memref<!tpu.dma_semaphore, #tpu.memory_space<semaphore_mem>>) src(%dma_wait3A_316 : memref<1024xi32, #tpu.memory_space<hbm>>) dst(%dma_wait3A_315 : memref<1024xi32, #tpu.memory_space<vmem>>)
      tpu.yield
    }) : () -> ()
    %dma_start3A_34 = arith.constant 2 : i32
    %dma_start3A_35 = arith.constant 2 : i32
    %dma_start3A_36 = arith.constant 0 : i32
    %dma_start3A_37 = arith.constant 0 : i32
    %dma_start3A_38 = tpu.memref_slice %arg6[%dma_start3A_35, %dma_start3A_36, %dma_start3A_37] : memref<3x1024x32xf32, #tpu.memory_space<vmem>> -> memref<1x1024x32xf32, #tpu.memory_space<vmem>>
    %dma_start3A_39 = tpu.memref_squeeze %dma_start3A_38 : memref<1x1024x32xf32, #tpu.memory_space<vmem>> -> memref<1024x32xf32, #tpu.memory_space<vmem>>
    %dma_start3A_40 = arith.constant 0 : i32
    %dma_start3A_41 = tpu.memref_slice %arg5[%dma_start3A_34, %dma_start3A_40] : memref<3x1024xi32, #tpu.memory_space<vmem>> -> memref<1x1024xi32, #tpu.memory_space<vmem>>
    %dma_start3A_42 = tpu.memref_squeeze %dma_start3A_41 : memref<1x1024xi32, #tpu.memory_space<vmem>> -> memref<1024xi32, #tpu.memory_space<vmem>>
    %dma_start3A_43 = arith.constant 0 : i32
    %dma_start3A_44 = arith.constant 0 : i32
    %dma_start3A_45 = tpu.memref_slice %arg3[%dma_start3A_43, %dma_start3A_44] : memref<1000000x32xf32, #tpu.memory_space<hbm>> -> memref<1000000x32xf32, #tpu.memory_space<hbm>>
    tpu.enqueue_indirect_dma source(%dma_start3A_45 : memref<1000000x32xf32, #tpu.memory_space<hbm>>) target(%dma_start3A_39 : memref<1024x32xf32, #tpu.memory_space<vmem>>) offsets(%dma_start3A_42 : memref<1024xi32, #tpu.memory_space<vmem>>) semaphore(%arg9 : memref<!tpu.dma_semaphore, #tpu.memory_space<semaphore_mem>>)
    %dma_wait3A = arith.constant 0 : i32
    %dma_wait3A_46 = arith.constant 0 : i32
    %dma_wait3A_47 = arith.constant 0 : i32
    %dma_wait3A_48 = arith.constant 0 : i32
    %dma_wait3A_49 = tpu.memref_slice %arg6[%dma_wait3A_46, %dma_wait3A_47, %dma_wait3A_48] : memref<3x1024x32xf32, #tpu.memory_space<vmem>> -> memref<1x1024x32xf32, #tpu.memory_space<vmem>>
    %dma_wait3A_50 = tpu.memref_squeeze %dma_wait3A_49 : memref<1x1024x32xf32, #tpu.memory_space<vmem>> -> memref<1024x32xf32, #tpu.memory_space<vmem>>
    %dma_wait3A_51 = arith.constant 0 : i32
    %dma_wait3A_52 = tpu.memref_slice %arg5[%dma_wait3A, %dma_wait3A_51] : memref<3x1024xi32, #tpu.memory_space<vmem>> -> memref<1x1024xi32, #tpu.memory_space<vmem>>
    %dma_wait3A_53 = tpu.memref_squeeze %dma_wait3A_52 : memref<1x1024xi32, #tpu.memory_space<vmem>> -> memref<1024xi32, #tpu.memory_space<vmem>>
    %dma_wait3A_54 = arith.constant 0 : i32
    %dma_wait3A_55 = arith.constant 0 : i32
    %dma_wait3A_56 = tpu.memref_slice %arg3[%dma_wait3A_54, %dma_wait3A_55] : memref<1000000x32xf32, #tpu.memory_space<hbm>> -> memref<1000000x32xf32, #tpu.memory_space<hbm>>
    tpu.wait_indirect_dma semaphore(%arg7 : memref<!tpu.dma_semaphore, #tpu.memory_space<semaphore_mem>>) src(%dma_wait3A_56 : memref<1000000x32xf32, #tpu.memory_space<hbm>>) dst(%dma_wait3A_50 : memref<1024x32xf32, #tpu.memory_space<vmem>>)
    %add3A_57 = arith.constant 0 : i32
    %add3A_58 = arith.addi %mul3A_2, %add3A_57 : i32
    %run_scoped3A_59 = arith.constant 0 : i32
    "tpu.region"() ({
      %run_scoped3A_300 = tpu.sem_alloc : memref<!tpu.dma_semaphore, #tpu.memory_space<semaphore_mem>>
      %dma_start3A_301 = arith.constant 0 : i32
      %dma_start3A_302 = arith.constant 0 : i32
      %dma_start3A_303 = tpu.memref_slice %arg6[%run_scoped3A_59, %dma_start3A_301, %dma_start3A_302] : memref<3x1024x32xf32, #tpu.memory_space<vmem>> -> memref<1x1024x32xf32, #tpu.memory_space<vmem>>
      %dma_start3A_304 = tpu.memref_squeeze %dma_start3A_303 : memref<1x1024x32xf32, #tpu.memory_space<vmem>> -> memref<1024x32xf32, #tpu.memory_space<vmem>>
      %dma_start3A_305 = arith.constant 0 : i32
      %dma_start3A_306 = tpu.memref_slice %arg4[%add3A_58, %dma_start3A_305] : memref<327680x32xf32, #tpu.memory_space<hbm>> -> memref<1024x32xf32, #tpu.memory_space<hbm>>
      %dma_start3A_307 = arith.constant 0 : i32
      %dma_start3A_308 = tpu.memref_slice %arg4[%add3A_58, %dma_start3A_307] : memref<327680x32xf32, #tpu.memory_space<hbm>> -> memref<1024x32xf32, #tpu.memory_space<hbm>>
      %dma_start3A_309 = arith.constant 0 : i32
      %dma_start3A_310 = arith.constant 0 : i32
      %dma_start3A_311 = tpu.memref_slice %arg6[%run_scoped3A_59, %dma_start3A_309, %dma_start3A_310] : memref<3x1024x32xf32, #tpu.memory_space<vmem>> -> memref<1x1024x32xf32, #tpu.memory_space<vmem>>
      %dma_start3A_312 = tpu.memref_squeeze %dma_start3A_311 : memref<1x1024x32xf32, #tpu.memory_space<vmem>> -> memref<1024x32xf32, #tpu.memory_space<vmem>>
      tpu.enqueue_dma source(%dma_start3A_312 : memref<1024x32xf32, #tpu.memory_space<vmem>>) target(%dma_start3A_308 : memref<1024x32xf32, #tpu.memory_space<hbm>>) target_semaphore(%run_scoped3A_300 : memref<!tpu.dma_semaphore, #tpu.memory_space<semaphore_mem>>)
      %dma_wait3A_313 = arith.constant 0 : i32
      %dma_wait3A_314 = arith.constant 0 : i32
      %dma_wait3A_315 = tpu.memref_slice %arg6[%run_scoped3A_59, %dma_wait3A_313, %dma_wait3A_314] : memref<3x1024x32xf32, #tpu.memory_space<vmem>> -> memref<1x1024x32xf32, #tpu.memory_space<vmem>>
      %dma_wait3A_316 = tpu.memref_squeeze %dma_wait3A_315 : memref<1x1024x32xf32, #tpu.memory_space<vmem>> -> memref<1024x32xf32, #tpu.memory_space<vmem>>
      %dma_wait3A_317 = arith.constant 0 : i32
      %dma_wait3A_318 = tpu.memref_slice %arg4[%add3A_58, %dma_wait3A_317] : memref<327680x32xf32, #tpu.memory_space<hbm>> -> memref<1024x32xf32, #tpu.memory_space<hbm>>
      %dma_wait3A_319 = arith.constant 0 : i32
      %dma_wait3A_320 = tpu.memref_slice %arg4[%add3A_58, %dma_wait3A_319] : memref<327680x32xf32, #tpu.memory_space<hbm>> -> memref<1024x32xf32, #tpu.memory_space<hbm>>
      %dma_wait3A_321 = arith.constant 0 : i32
      %dma_wait3A_322 = arith.constant 0 : i32
      %dma_wait3A_323 = tpu.memref_slice %arg6[%run_scoped3A_59, %dma_wait3A_321, %dma_wait3A_322] : memref<3x1024x32xf32, #tpu.memory_space<vmem>> -> memref<1x1024x32xf32, #tpu.memory_space<vmem>>
      %dma_wait3A_324 = tpu.memref_squeeze %dma_wait3A_323 : memref<1x1024x32xf32, #tpu.memory_space<vmem>> -> memref<1024x32xf32, #tpu.memory_space<vmem>>
      tpu.wait_dma2 semaphore(%run_scoped3A_300 : memref<!tpu.dma_semaphore, #tpu.memory_space<semaphore_mem>>) src(%dma_wait3A_324 : memref<1024x32xf32, #tpu.memory_space<vmem>>) dst(%dma_wait3A_320 : memref<1024x32xf32, #tpu.memory_space<hbm>>)
      tpu.yield
    }) : () -> ()
    %add3A_60 = arith.constant 3072 : i32
    %add3A_61 = arith.addi %mul3A_2, %add3A_60 : i32
    %run_scoped3A_62 = arith.constant 0 : i32
    "tpu.region"() ({
      %run_scoped3A_300 = tpu.sem_alloc : memref<!tpu.dma_semaphore, #tpu.memory_space<semaphore_mem>>
      %dma_start3A_301 = arith.constant 0 : i32
      %dma_start3A_302 = tpu.memref_slice %arg5[%run_scoped3A_62, %dma_start3A_301] : memref<3x1024xi32, #tpu.memory_space<vmem>> -> memref<1x1024xi32, #tpu.memory_space<vmem>>
      %dma_start3A_303 = tpu.memref_squeeze %dma_start3A_302 : memref<1x1024xi32, #tpu.memory_space<vmem>> -> memref<1024xi32, #tpu.memory_space<vmem>>
      %dma_start3A_304 = tpu.memref_slice %arg2[%add3A_61] : memref<327680xi32, #tpu.memory_space<hbm>> -> memref<1024xi32, #tpu.memory_space<hbm>>
      %dma_start3A_305 = arith.constant 0 : i32
      %dma_start3A_306 = tpu.memref_slice %arg5[%run_scoped3A_62, %dma_start3A_305] : memref<3x1024xi32, #tpu.memory_space<vmem>> -> memref<1x1024xi32, #tpu.memory_space<vmem>>
      %dma_start3A_307 = tpu.memref_squeeze %dma_start3A_306 : memref<1x1024xi32, #tpu.memory_space<vmem>> -> memref<1024xi32, #tpu.memory_space<vmem>>
      %dma_start3A_308 = tpu.memref_slice %arg2[%add3A_61] : memref<327680xi32, #tpu.memory_space<hbm>> -> memref<1024xi32, #tpu.memory_space<hbm>>
      tpu.enqueue_dma source(%dma_start3A_308 : memref<1024xi32, #tpu.memory_space<hbm>>) target(%dma_start3A_307 : memref<1024xi32, #tpu.memory_space<vmem>>) target_semaphore(%run_scoped3A_300 : memref<!tpu.dma_semaphore, #tpu.memory_space<semaphore_mem>>)
      %dma_wait3A_309 = arith.constant 0 : i32
      %dma_wait3A_310 = tpu.memref_slice %arg5[%run_scoped3A_62, %dma_wait3A_309] : memref<3x1024xi32, #tpu.memory_space<vmem>> -> memref<1x1024xi32, #tpu.memory_space<vmem>>
      %dma_wait3A_311 = tpu.memref_squeeze %dma_wait3A_310 : memref<1x1024xi32, #tpu.memory_space<vmem>> -> memref<1024xi32, #tpu.memory_space<vmem>>
      %dma_wait3A_312 = tpu.memref_slice %arg2[%add3A_61] : memref<327680xi32, #tpu.memory_space<hbm>> -> memref<1024xi32, #tpu.memory_space<hbm>>
      %dma_wait3A_313 = arith.constant 0 : i32
      %dma_wait3A_314 = tpu.memref_slice %arg5[%run_scoped3A_62, %dma_wait3A_313] : memref<3x1024xi32, #tpu.memory_space<vmem>> -> memref<1x1024xi32, #tpu.memory_space<vmem>>
      %dma_wait3A_315 = tpu.memref_squeeze %dma_wait3A_314 : memref<1x1024xi32, #tpu.memory_space<vmem>> -> memref<1024xi32, #tpu.memory_space<vmem>>
      %dma_wait3A_316 = tpu.memref_slice %arg2[%add3A_61] : memref<327680xi32, #tpu.memory_space<hbm>> -> memref<1024xi32, #tpu.memory_space<hbm>>
      tpu.wait_dma2 semaphore(%run_scoped3A_300 : memref<!tpu.dma_semaphore, #tpu.memory_space<semaphore_mem>>) src(%dma_wait3A_316 : memref<1024xi32, #tpu.memory_space<hbm>>) dst(%dma_wait3A_315 : memref<1024xi32, #tpu.memory_space<vmem>>)
      tpu.yield
    }) : () -> ()
    %dma_start3A_63 = arith.constant 0 : i32
    %dma_start3A_64 = arith.constant 0 : i32
    %dma_start3A_65 = arith.constant 0 : i32
    %dma_start3A_66 = arith.constant 0 : i32
    %dma_start3A_67 = tpu.memref_slice %arg6[%dma_start3A_64, %dma_start3A_65, %dma_start3A_66] : memref<3x1024x32xf32, #tpu.memory_space<vmem>> -> memref<1x1024x32xf32, #tpu.memory_space<vmem>>
    %dma_start3A_68 = tpu.memref_squeeze %dma_start3A_67 : memref<1x1024x32xf32, #tpu.memory_space<vmem>> -> memref<1024x32xf32, #tpu.memory_space<vmem>>
    %dma_start3A_69 = arith.constant 0 : i32
    %dma_start3A_70 = tpu.memref_slice %arg5[%dma_start3A_63, %dma_start3A_69] : memref<3x1024xi32, #tpu.memory_space<vmem>> -> memref<1x1024xi32, #tpu.memory_space<vmem>>
    %dma_start3A_71 = tpu.memref_squeeze %dma_start3A_70 : memref<1x1024xi32, #tpu.memory_space<vmem>> -> memref<1024xi32, #tpu.memory_space<vmem>>
    %dma_start3A_72 = arith.constant 0 : i32
    %dma_start3A_73 = arith.constant 0 : i32
    %dma_start3A_74 = tpu.memref_slice %arg3[%dma_start3A_72, %dma_start3A_73] : memref<1000000x32xf32, #tpu.memory_space<hbm>> -> memref<1000000x32xf32, #tpu.memory_space<hbm>>
    tpu.enqueue_indirect_dma source(%dma_start3A_74 : memref<1000000x32xf32, #tpu.memory_space<hbm>>) target(%dma_start3A_68 : memref<1024x32xf32, #tpu.memory_space<vmem>>) offsets(%dma_start3A_71 : memref<1024xi32, #tpu.memory_space<vmem>>) semaphore(%arg7 : memref<!tpu.dma_semaphore, #tpu.memory_space<semaphore_mem>>)
    %dma_wait3A_75 = arith.constant 1 : i32
    %dma_wait3A_76 = arith.constant 1 : i32
    %dma_wait3A_77 = arith.constant 0 : i32
    %dma_wait3A_78 = arith.constant 0 : i32
    %dma_wait3A_79 = tpu.memref_slice %arg6[%dma_wait3A_76, %dma_wait3A_77, %dma_wait3A_78] : memref<3x1024x32xf32, #tpu.memory_space<vmem>> -> memref<1x1024x32xf32, #tpu.memory_space<vmem>>
    %dma_wait3A_80 = tpu.memref_squeeze %dma_wait3A_79 : memref<1x1024x32xf32, #tpu.memory_space<vmem>> -> memref<1024x32xf32, #tpu.memory_space<vmem>>
    %dma_wait3A_81 = arith.constant 0 : i32
    %dma_wait3A_82 = tpu.memref_slice %arg5[%dma_wait3A_75, %dma_wait3A_81] : memref<3x1024xi32, #tpu.memory_space<vmem>> -> memref<1x1024xi32, #tpu.memory_space<vmem>>
    %dma_wait3A_83 = tpu.memref_squeeze %dma_wait3A_82 : memref<1x1024xi32, #tpu.memory_space<vmem>> -> memref<1024xi32, #tpu.memory_space<vmem>>
    %dma_wait3A_84 = arith.constant 0 : i32
    %dma_wait3A_85 = arith.constant 0 : i32
    %dma_wait3A_86 = tpu.memref_slice %arg3[%dma_wait3A_84, %dma_wait3A_85] : memref<1000000x32xf32, #tpu.memory_space<hbm>> -> memref<1000000x32xf32, #tpu.memory_space<hbm>>
    tpu.wait_indirect_dma semaphore(%arg8 : memref<!tpu.dma_semaphore, #tpu.memory_space<semaphore_mem>>) src(%dma_wait3A_86 : memref<1000000x32xf32, #tpu.memory_space<hbm>>) dst(%dma_wait3A_80 : memref<1024x32xf32, #tpu.memory_space<vmem>>)
    %add3A_87 = arith.constant 1024 : i32
    %add3A_88 = arith.addi %mul3A_2, %add3A_87 : i32
    %run_scoped3A_89 = arith.constant 1 : i32
    "tpu.region"() ({
      %run_scoped3A_300 = tpu.sem_alloc : memref<!tpu.dma_semaphore, #tpu.memory_space<semaphore_mem>>
      %dma_start3A_301 = arith.constant 0 : i32
      %dma_start3A_302 = arith.constant 0 : i32
      %dma_start3A_303 = tpu.memref_slice %arg6[%run_scoped3A_89, %dma_start3A_301, %dma_start3A_302] : memref<3x1024x32xf32, #tpu.memory_space<vmem>> -> memref<1x1024x32xf32, #tpu.memory_space<vmem>>
      %dma_start3A_304 = tpu.memref_squeeze %dma_start3A_303 : memref<1x1024x32xf32, #tpu.memory_space<vmem>> -> memref<1024x32xf32, #tpu.memory_space<vmem>>
      %dma_start3A_305 = arith.constant 0 : i32
      %dma_start3A_306 = tpu.memref_slice %arg4[%add3A_88, %dma_start3A_305] : memref<327680x32xf32, #tpu.memory_space<hbm>> -> memref<1024x32xf32, #tpu.memory_space<hbm>>
      %dma_start3A_307 = arith.constant 0 : i32
      %dma_start3A_308 = tpu.memref_slice %arg4[%add3A_88, %dma_start3A_307] : memref<327680x32xf32, #tpu.memory_space<hbm>> -> memref<1024x32xf32, #tpu.memory_space<hbm>>
      %dma_start3A_309 = arith.constant 0 : i32
      %dma_start3A_310 = arith.constant 0 : i32
      %dma_start3A_311 = tpu.memref_slice %arg6[%run_scoped3A_89, %dma_start3A_309, %dma_start3A_310] : memref<3x1024x32xf32, #tpu.memory_space<vmem>> -> memref<1x1024x32xf32, #tpu.memory_space<vmem>>
      %dma_start3A_312 = tpu.memref_squeeze %dma_start3A_311 : memref<1x1024x32xf32, #tpu.memory_space<vmem>> -> memref<1024x32xf32, #tpu.memory_space<vmem>>
      tpu.enqueue_dma source(%dma_start3A_312 : memref<1024x32xf32, #tpu.memory_space<vmem>>) target(%dma_start3A_308 : memref<1024x32xf32, #tpu.memory_space<hbm>>) target_semaphore(%run_scoped3A_300 : memref<!tpu.dma_semaphore, #tpu.memory_space<semaphore_mem>>)
      %dma_wait3A_313 = arith.constant 0 : i32
      %dma_wait3A_314 = arith.constant 0 : i32
      %dma_wait3A_315 = tpu.memref_slice %arg6[%run_scoped3A_89, %dma_wait3A_313, %dma_wait3A_314] : memref<3x1024x32xf32, #tpu.memory_space<vmem>> -> memref<1x1024x32xf32, #tpu.memory_space<vmem>>
      %dma_wait3A_316 = tpu.memref_squeeze %dma_wait3A_315 : memref<1x1024x32xf32, #tpu.memory_space<vmem>> -> memref<1024x32xf32, #tpu.memory_space<vmem>>
      %dma_wait3A_317 = arith.constant 0 : i32
      %dma_wait3A_318 = tpu.memref_slice %arg4[%add3A_88, %dma_wait3A_317] : memref<327680x32xf32, #tpu.memory_space<hbm>> -> memref<1024x32xf32, #tpu.memory_space<hbm>>
      %dma_wait3A_319 = arith.constant 0 : i32
      %dma_wait3A_320 = tpu.memref_slice %arg4[%add3A_88, %dma_wait3A_319] : memref<327680x32xf32, #tpu.memory_space<hbm>> -> memref<1024x32xf32, #tpu.memory_space<hbm>>
      %dma_wait3A_321 = arith.constant 0 : i32
      %dma_wait3A_322 = arith.constant 0 : i32
      %dma_wait3A_323 = tpu.memref_slice %arg6[%run_scoped3A_89, %dma_wait3A_321, %dma_wait3A_322] : memref<3x1024x32xf32, #tpu.memory_space<vmem>> -> memref<1x1024x32xf32, #tpu.memory_space<vmem>>
      %dma_wait3A_324 = tpu.memref_squeeze %dma_wait3A_323 : memref<1x1024x32xf32, #tpu.memory_space<vmem>> -> memref<1024x32xf32, #tpu.memory_space<vmem>>
      tpu.wait_dma2 semaphore(%run_scoped3A_300 : memref<!tpu.dma_semaphore, #tpu.memory_space<semaphore_mem>>) src(%dma_wait3A_324 : memref<1024x32xf32, #tpu.memory_space<vmem>>) dst(%dma_wait3A_320 : memref<1024x32xf32, #tpu.memory_space<hbm>>)
      tpu.yield
    }) : () -> ()
    %add3A_90 = arith.constant 4096 : i32
    %add3A_91 = arith.addi %mul3A_2, %add3A_90 : i32
    %run_scoped3A_92 = arith.constant 1 : i32
    "tpu.region"() ({
      %run_scoped3A_300 = tpu.sem_alloc : memref<!tpu.dma_semaphore, #tpu.memory_space<semaphore_mem>>
      %dma_start3A_301 = arith.constant 0 : i32
      %dma_start3A_302 = tpu.memref_slice %arg5[%run_scoped3A_92, %dma_start3A_301] : memref<3x1024xi32, #tpu.memory_space<vmem>> -> memref<1x1024xi32, #tpu.memory_space<vmem>>
      %dma_start3A_303 = tpu.memref_squeeze %dma_start3A_302 : memref<1x1024xi32, #tpu.memory_space<vmem>> -> memref<1024xi32, #tpu.memory_space<vmem>>
      %dma_start3A_304 = tpu.memref_slice %arg2[%add3A_91] : memref<327680xi32, #tpu.memory_space<hbm>> -> memref<1024xi32, #tpu.memory_space<hbm>>
      %dma_start3A_305 = arith.constant 0 : i32
      %dma_start3A_306 = tpu.memref_slice %arg5[%run_scoped3A_92, %dma_start3A_305] : memref<3x1024xi32, #tpu.memory_space<vmem>> -> memref<1x1024xi32, #tpu.memory_space<vmem>>
      %dma_start3A_307 = tpu.memref_squeeze %dma_start3A_306 : memref<1x1024xi32, #tpu.memory_space<vmem>> -> memref<1024xi32, #tpu.memory_space<vmem>>
      %dma_start3A_308 = tpu.memref_slice %arg2[%add3A_91] : memref<327680xi32, #tpu.memory_space<hbm>> -> memref<1024xi32, #tpu.memory_space<hbm>>
      tpu.enqueue_dma source(%dma_start3A_308 : memref<1024xi32, #tpu.memory_space<hbm>>) target(%dma_start3A_307 : memref<1024xi32, #tpu.memory_space<vmem>>) target_semaphore(%run_scoped3A_300 : memref<!tpu.dma_semaphore, #tpu.memory_space<semaphore_mem>>)
      %dma_wait3A_309 = arith.constant 0 : i32
      %dma_wait3A_310 = tpu.memref_slice %arg5[%run_scoped3A_92, %dma_wait3A_309] : memref<3x1024xi32, #tpu.memory_space<vmem>> -> memref<1x1024xi32, #tpu.memory_space<vmem>>
      %dma_wait3A_311 = tpu.memref_squeeze %dma_wait3A_310 : memref<1x1024xi32, #tpu.memory_space<vmem>> -> memref<1024xi32, #tpu.memory_space<vmem>>
      %dma_wait3A_312 = tpu.memref_slice %arg2[%add3A_91] : memref<327680xi32, #tpu.memory_space<hbm>> -> memref<1024xi32, #tpu.memory_space<hbm>>
      %dma_wait3A_313 = arith.constant 0 : i32
      %dma_wait3A_314 = tpu.memref_slice %arg5[%run_scoped3A_92, %dma_wait3A_313] : memref<3x1024xi32, #tpu.memory_space<vmem>> -> memref<1x1024xi32, #tpu.memory_space<vmem>>
      %dma_wait3A_315 = tpu.memref_squeeze %dma_wait3A_314 : memref<1x1024xi32, #tpu.memory_space<vmem>> -> memref<1024xi32, #tpu.memory_space<vmem>>
      %dma_wait3A_316 = tpu.memref_slice %arg2[%add3A_91] : memref<327680xi32, #tpu.memory_space<hbm>> -> memref<1024xi32, #tpu.memory_space<hbm>>
      tpu.wait_dma2 semaphore(%run_scoped3A_300 : memref<!tpu.dma_semaphore, #tpu.memory_space<semaphore_mem>>) src(%dma_wait3A_316 : memref<1024xi32, #tpu.memory_space<hbm>>) dst(%dma_wait3A_315 : memref<1024xi32, #tpu.memory_space<vmem>>)
      tpu.yield
    }) : () -> ()
    %dma_start3A_93 = arith.constant 1 : i32
    %dma_start3A_94 = arith.constant 1 : i32
    %dma_start3A_95 = arith.constant 0 : i32
    %dma_start3A_96 = arith.constant 0 : i32
    %dma_start3A_97 = tpu.memref_slice %arg6[%dma_start3A_94, %dma_start3A_95, %dma_start3A_96] : memref<3x1024x32xf32, #tpu.memory_space<vmem>> -> memref<1x1024x32xf32, #tpu.memory_space<vmem>>
    %dma_start3A_98 = tpu.memref_squeeze %dma_start3A_97 : memref<1x1024x32xf32, #tpu.memory_space<vmem>> -> memref<1024x32xf32, #tpu.memory_space<vmem>>
    %dma_start3A_99 = arith.constant 0 : i32
    %dma_start3A_100 = tpu.memref_slice %arg5[%dma_start3A_93, %dma_start3A_99] : memref<3x1024xi32, #tpu.memory_space<vmem>> -> memref<1x1024xi32, #tpu.memory_space<vmem>>
    %dma_start3A_101 = tpu.memref_squeeze %dma_start3A_100 : memref<1x1024xi32, #tpu.memory_space<vmem>> -> memref<1024xi32, #tpu.memory_space<vmem>>
    %dma_start3A_102 = arith.constant 0 : i32
    %dma_start3A_103 = arith.constant 0 : i32
    %dma_start3A_104 = tpu.memref_slice %arg3[%dma_start3A_102, %dma_start3A_103] : memref<1000000x32xf32, #tpu.memory_space<hbm>> -> memref<1000000x32xf32, #tpu.memory_space<hbm>>
    tpu.enqueue_indirect_dma source(%dma_start3A_104 : memref<1000000x32xf32, #tpu.memory_space<hbm>>) target(%dma_start3A_98 : memref<1024x32xf32, #tpu.memory_space<vmem>>) offsets(%dma_start3A_101 : memref<1024xi32, #tpu.memory_space<vmem>>) semaphore(%arg8 : memref<!tpu.dma_semaphore, #tpu.memory_space<semaphore_mem>>)
    %dma_wait3A_105 = arith.constant 2 : i32
    %dma_wait3A_106 = arith.constant 2 : i32
    %dma_wait3A_107 = arith.constant 0 : i32
    %dma_wait3A_108 = arith.constant 0 : i32
    %dma_wait3A_109 = tpu.memref_slice %arg6[%dma_wait3A_106, %dma_wait3A_107, %dma_wait3A_108] : memref<3x1024x32xf32, #tpu.memory_space<vmem>> -> memref<1x1024x32xf32, #tpu.memory_space<vmem>>
    %dma_wait3A_110 = tpu.memref_squeeze %dma_wait3A_109 : memref<1x1024x32xf32, #tpu.memory_space<vmem>> -> memref<1024x32xf32, #tpu.memory_space<vmem>>
    %dma_wait3A_111 = arith.constant 0 : i32
    %dma_wait3A_112 = tpu.memref_slice %arg5[%dma_wait3A_105, %dma_wait3A_111] : memref<3x1024xi32, #tpu.memory_space<vmem>> -> memref<1x1024xi32, #tpu.memory_space<vmem>>
    %dma_wait3A_113 = tpu.memref_squeeze %dma_wait3A_112 : memref<1x1024xi32, #tpu.memory_space<vmem>> -> memref<1024xi32, #tpu.memory_space<vmem>>
    %dma_wait3A_114 = arith.constant 0 : i32
    %dma_wait3A_115 = arith.constant 0 : i32
    %dma_wait3A_116 = tpu.memref_slice %arg3[%dma_wait3A_114, %dma_wait3A_115] : memref<1000000x32xf32, #tpu.memory_space<hbm>> -> memref<1000000x32xf32, #tpu.memory_space<hbm>>
    tpu.wait_indirect_dma semaphore(%arg9 : memref<!tpu.dma_semaphore, #tpu.memory_space<semaphore_mem>>) src(%dma_wait3A_116 : memref<1000000x32xf32, #tpu.memory_space<hbm>>) dst(%dma_wait3A_110 : memref<1024x32xf32, #tpu.memory_space<vmem>>)
    %add3A_117 = arith.constant 2048 : i32
    %add3A_118 = arith.addi %mul3A_2, %add3A_117 : i32
    %run_scoped3A_119 = arith.constant 2 : i32
    "tpu.region"() ({
      %run_scoped3A_300 = tpu.sem_alloc : memref<!tpu.dma_semaphore, #tpu.memory_space<semaphore_mem>>
      %dma_start3A_301 = arith.constant 0 : i32
      %dma_start3A_302 = arith.constant 0 : i32
      %dma_start3A_303 = tpu.memref_slice %arg6[%run_scoped3A_119, %dma_start3A_301, %dma_start3A_302] : memref<3x1024x32xf32, #tpu.memory_space<vmem>> -> memref<1x1024x32xf32, #tpu.memory_space<vmem>>
      %dma_start3A_304 = tpu.memref_squeeze %dma_start3A_303 : memref<1x1024x32xf32, #tpu.memory_space<vmem>> -> memref<1024x32xf32, #tpu.memory_space<vmem>>
      %dma_start3A_305 = arith.constant 0 : i32
      %dma_start3A_306 = tpu.memref_slice %arg4[%add3A_118, %dma_start3A_305] : memref<327680x32xf32, #tpu.memory_space<hbm>> -> memref<1024x32xf32, #tpu.memory_space<hbm>>
      %dma_start3A_307 = arith.constant 0 : i32
      %dma_start3A_308 = tpu.memref_slice %arg4[%add3A_118, %dma_start3A_307] : memref<327680x32xf32, #tpu.memory_space<hbm>> -> memref<1024x32xf32, #tpu.memory_space<hbm>>
      %dma_start3A_309 = arith.constant 0 : i32
      %dma_start3A_310 = arith.constant 0 : i32
      %dma_start3A_311 = tpu.memref_slice %arg6[%run_scoped3A_119, %dma_start3A_309, %dma_start3A_310] : memref<3x1024x32xf32, #tpu.memory_space<vmem>> -> memref<1x1024x32xf32, #tpu.memory_space<vmem>>
      %dma_start3A_312 = tpu.memref_squeeze %dma_start3A_311 : memref<1x1024x32xf32, #tpu.memory_space<vmem>> -> memref<1024x32xf32, #tpu.memory_space<vmem>>
      tpu.enqueue_dma source(%dma_start3A_312 : memref<1024x32xf32, #tpu.memory_space<vmem>>) target(%dma_start3A_308 : memref<1024x32xf32, #tpu.memory_space<hbm>>) target_semaphore(%run_scoped3A_300 : memref<!tpu.dma_semaphore, #tpu.memory_space<semaphore_mem>>)
      %dma_wait3A_313 = arith.constant 0 : i32
      %dma_wait3A_314 = arith.constant 0 : i32
      %dma_wait3A_315 = tpu.memref_slice %arg6[%run_scoped3A_119, %dma_wait3A_313, %dma_wait3A_314] : memref<3x1024x32xf32, #tpu.memory_space<vmem>> -> memref<1x1024x32xf32, #tpu.memory_space<vmem>>
      %dma_wait3A_316 = tpu.memref_squeeze %dma_wait3A_315 : memref<1x1024x32xf32, #tpu.memory_space<vmem>> -> memref<1024x32xf32, #tpu.memory_space<vmem>>
      %dma_wait3A_317 = arith.constant 0 : i32
      %dma_wait3A_318 = tpu.memref_slice %arg4[%add3A_118, %dma_wait3A_317] : memref<327680x32xf32, #tpu.memory_space<hbm>> -> memref<1024x32xf32, #tpu.memory_space<hbm>>
      %dma_wait3A_319 = arith.constant 0 : i32
      %dma_wait3A_320 = tpu.memref_slice %arg4[%add3A_118, %dma_wait3A_319] : memref<327680x32xf32, #tpu.memory_space<hbm>> -> memref<1024x32xf32, #tpu.memory_space<hbm>>
      %dma_wait3A_321 = arith.constant 0 : i32
      %dma_wait3A_322 = arith.constant 0 : i32
      %dma_wait3A_323 = tpu.memref_slice %arg6[%run_scoped3A_119, %dma_wait3A_321, %dma_wait3A_322] : memref<3x1024x32xf32, #tpu.memory_space<vmem>> -> memref<1x1024x32xf32, #tpu.memory_space<vmem>>
      %dma_wait3A_324 = tpu.memref_squeeze %dma_wait3A_323 : memref<1x1024x32xf32, #tpu.memory_space<vmem>> -> memref<1024x32xf32, #tpu.memory_space<vmem>>
      tpu.wait_dma2 semaphore(%run_scoped3A_300 : memref<!tpu.dma_semaphore, #tpu.memory_space<semaphore_mem>>) src(%dma_wait3A_324 : memref<1024x32xf32, #tpu.memory_space<vmem>>) dst(%dma_wait3A_320 : memref<1024x32xf32, #tpu.memory_space<hbm>>)
      tpu.yield
    }) : () -> ()
    %add3A_120 = arith.constant 5120 : i32
    %add3A_121 = arith.addi %mul3A_2, %add3A_120 : i32
    %run_scoped3A_122 = arith.constant 2 : i32
    "tpu.region"() ({
      %run_scoped3A_300 = tpu.sem_alloc : memref<!tpu.dma_semaphore, #tpu.memory_space<semaphore_mem>>
      %dma_start3A_301 = arith.constant 0 : i32
      %dma_start3A_302 = tpu.memref_slice %arg5[%run_scoped3A_122, %dma_start3A_301] : memref<3x1024xi32, #tpu.memory_space<vmem>> -> memref<1x1024xi32, #tpu.memory_space<vmem>>
      %dma_start3A_303 = tpu.memref_squeeze %dma_start3A_302 : memref<1x1024xi32, #tpu.memory_space<vmem>> -> memref<1024xi32, #tpu.memory_space<vmem>>
      %dma_start3A_304 = tpu.memref_slice %arg2[%add3A_121] : memref<327680xi32, #tpu.memory_space<hbm>> -> memref<1024xi32, #tpu.memory_space<hbm>>
      %dma_start3A_305 = arith.constant 0 : i32
      %dma_start3A_306 = tpu.memref_slice %arg5[%run_scoped3A_122, %dma_start3A_305] : memref<3x1024xi32, #tpu.memory_space<vmem>> -> memref<1x1024xi32, #tpu.memory_space<vmem>>
      %dma_start3A_307 = tpu.memref_squeeze %dma_start3A_306 : memref<1x1024xi32, #tpu.memory_space<vmem>> -> memref<1024xi32, #tpu.memory_space<vmem>>
      %dma_start3A_308 = tpu.memref_slice %arg2[%add3A_121] : memref<327680xi32, #tpu.memory_space<hbm>> -> memref<1024xi32, #tpu.memory_space<hbm>>
      tpu.enqueue_dma source(%dma_start3A_308 : memref<1024xi32, #tpu.memory_space<hbm>>) target(%dma_start3A_307 : memref<1024xi32, #tpu.memory_space<vmem>>) target_semaphore(%run_scoped3A_300 : memref<!tpu.dma_semaphore, #tpu.memory_space<semaphore_mem>>)
      %dma_wait3A_309 = arith.constant 0 : i32
      %dma_wait3A_310 = tpu.memref_slice %arg5[%run_scoped3A_122, %dma_wait3A_309] : memref<3x1024xi32, #tpu.memory_space<vmem>> -> memref<1x1024xi32, #tpu.memory_space<vmem>>
      %dma_wait3A_311 = tpu.memref_squeeze %dma_wait3A_310 : memref<1x1024xi32, #tpu.memory_space<vmem>> -> memref<1024xi32, #tpu.memory_space<vmem>>
      %dma_wait3A_312 = tpu.memref_slice %arg2[%add3A_121] : memref<327680xi32, #tpu.memory_space<hbm>> -> memref<1024xi32, #tpu.memory_space<hbm>>
      %dma_wait3A_313 = arith.constant 0 : i32
      %dma_wait3A_314 = tpu.memref_slice %arg5[%run_scoped3A_122, %dma_wait3A_313] : memref<3x1024xi32, #tpu.memory_space<vmem>> -> memref<1x1024xi32, #tpu.memory_space<vmem>>
      %dma_wait3A_315 = tpu.memref_squeeze %dma_wait3A_314 : memref<1x1024xi32, #tpu.memory_space<vmem>> -> memref<1024xi32, #tpu.memory_space<vmem>>
      %dma_wait3A_316 = tpu.memref_slice %arg2[%add3A_121] : memref<327680xi32, #tpu.memory_space<hbm>> -> memref<1024xi32, #tpu.memory_space<hbm>>
      tpu.wait_dma2 semaphore(%run_scoped3A_300 : memref<!tpu.dma_semaphore, #tpu.memory_space<semaphore_mem>>) src(%dma_wait3A_316 : memref<1024xi32, #tpu.memory_space<hbm>>) dst(%dma_wait3A_315 : memref<1024xi32, #tpu.memory_space<vmem>>)
      tpu.yield
    }) : () -> ()
    %dma_start3A_123 = arith.constant 2 : i32
    %dma_start3A_124 = arith.constant 2 : i32
    %dma_start3A_125 = arith.constant 0 : i32
    %dma_start3A_126 = arith.constant 0 : i32
    %dma_start3A_127 = tpu.memref_slice %arg6[%dma_start3A_124, %dma_start3A_125, %dma_start3A_126] : memref<3x1024x32xf32, #tpu.memory_space<vmem>> -> memref<1x1024x32xf32, #tpu.memory_space<vmem>>
    %dma_start3A_128 = tpu.memref_squeeze %dma_start3A_127 : memref<1x1024x32xf32, #tpu.memory_space<vmem>> -> memref<1024x32xf32, #tpu.memory_space<vmem>>
    %dma_start3A_129 = arith.constant 0 : i32
    %dma_start3A_130 = tpu.memref_slice %arg5[%dma_start3A_123, %dma_start3A_129] : memref<3x1024xi32, #tpu.memory_space<vmem>> -> memref<1x1024xi32, #tpu.memory_space<vmem>>
    %dma_start3A_131 = tpu.memref_squeeze %dma_start3A_130 : memref<1x1024xi32, #tpu.memory_space<vmem>> -> memref<1024xi32, #tpu.memory_space<vmem>>
    %dma_start3A_132 = arith.constant 0 : i32
    %dma_start3A_133 = arith.constant 0 : i32
    %dma_start3A_134 = tpu.memref_slice %arg3[%dma_start3A_132, %dma_start3A_133] : memref<1000000x32xf32, #tpu.memory_space<hbm>> -> memref<1000000x32xf32, #tpu.memory_space<hbm>>
    tpu.enqueue_indirect_dma source(%dma_start3A_134 : memref<1000000x32xf32, #tpu.memory_space<hbm>>) target(%dma_start3A_128 : memref<1024x32xf32, #tpu.memory_space<vmem>>) offsets(%dma_start3A_131 : memref<1024xi32, #tpu.memory_space<vmem>>) semaphore(%arg9 : memref<!tpu.dma_semaphore, #tpu.memory_space<semaphore_mem>>)
    %dma_wait3A_135 = arith.constant 0 : i32
    %dma_wait3A_136 = arith.constant 0 : i32
    %dma_wait3A_137 = arith.constant 0 : i32
    %dma_wait3A_138 = arith.constant 0 : i32
    %dma_wait3A_139 = tpu.memref_slice %arg6[%dma_wait3A_136, %dma_wait3A_137, %dma_wait3A_138] : memref<3x1024x32xf32, #tpu.memory_space<vmem>> -> memref<1x1024x32xf32, #tpu.memory_space<vmem>>
    %dma_wait3A_140 = tpu.memref_squeeze %dma_wait3A_139 : memref<1x1024x32xf32, #tpu.memory_space<vmem>> -> memref<1024x32xf32, #tpu.memory_space<vmem>>
    %dma_wait3A_141 = arith.constant 0 : i32
    %dma_wait3A_142 = tpu.memref_slice %arg5[%dma_wait3A_135, %dma_wait3A_141] : memref<3x1024xi32, #tpu.memory_space<vmem>> -> memref<1x1024xi32, #tpu.memory_space<vmem>>
    %dma_wait3A_143 = tpu.memref_squeeze %dma_wait3A_142 : memref<1x1024xi32, #tpu.memory_space<vmem>> -> memref<1024xi32, #tpu.memory_space<vmem>>
    %dma_wait3A_144 = arith.constant 0 : i32
    %dma_wait3A_145 = arith.constant 0 : i32
    %dma_wait3A_146 = tpu.memref_slice %arg3[%dma_wait3A_144, %dma_wait3A_145] : memref<1000000x32xf32, #tpu.memory_space<hbm>> -> memref<1000000x32xf32, #tpu.memory_space<hbm>>
    tpu.wait_indirect_dma semaphore(%arg7 : memref<!tpu.dma_semaphore, #tpu.memory_space<semaphore_mem>>) src(%dma_wait3A_146 : memref<1000000x32xf32, #tpu.memory_space<hbm>>) dst(%dma_wait3A_140 : memref<1024x32xf32, #tpu.memory_space<vmem>>)
    %add3A_147 = arith.constant 3072 : i32
    %add3A_148 = arith.addi %mul3A_2, %add3A_147 : i32
    %run_scoped3A_149 = arith.constant 0 : i32
    "tpu.region"() ({
      %run_scoped3A_300 = tpu.sem_alloc : memref<!tpu.dma_semaphore, #tpu.memory_space<semaphore_mem>>
      %dma_start3A_301 = arith.constant 0 : i32
      %dma_start3A_302 = arith.constant 0 : i32
      %dma_start3A_303 = tpu.memref_slice %arg6[%run_scoped3A_149, %dma_start3A_301, %dma_start3A_302] : memref<3x1024x32xf32, #tpu.memory_space<vmem>> -> memref<1x1024x32xf32, #tpu.memory_space<vmem>>
      %dma_start3A_304 = tpu.memref_squeeze %dma_start3A_303 : memref<1x1024x32xf32, #tpu.memory_space<vmem>> -> memref<1024x32xf32, #tpu.memory_space<vmem>>
      %dma_start3A_305 = arith.constant 0 : i32
      %dma_start3A_306 = tpu.memref_slice %arg4[%add3A_148, %dma_start3A_305] : memref<327680x32xf32, #tpu.memory_space<hbm>> -> memref<1024x32xf32, #tpu.memory_space<hbm>>
      %dma_start3A_307 = arith.constant 0 : i32
      %dma_start3A_308 = tpu.memref_slice %arg4[%add3A_148, %dma_start3A_307] : memref<327680x32xf32, #tpu.memory_space<hbm>> -> memref<1024x32xf32, #tpu.memory_space<hbm>>
      %dma_start3A_309 = arith.constant 0 : i32
      %dma_start3A_310 = arith.constant 0 : i32
      %dma_start3A_311 = tpu.memref_slice %arg6[%run_scoped3A_149, %dma_start3A_309, %dma_start3A_310] : memref<3x1024x32xf32, #tpu.memory_space<vmem>> -> memref<1x1024x32xf32, #tpu.memory_space<vmem>>
      %dma_start3A_312 = tpu.memref_squeeze %dma_start3A_311 : memref<1x1024x32xf32, #tpu.memory_space<vmem>> -> memref<1024x32xf32, #tpu.memory_space<vmem>>
      tpu.enqueue_dma source(%dma_start3A_312 : memref<1024x32xf32, #tpu.memory_space<vmem>>) target(%dma_start3A_308 : memref<1024x32xf32, #tpu.memory_space<hbm>>) target_semaphore(%run_scoped3A_300 : memref<!tpu.dma_semaphore, #tpu.memory_space<semaphore_mem>>)
      %dma_wait3A_313 = arith.constant 0 : i32
      %dma_wait3A_314 = arith.constant 0 : i32
      %dma_wait3A_315 = tpu.memref_slice %arg6[%run_scoped3A_149, %dma_wait3A_313, %dma_wait3A_314] : memref<3x1024x32xf32, #tpu.memory_space<vmem>> -> memref<1x1024x32xf32, #tpu.memory_space<vmem>>
      %dma_wait3A_316 = tpu.memref_squeeze %dma_wait3A_315 : memref<1x1024x32xf32, #tpu.memory_space<vmem>> -> memref<1024x32xf32, #tpu.memory_space<vmem>>
      %dma_wait3A_317 = arith.constant 0 : i32
      %dma_wait3A_318 = tpu.memref_slice %arg4[%add3A_148, %dma_wait3A_317] : memref<327680x32xf32, #tpu.memory_space<hbm>> -> memref<1024x32xf32, #tpu.memory_space<hbm>>
      %dma_wait3A_319 = arith.constant 0 : i32
      %dma_wait3A_320 = tpu.memref_slice %arg4[%add3A_148, %dma_wait3A_319] : memref<327680x32xf32, #tpu.memory_space<hbm>> -> memref<1024x32xf32, #tpu.memory_space<hbm>>
      %dma_wait3A_321 = arith.constant 0 : i32
      %dma_wait3A_322 = arith.constant 0 : i32
      %dma_wait3A_323 = tpu.memref_slice %arg6[%run_scoped3A_149, %dma_wait3A_321, %dma_wait3A_322] : memref<3x1024x32xf32, #tpu.memory_space<vmem>> -> memref<1x1024x32xf32, #tpu.memory_space<vmem>>
      %dma_wait3A_324 = tpu.memref_squeeze %dma_wait3A_323 : memref<1x1024x32xf32, #tpu.memory_space<vmem>> -> memref<1024x32xf32, #tpu.memory_space<vmem>>
      tpu.wait_dma2 semaphore(%run_scoped3A_300 : memref<!tpu.dma_semaphore, #tpu.memory_space<semaphore_mem>>) src(%dma_wait3A_324 : memref<1024x32xf32, #tpu.memory_space<vmem>>) dst(%dma_wait3A_320 : memref<1024x32xf32, #tpu.memory_space<hbm>>)
      tpu.yield
    }) : () -> ()
    %add3A_150 = arith.constant 6144 : i32
    %add3A_151 = arith.addi %mul3A_2, %add3A_150 : i32
    %run_scoped3A_152 = arith.constant 0 : i32
    "tpu.region"() ({
      %run_scoped3A_300 = tpu.sem_alloc : memref<!tpu.dma_semaphore, #tpu.memory_space<semaphore_mem>>
      %dma_start3A_301 = arith.constant 0 : i32
      %dma_start3A_302 = tpu.memref_slice %arg5[%run_scoped3A_152, %dma_start3A_301] : memref<3x1024xi32, #tpu.memory_space<vmem>> -> memref<1x1024xi32, #tpu.memory_space<vmem>>
      %dma_start3A_303 = tpu.memref_squeeze %dma_start3A_302 : memref<1x1024xi32, #tpu.memory_space<vmem>> -> memref<1024xi32, #tpu.memory_space<vmem>>
      %dma_start3A_304 = tpu.memref_slice %arg2[%add3A_151] : memref<327680xi32, #tpu.memory_space<hbm>> -> memref<1024xi32, #tpu.memory_space<hbm>>
      %dma_start3A_305 = arith.constant 0 : i32
      %dma_start3A_306 = tpu.memref_slice %arg5[%run_scoped3A_152, %dma_start3A_305] : memref<3x1024xi32, #tpu.memory_space<vmem>> -> memref<1x1024xi32, #tpu.memory_space<vmem>>
      %dma_start3A_307 = tpu.memref_squeeze %dma_start3A_306 : memref<1x1024xi32, #tpu.memory_space<vmem>> -> memref<1024xi32, #tpu.memory_space<vmem>>
      %dma_start3A_308 = tpu.memref_slice %arg2[%add3A_151] : memref<327680xi32, #tpu.memory_space<hbm>> -> memref<1024xi32, #tpu.memory_space<hbm>>
      tpu.enqueue_dma source(%dma_start3A_308 : memref<1024xi32, #tpu.memory_space<hbm>>) target(%dma_start3A_307 : memref<1024xi32, #tpu.memory_space<vmem>>) target_semaphore(%run_scoped3A_300 : memref<!tpu.dma_semaphore, #tpu.memory_space<semaphore_mem>>)
      %dma_wait3A_309 = arith.constant 0 : i32
      %dma_wait3A_310 = tpu.memref_slice %arg5[%run_scoped3A_152, %dma_wait3A_309] : memref<3x1024xi32, #tpu.memory_space<vmem>> -> memref<1x1024xi32, #tpu.memory_space<vmem>>
      %dma_wait3A_311 = tpu.memref_squeeze %dma_wait3A_310 : memref<1x1024xi32, #tpu.memory_space<vmem>> -> memref<1024xi32, #tpu.memory_space<vmem>>
      %dma_wait3A_312 = tpu.memref_slice %arg2[%add3A_151] : memref<327680xi32, #tpu.memory_space<hbm>> -> memref<1024xi32, #tpu.memory_space<hbm>>
      %dma_wait3A_313 = arith.constant 0 : i32
      %dma_wait3A_314 = tpu.memref_slice %arg5[%run_scoped3A_152, %dma_wait3A_313] : memref<3x1024xi32, #tpu.memory_space<vmem>> -> memref<1x1024xi32, #tpu.memory_space<vmem>>
      %dma_wait3A_315 = tpu.memref_squeeze %dma_wait3A_314 : memref<1x1024xi32, #tpu.memory_space<vmem>> -> memref<1024xi32, #tpu.memory_space<vmem>>
      %dma_wait3A_316 = tpu.memref_slice %arg2[%add3A_151] : memref<327680xi32, #tpu.memory_space<hbm>> -> memref<1024xi32, #tpu.memory_space<hbm>>
      tpu.wait_dma2 semaphore(%run_scoped3A_300 : memref<!tpu.dma_semaphore, #tpu.memory_space<semaphore_mem>>) src(%dma_wait3A_316 : memref<1024xi32, #tpu.memory_space<hbm>>) dst(%dma_wait3A_315 : memref<1024xi32, #tpu.memory_space<vmem>>)
      tpu.yield
    }) : () -> ()
    %dma_start3A_153 = arith.constant 0 : i32
    %dma_start3A_154 = arith.constant 0 : i32
    %dma_start3A_155 = arith.constant 0 : i32
    %dma_start3A_156 = arith.constant 0 : i32
    %dma_start3A_157 = tpu.memref_slice %arg6[%dma_start3A_154, %dma_start3A_155, %dma_start3A_156] : memref<3x1024x32xf32, #tpu.memory_space<vmem>> -> memref<1x1024x32xf32, #tpu.memory_space<vmem>>
    %dma_start3A_158 = tpu.memref_squeeze %dma_start3A_157 : memref<1x1024x32xf32, #tpu.memory_space<vmem>> -> memref<1024x32xf32, #tpu.memory_space<vmem>>
    %dma_start3A_159 = arith.constant 0 : i32
    %dma_start3A_160 = tpu.memref_slice %arg5[%dma_start3A_153, %dma_start3A_159] : memref<3x1024xi32, #tpu.memory_space<vmem>> -> memref<1x1024xi32, #tpu.memory_space<vmem>>
    %dma_start3A_161 = tpu.memref_squeeze %dma_start3A_160 : memref<1x1024xi32, #tpu.memory_space<vmem>> -> memref<1024xi32, #tpu.memory_space<vmem>>
    %dma_start3A_162 = arith.constant 0 : i32
    %dma_start3A_163 = arith.constant 0 : i32
    %dma_start3A_164 = tpu.memref_slice %arg3[%dma_start3A_162, %dma_start3A_163] : memref<1000000x32xf32, #tpu.memory_space<hbm>> -> memref<1000000x32xf32, #tpu.memory_space<hbm>>
    tpu.enqueue_indirect_dma source(%dma_start3A_164 : memref<1000000x32xf32, #tpu.memory_space<hbm>>) target(%dma_start3A_158 : memref<1024x32xf32, #tpu.memory_space<vmem>>) offsets(%dma_start3A_161 : memref<1024xi32, #tpu.memory_space<vmem>>) semaphore(%arg7 : memref<!tpu.dma_semaphore, #tpu.memory_space<semaphore_mem>>)
    %dma_wait3A_165 = arith.constant 1 : i32
    %dma_wait3A_166 = arith.constant 1 : i32
    %dma_wait3A_167 = arith.constant 0 : i32
    %dma_wait3A_168 = arith.constant 0 : i32
    %dma_wait3A_169 = tpu.memref_slice %arg6[%dma_wait3A_166, %dma_wait3A_167, %dma_wait3A_168] : memref<3x1024x32xf32, #tpu.memory_space<vmem>> -> memref<1x1024x32xf32, #tpu.memory_space<vmem>>
    %dma_wait3A_170 = tpu.memref_squeeze %dma_wait3A_169 : memref<1x1024x32xf32, #tpu.memory_space<vmem>> -> memref<1024x32xf32, #tpu.memory_space<vmem>>
    %dma_wait3A_171 = arith.constant 0 : i32
    %dma_wait3A_172 = tpu.memref_slice %arg5[%dma_wait3A_165, %dma_wait3A_171] : memref<3x1024xi32, #tpu.memory_space<vmem>> -> memref<1x1024xi32, #tpu.memory_space<vmem>>
    %dma_wait3A_173 = tpu.memref_squeeze %dma_wait3A_172 : memref<1x1024xi32, #tpu.memory_space<vmem>> -> memref<1024xi32, #tpu.memory_space<vmem>>
    %dma_wait3A_174 = arith.constant 0 : i32
    %dma_wait3A_175 = arith.constant 0 : i32
    %dma_wait3A_176 = tpu.memref_slice %arg3[%dma_wait3A_174, %dma_wait3A_175] : memref<1000000x32xf32, #tpu.memory_space<hbm>> -> memref<1000000x32xf32, #tpu.memory_space<hbm>>
    tpu.wait_indirect_dma semaphore(%arg8 : memref<!tpu.dma_semaphore, #tpu.memory_space<semaphore_mem>>) src(%dma_wait3A_176 : memref<1000000x32xf32, #tpu.memory_space<hbm>>) dst(%dma_wait3A_170 : memref<1024x32xf32, #tpu.memory_space<vmem>>)
    %add3A_177 = arith.constant 4096 : i32
    %add3A_178 = arith.addi %mul3A_2, %add3A_177 : i32
    %run_scoped3A_179 = arith.constant 1 : i32
    "tpu.region"() ({
      %run_scoped3A_300 = tpu.sem_alloc : memref<!tpu.dma_semaphore, #tpu.memory_space<semaphore_mem>>
      %dma_start3A_301 = arith.constant 0 : i32
      %dma_start3A_302 = arith.constant 0 : i32
      %dma_start3A_303 = tpu.memref_slice %arg6[%run_scoped3A_179, %dma_start3A_301, %dma_start3A_302] : memref<3x1024x32xf32, #tpu.memory_space<vmem>> -> memref<1x1024x32xf32, #tpu.memory_space<vmem>>
      %dma_start3A_304 = tpu.memref_squeeze %dma_start3A_303 : memref<1x1024x32xf32, #tpu.memory_space<vmem>> -> memref<1024x32xf32, #tpu.memory_space<vmem>>
      %dma_start3A_305 = arith.constant 0 : i32
      %dma_start3A_306 = tpu.memref_slice %arg4[%add3A_178, %dma_start3A_305] : memref<327680x32xf32, #tpu.memory_space<hbm>> -> memref<1024x32xf32, #tpu.memory_space<hbm>>
      %dma_start3A_307 = arith.constant 0 : i32
      %dma_start3A_308 = tpu.memref_slice %arg4[%add3A_178, %dma_start3A_307] : memref<327680x32xf32, #tpu.memory_space<hbm>> -> memref<1024x32xf32, #tpu.memory_space<hbm>>
      %dma_start3A_309 = arith.constant 0 : i32
      %dma_start3A_310 = arith.constant 0 : i32
      %dma_start3A_311 = tpu.memref_slice %arg6[%run_scoped3A_179, %dma_start3A_309, %dma_start3A_310] : memref<3x1024x32xf32, #tpu.memory_space<vmem>> -> memref<1x1024x32xf32, #tpu.memory_space<vmem>>
      %dma_start3A_312 = tpu.memref_squeeze %dma_start3A_311 : memref<1x1024x32xf32, #tpu.memory_space<vmem>> -> memref<1024x32xf32, #tpu.memory_space<vmem>>
      tpu.enqueue_dma source(%dma_start3A_312 : memref<1024x32xf32, #tpu.memory_space<vmem>>) target(%dma_start3A_308 : memref<1024x32xf32, #tpu.memory_space<hbm>>) target_semaphore(%run_scoped3A_300 : memref<!tpu.dma_semaphore, #tpu.memory_space<semaphore_mem>>)
      %dma_wait3A_313 = arith.constant 0 : i32
      %dma_wait3A_314 = arith.constant 0 : i32
      %dma_wait3A_315 = tpu.memref_slice %arg6[%run_scoped3A_179, %dma_wait3A_313, %dma_wait3A_314] : memref<3x1024x32xf32, #tpu.memory_space<vmem>> -> memref<1x1024x32xf32, #tpu.memory_space<vmem>>
      %dma_wait3A_316 = tpu.memref_squeeze %dma_wait3A_315 : memref<1x1024x32xf32, #tpu.memory_space<vmem>> -> memref<1024x32xf32, #tpu.memory_space<vmem>>
      %dma_wait3A_317 = arith.constant 0 : i32
      %dma_wait3A_318 = tpu.memref_slice %arg4[%add3A_178, %dma_wait3A_317] : memref<327680x32xf32, #tpu.memory_space<hbm>> -> memref<1024x32xf32, #tpu.memory_space<hbm>>
      %dma_wait3A_319 = arith.constant 0 : i32
      %dma_wait3A_320 = tpu.memref_slice %arg4[%add3A_178, %dma_wait3A_319] : memref<327680x32xf32, #tpu.memory_space<hbm>> -> memref<1024x32xf32, #tpu.memory_space<hbm>>
      %dma_wait3A_321 = arith.constant 0 : i32
      %dma_wait3A_322 = arith.constant 0 : i32
      %dma_wait3A_323 = tpu.memref_slice %arg6[%run_scoped3A_179, %dma_wait3A_321, %dma_wait3A_322] : memref<3x1024x32xf32, #tpu.memory_space<vmem>> -> memref<1x1024x32xf32, #tpu.memory_space<vmem>>
      %dma_wait3A_324 = tpu.memref_squeeze %dma_wait3A_323 : memref<1x1024x32xf32, #tpu.memory_space<vmem>> -> memref<1024x32xf32, #tpu.memory_space<vmem>>
      tpu.wait_dma2 semaphore(%run_scoped3A_300 : memref<!tpu.dma_semaphore, #tpu.memory_space<semaphore_mem>>) src(%dma_wait3A_324 : memref<1024x32xf32, #tpu.memory_space<vmem>>) dst(%dma_wait3A_320 : memref<1024x32xf32, #tpu.memory_space<hbm>>)
      tpu.yield
    }) : () -> ()
    %add3A_180 = arith.constant 7168 : i32
    %add3A_181 = arith.addi %mul3A_2, %add3A_180 : i32
    %run_scoped3A_182 = arith.constant 1 : i32
    "tpu.region"() ({
      %run_scoped3A_300 = tpu.sem_alloc : memref<!tpu.dma_semaphore, #tpu.memory_space<semaphore_mem>>
      %dma_start3A_301 = arith.constant 0 : i32
      %dma_start3A_302 = tpu.memref_slice %arg5[%run_scoped3A_182, %dma_start3A_301] : memref<3x1024xi32, #tpu.memory_space<vmem>> -> memref<1x1024xi32, #tpu.memory_space<vmem>>
      %dma_start3A_303 = tpu.memref_squeeze %dma_start3A_302 : memref<1x1024xi32, #tpu.memory_space<vmem>> -> memref<1024xi32, #tpu.memory_space<vmem>>
      %dma_start3A_304 = tpu.memref_slice %arg2[%add3A_181] : memref<327680xi32, #tpu.memory_space<hbm>> -> memref<1024xi32, #tpu.memory_space<hbm>>
      %dma_start3A_305 = arith.constant 0 : i32
      %dma_start3A_306 = tpu.memref_slice %arg5[%run_scoped3A_182, %dma_start3A_305] : memref<3x1024xi32, #tpu.memory_space<vmem>> -> memref<1x1024xi32, #tpu.memory_space<vmem>>
      %dma_start3A_307 = tpu.memref_squeeze %dma_start3A_306 : memref<1x1024xi32, #tpu.memory_space<vmem>> -> memref<1024xi32, #tpu.memory_space<vmem>>
      %dma_start3A_308 = tpu.memref_slice %arg2[%add3A_181] : memref<327680xi32, #tpu.memory_space<hbm>> -> memref<1024xi32, #tpu.memory_space<hbm>>
      tpu.enqueue_dma source(%dma_start3A_308 : memref<1024xi32, #tpu.memory_space<hbm>>) target(%dma_start3A_307 : memref<1024xi32, #tpu.memory_space<vmem>>) target_semaphore(%run_scoped3A_300 : memref<!tpu.dma_semaphore, #tpu.memory_space<semaphore_mem>>)
      %dma_wait3A_309 = arith.constant 0 : i32
      %dma_wait3A_310 = tpu.memref_slice %arg5[%run_scoped3A_182, %dma_wait3A_309] : memref<3x1024xi32, #tpu.memory_space<vmem>> -> memref<1x1024xi32, #tpu.memory_space<vmem>>
      %dma_wait3A_311 = tpu.memref_squeeze %dma_wait3A_310 : memref<1x1024xi32, #tpu.memory_space<vmem>> -> memref<1024xi32, #tpu.memory_space<vmem>>
      %dma_wait3A_312 = tpu.memref_slice %arg2[%add3A_181] : memref<327680xi32, #tpu.memory_space<hbm>> -> memref<1024xi32, #tpu.memory_space<hbm>>
      %dma_wait3A_313 = arith.constant 0 : i32
      %dma_wait3A_314 = tpu.memref_slice %arg5[%run_scoped3A_182, %dma_wait3A_313] : memref<3x1024xi32, #tpu.memory_space<vmem>> -> memref<1x1024xi32, #tpu.memory_space<vmem>>
      %dma_wait3A_315 = tpu.memref_squeeze %dma_wait3A_314 : memref<1x1024xi32, #tpu.memory_space<vmem>> -> memref<1024xi32, #tpu.memory_space<vmem>>
      %dma_wait3A_316 = tpu.memref_slice %arg2[%add3A_181] : memref<327680xi32, #tpu.memory_space<hbm>> -> memref<1024xi32, #tpu.memory_space<hbm>>
      tpu.wait_dma2 semaphore(%run_scoped3A_300 : memref<!tpu.dma_semaphore, #tpu.memory_space<semaphore_mem>>) src(%dma_wait3A_316 : memref<1024xi32, #tpu.memory_space<hbm>>) dst(%dma_wait3A_315 : memref<1024xi32, #tpu.memory_space<vmem>>)
      tpu.yield
    }) : () -> ()
    %dma_start3A_183 = arith.constant 1 : i32
    %dma_start3A_184 = arith.constant 1 : i32
    %dma_start3A_185 = arith.constant 0 : i32
    %dma_start3A_186 = arith.constant 0 : i32
    %dma_start3A_187 = tpu.memref_slice %arg6[%dma_start3A_184, %dma_start3A_185, %dma_start3A_186] : memref<3x1024x32xf32, #tpu.memory_space<vmem>> -> memref<1x1024x32xf32, #tpu.memory_space<vmem>>
    %dma_start3A_188 = tpu.memref_squeeze %dma_start3A_187 : memref<1x1024x32xf32, #tpu.memory_space<vmem>> -> memref<1024x32xf32, #tpu.memory_space<vmem>>
    %dma_start3A_189 = arith.constant 0 : i32
    %dma_start3A_190 = tpu.memref_slice %arg5[%dma_start3A_183, %dma_start3A_189] : memref<3x1024xi32, #tpu.memory_space<vmem>> -> memref<1x1024xi32, #tpu.memory_space<vmem>>
    %dma_start3A_191 = tpu.memref_squeeze %dma_start3A_190 : memref<1x1024xi32, #tpu.memory_space<vmem>> -> memref<1024xi32, #tpu.memory_space<vmem>>
    %dma_start3A_192 = arith.constant 0 : i32
    %dma_start3A_193 = arith.constant 0 : i32
    %dma_start3A_194 = tpu.memref_slice %arg3[%dma_start3A_192, %dma_start3A_193] : memref<1000000x32xf32, #tpu.memory_space<hbm>> -> memref<1000000x32xf32, #tpu.memory_space<hbm>>
    tpu.enqueue_indirect_dma source(%dma_start3A_194 : memref<1000000x32xf32, #tpu.memory_space<hbm>>) target(%dma_start3A_188 : memref<1024x32xf32, #tpu.memory_space<vmem>>) offsets(%dma_start3A_191 : memref<1024xi32, #tpu.memory_space<vmem>>) semaphore(%arg8 : memref<!tpu.dma_semaphore, #tpu.memory_space<semaphore_mem>>)
    %dma_wait3A_195 = arith.constant 2 : i32
    %dma_wait3A_196 = arith.constant 2 : i32
    %dma_wait3A_197 = arith.constant 0 : i32
    %dma_wait3A_198 = arith.constant 0 : i32
    %dma_wait3A_199 = tpu.memref_slice %arg6[%dma_wait3A_196, %dma_wait3A_197, %dma_wait3A_198] : memref<3x1024x32xf32, #tpu.memory_space<vmem>> -> memref<1x1024x32xf32, #tpu.memory_space<vmem>>
    %dma_wait3A_200 = tpu.memref_squeeze %dma_wait3A_199 : memref<1x1024x32xf32, #tpu.memory_space<vmem>> -> memref<1024x32xf32, #tpu.memory_space<vmem>>
    %dma_wait3A_201 = arith.constant 0 : i32
    %dma_wait3A_202 = tpu.memref_slice %arg5[%dma_wait3A_195, %dma_wait3A_201] : memref<3x1024xi32, #tpu.memory_space<vmem>> -> memref<1x1024xi32, #tpu.memory_space<vmem>>
    %dma_wait3A_203 = tpu.memref_squeeze %dma_wait3A_202 : memref<1x1024xi32, #tpu.memory_space<vmem>> -> memref<1024xi32, #tpu.memory_space<vmem>>
    %dma_wait3A_204 = arith.constant 0 : i32
    %dma_wait3A_205 = arith.constant 0 : i32
    %dma_wait3A_206 = tpu.memref_slice %arg3[%dma_wait3A_204, %dma_wait3A_205] : memref<1000000x32xf32, #tpu.memory_space<hbm>> -> memref<1000000x32xf32, #tpu.memory_space<hbm>>
    tpu.wait_indirect_dma semaphore(%arg9 : memref<!tpu.dma_semaphore, #tpu.memory_space<semaphore_mem>>) src(%dma_wait3A_206 : memref<1000000x32xf32, #tpu.memory_space<hbm>>) dst(%dma_wait3A_200 : memref<1024x32xf32, #tpu.memory_space<vmem>>)
    %add3A_207 = arith.constant 5120 : i32
    %add3A_208 = arith.addi %mul3A_2, %add3A_207 : i32
    %run_scoped3A_209 = arith.constant 2 : i32
    "tpu.region"() ({
      %run_scoped3A_300 = tpu.sem_alloc : memref<!tpu.dma_semaphore, #tpu.memory_space<semaphore_mem>>
      %dma_start3A_301 = arith.constant 0 : i32
      %dma_start3A_302 = arith.constant 0 : i32
      %dma_start3A_303 = tpu.memref_slice %arg6[%run_scoped3A_209, %dma_start3A_301, %dma_start3A_302] : memref<3x1024x32xf32, #tpu.memory_space<vmem>> -> memref<1x1024x32xf32, #tpu.memory_space<vmem>>
      %dma_start3A_304 = tpu.memref_squeeze %dma_start3A_303 : memref<1x1024x32xf32, #tpu.memory_space<vmem>> -> memref<1024x32xf32, #tpu.memory_space<vmem>>
      %dma_start3A_305 = arith.constant 0 : i32
      %dma_start3A_306 = tpu.memref_slice %arg4[%add3A_208, %dma_start3A_305] : memref<327680x32xf32, #tpu.memory_space<hbm>> -> memref<1024x32xf32, #tpu.memory_space<hbm>>
      %dma_start3A_307 = arith.constant 0 : i32
      %dma_start3A_308 = tpu.memref_slice %arg4[%add3A_208, %dma_start3A_307] : memref<327680x32xf32, #tpu.memory_space<hbm>> -> memref<1024x32xf32, #tpu.memory_space<hbm>>
      %dma_start3A_309 = arith.constant 0 : i32
      %dma_start3A_310 = arith.constant 0 : i32
      %dma_start3A_311 = tpu.memref_slice %arg6[%run_scoped3A_209, %dma_start3A_309, %dma_start3A_310] : memref<3x1024x32xf32, #tpu.memory_space<vmem>> -> memref<1x1024x32xf32, #tpu.memory_space<vmem>>
      %dma_start3A_312 = tpu.memref_squeeze %dma_start3A_311 : memref<1x1024x32xf32, #tpu.memory_space<vmem>> -> memref<1024x32xf32, #tpu.memory_space<vmem>>
      tpu.enqueue_dma source(%dma_start3A_312 : memref<1024x32xf32, #tpu.memory_space<vmem>>) target(%dma_start3A_308 : memref<1024x32xf32, #tpu.memory_space<hbm>>) target_semaphore(%run_scoped3A_300 : memref<!tpu.dma_semaphore, #tpu.memory_space<semaphore_mem>>)
      %dma_wait3A_313 = arith.constant 0 : i32
      %dma_wait3A_314 = arith.constant 0 : i32
      %dma_wait3A_315 = tpu.memref_slice %arg6[%run_scoped3A_209, %dma_wait3A_313, %dma_wait3A_314] : memref<3x1024x32xf32, #tpu.memory_space<vmem>> -> memref<1x1024x32xf32, #tpu.memory_space<vmem>>
      %dma_wait3A_316 = tpu.memref_squeeze %dma_wait3A_315 : memref<1x1024x32xf32, #tpu.memory_space<vmem>> -> memref<1024x32xf32, #tpu.memory_space<vmem>>
      %dma_wait3A_317 = arith.constant 0 : i32
      %dma_wait3A_318 = tpu.memref_slice %arg4[%add3A_208, %dma_wait3A_317] : memref<327680x32xf32, #tpu.memory_space<hbm>> -> memref<1024x32xf32, #tpu.memory_space<hbm>>
      %dma_wait3A_319 = arith.constant 0 : i32
      %dma_wait3A_320 = tpu.memref_slice %arg4[%add3A_208, %dma_wait3A_319] : memref<327680x32xf32, #tpu.memory_space<hbm>> -> memref<1024x32xf32, #tpu.memory_space<hbm>>
      %dma_wait3A_321 = arith.constant 0 : i32
      %dma_wait3A_322 = arith.constant 0 : i32
      %dma_wait3A_323 = tpu.memref_slice %arg6[%run_scoped3A_209, %dma_wait3A_321, %dma_wait3A_322] : memref<3x1024x32xf32, #tpu.memory_space<vmem>> -> memref<1x1024x32xf32, #tpu.memory_space<vmem>>
      %dma_wait3A_324 = tpu.memref_squeeze %dma_wait3A_323 : memref<1x1024x32xf32, #tpu.memory_space<vmem>> -> memref<1024x32xf32, #tpu.memory_space<vmem>>
      tpu.wait_dma2 semaphore(%run_scoped3A_300 : memref<!tpu.dma_semaphore, #tpu.memory_space<semaphore_mem>>) src(%dma_wait3A_324 : memref<1024x32xf32, #tpu.memory_space<vmem>>) dst(%dma_wait3A_320 : memref<1024x32xf32, #tpu.memory_space<hbm>>)
      tpu.yield
    }) : () -> ()
    %add3A_210 = arith.constant 8192 : i32
    %add3A_211 = arith.addi %mul3A_2, %add3A_210 : i32
    %run_scoped3A_212 = arith.constant 2 : i32
    "tpu.region"() ({
      %run_scoped3A_300 = tpu.sem_alloc : memref<!tpu.dma_semaphore, #tpu.memory_space<semaphore_mem>>
      %dma_start3A_301 = arith.constant 0 : i32
      %dma_start3A_302 = tpu.memref_slice %arg5[%run_scoped3A_212, %dma_start3A_301] : memref<3x1024xi32, #tpu.memory_space<vmem>> -> memref<1x1024xi32, #tpu.memory_space<vmem>>
      %dma_start3A_303 = tpu.memref_squeeze %dma_start3A_302 : memref<1x1024xi32, #tpu.memory_space<vmem>> -> memref<1024xi32, #tpu.memory_space<vmem>>
      %dma_start3A_304 = tpu.memref_slice %arg2[%add3A_211] : memref<327680xi32, #tpu.memory_space<hbm>> -> memref<1024xi32, #tpu.memory_space<hbm>>
      %dma_start3A_305 = arith.constant 0 : i32
      %dma_start3A_306 = tpu.memref_slice %arg5[%run_scoped3A_212, %dma_start3A_305] : memref<3x1024xi32, #tpu.memory_space<vmem>> -> memref<1x1024xi32, #tpu.memory_space<vmem>>
      %dma_start3A_307 = tpu.memref_squeeze %dma_start3A_306 : memref<1x1024xi32, #tpu.memory_space<vmem>> -> memref<1024xi32, #tpu.memory_space<vmem>>
      %dma_start3A_308 = tpu.memref_slice %arg2[%add3A_211] : memref<327680xi32, #tpu.memory_space<hbm>> -> memref<1024xi32, #tpu.memory_space<hbm>>
      tpu.enqueue_dma source(%dma_start3A_308 : memref<1024xi32, #tpu.memory_space<hbm>>) target(%dma_start3A_307 : memref<1024xi32, #tpu.memory_space<vmem>>) target_semaphore(%run_scoped3A_300 : memref<!tpu.dma_semaphore, #tpu.memory_space<semaphore_mem>>)
      %dma_wait3A_309 = arith.constant 0 : i32
      %dma_wait3A_310 = tpu.memref_slice %arg5[%run_scoped3A_212, %dma_wait3A_309] : memref<3x1024xi32, #tpu.memory_space<vmem>> -> memref<1x1024xi32, #tpu.memory_space<vmem>>
      %dma_wait3A_311 = tpu.memref_squeeze %dma_wait3A_310 : memref<1x1024xi32, #tpu.memory_space<vmem>> -> memref<1024xi32, #tpu.memory_space<vmem>>
      %dma_wait3A_312 = tpu.memref_slice %arg2[%add3A_211] : memref<327680xi32, #tpu.memory_space<hbm>> -> memref<1024xi32, #tpu.memory_space<hbm>>
      %dma_wait3A_313 = arith.constant 0 : i32
      %dma_wait3A_314 = tpu.memref_slice %arg5[%run_scoped3A_212, %dma_wait3A_313] : memref<3x1024xi32, #tpu.memory_space<vmem>> -> memref<1x1024xi32, #tpu.memory_space<vmem>>
      %dma_wait3A_315 = tpu.memref_squeeze %dma_wait3A_314 : memref<1x1024xi32, #tpu.memory_space<vmem>> -> memref<1024xi32, #tpu.memory_space<vmem>>
      %dma_wait3A_316 = tpu.memref_slice %arg2[%add3A_211] : memref<327680xi32, #tpu.memory_space<hbm>> -> memref<1024xi32, #tpu.memory_space<hbm>>
      tpu.wait_dma2 semaphore(%run_scoped3A_300 : memref<!tpu.dma_semaphore, #tpu.memory_space<semaphore_mem>>) src(%dma_wait3A_316 : memref<1024xi32, #tpu.memory_space<hbm>>) dst(%dma_wait3A_315 : memref<1024xi32, #tpu.memory_space<vmem>>)
      tpu.yield
    }) : () -> ()
    %dma_start3A_213 = arith.constant 2 : i32
    %dma_start3A_214 = arith.constant 2 : i32
    %dma_start3A_215 = arith.constant 0 : i32
    %dma_start3A_216 = arith.constant 0 : i32
    %dma_start3A_217 = tpu.memref_slice %arg6[%dma_start3A_214, %dma_start3A_215, %dma_start3A_216] : memref<3x1024x32xf32, #tpu.memory_space<vmem>> -> memref<1x1024x32xf32, #tpu.memory_space<vmem>>
    %dma_start3A_218 = tpu.memref_squeeze %dma_start3A_217 : memref<1x1024x32xf32, #tpu.memory_space<vmem>> -> memref<1024x32xf32, #tpu.memory_space<vmem>>
    %dma_start3A_219 = arith.constant 0 : i32
    %dma_start3A_220 = tpu.memref_slice %arg5[%dma_start3A_213, %dma_start3A_219] : memref<3x1024xi32, #tpu.memory_space<vmem>> -> memref<1x1024xi32, #tpu.memory_space<vmem>>
    %dma_start3A_221 = tpu.memref_squeeze %dma_start3A_220 : memref<1x1024xi32, #tpu.memory_space<vmem>> -> memref<1024xi32, #tpu.memory_space<vmem>>
    %dma_start3A_222 = arith.constant 0 : i32
    %dma_start3A_223 = arith.constant 0 : i32
    %dma_start3A_224 = tpu.memref_slice %arg3[%dma_start3A_222, %dma_start3A_223] : memref<1000000x32xf32, #tpu.memory_space<hbm>> -> memref<1000000x32xf32, #tpu.memory_space<hbm>>
    tpu.enqueue_indirect_dma source(%dma_start3A_224 : memref<1000000x32xf32, #tpu.memory_space<hbm>>) target(%dma_start3A_218 : memref<1024x32xf32, #tpu.memory_space<vmem>>) offsets(%dma_start3A_221 : memref<1024xi32, #tpu.memory_space<vmem>>) semaphore(%arg9 : memref<!tpu.dma_semaphore, #tpu.memory_space<semaphore_mem>>)
    %dma_wait3A_225 = arith.constant 0 : i32
    %dma_wait3A_226 = arith.constant 0 : i32
    %dma_wait3A_227 = arith.constant 0 : i32
    %dma_wait3A_228 = arith.constant 0 : i32
    %dma_wait3A_229 = tpu.memref_slice %arg6[%dma_wait3A_226, %dma_wait3A_227, %dma_wait3A_228] : memref<3x1024x32xf32, #tpu.memory_space<vmem>> -> memref<1x1024x32xf32, #tpu.memory_space<vmem>>
    %dma_wait3A_230 = tpu.memref_squeeze %dma_wait3A_229 : memref<1x1024x32xf32, #tpu.memory_space<vmem>> -> memref<1024x32xf32, #tpu.memory_space<vmem>>
    %dma_wait3A_231 = arith.constant 0 : i32
    %dma_wait3A_232 = tpu.memref_slice %arg5[%dma_wait3A_225, %dma_wait3A_231] : memref<3x1024xi32, #tpu.memory_space<vmem>> -> memref<1x1024xi32, #tpu.memory_space<vmem>>
    %dma_wait3A_233 = tpu.memref_squeeze %dma_wait3A_232 : memref<1x1024xi32, #tpu.memory_space<vmem>> -> memref<1024xi32, #tpu.memory_space<vmem>>
    %dma_wait3A_234 = arith.constant 0 : i32
    %dma_wait3A_235 = arith.constant 0 : i32
    %dma_wait3A_236 = tpu.memref_slice %arg3[%dma_wait3A_234, %dma_wait3A_235] : memref<1000000x32xf32, #tpu.memory_space<hbm>> -> memref<1000000x32xf32, #tpu.memory_space<hbm>>
    tpu.wait_indirect_dma semaphore(%arg7 : memref<!tpu.dma_semaphore, #tpu.memory_space<semaphore_mem>>) src(%dma_wait3A_236 : memref<1000000x32xf32, #tpu.memory_space<hbm>>) dst(%dma_wait3A_230 : memref<1024x32xf32, #tpu.memory_space<vmem>>)
    %add3A_237 = arith.constant 6144 : i32
    %add3A_238 = arith.addi %mul3A_2, %add3A_237 : i32
    %run_scoped3A_239 = arith.constant 0 : i32
    "tpu.region"() ({
      %run_scoped3A_300 = tpu.sem_alloc : memref<!tpu.dma_semaphore, #tpu.memory_space<semaphore_mem>>
      %dma_start3A_301 = arith.constant 0 : i32
      %dma_start3A_302 = arith.constant 0 : i32
      %dma_start3A_303 = tpu.memref_slice %arg6[%run_scoped3A_239, %dma_start3A_301, %dma_start3A_302] : memref<3x1024x32xf32, #tpu.memory_space<vmem>> -> memref<1x1024x32xf32, #tpu.memory_space<vmem>>
      %dma_start3A_304 = tpu.memref_squeeze %dma_start3A_303 : memref<1x1024x32xf32, #tpu.memory_space<vmem>> -> memref<1024x32xf32, #tpu.memory_space<vmem>>
      %dma_start3A_305 = arith.constant 0 : i32
      %dma_start3A_306 = tpu.memref_slice %arg4[%add3A_238, %dma_start3A_305] : memref<327680x32xf32, #tpu.memory_space<hbm>> -> memref<1024x32xf32, #tpu.memory_space<hbm>>
      %dma_start3A_307 = arith.constant 0 : i32
      %dma_start3A_308 = tpu.memref_slice %arg4[%add3A_238, %dma_start3A_307] : memref<327680x32xf32, #tpu.memory_space<hbm>> -> memref<1024x32xf32, #tpu.memory_space<hbm>>
      %dma_start3A_309 = arith.constant 0 : i32
      %dma_start3A_310 = arith.constant 0 : i32
      %dma_start3A_311 = tpu.memref_slice %arg6[%run_scoped3A_239, %dma_start3A_309, %dma_start3A_310] : memref<3x1024x32xf32, #tpu.memory_space<vmem>> -> memref<1x1024x32xf32, #tpu.memory_space<vmem>>
      %dma_start3A_312 = tpu.memref_squeeze %dma_start3A_311 : memref<1x1024x32xf32, #tpu.memory_space<vmem>> -> memref<1024x32xf32, #tpu.memory_space<vmem>>
      tpu.enqueue_dma source(%dma_start3A_312 : memref<1024x32xf32, #tpu.memory_space<vmem>>) target(%dma_start3A_308 : memref<1024x32xf32, #tpu.memory_space<hbm>>) target_semaphore(%run_scoped3A_300 : memref<!tpu.dma_semaphore, #tpu.memory_space<semaphore_mem>>)
      %dma_wait3A_313 = arith.constant 0 : i32
      %dma_wait3A_314 = arith.constant 0 : i32
      %dma_wait3A_315 = tpu.memref_slice %arg6[%run_scoped3A_239, %dma_wait3A_313, %dma_wait3A_314] : memref<3x1024x32xf32, #tpu.memory_space<vmem>> -> memref<1x1024x32xf32, #tpu.memory_space<vmem>>
      %dma_wait3A_316 = tpu.memref_squeeze %dma_wait3A_315 : memref<1x1024x32xf32, #tpu.memory_space<vmem>> -> memref<1024x32xf32, #tpu.memory_space<vmem>>
      %dma_wait3A_317 = arith.constant 0 : i32
      %dma_wait3A_318 = tpu.memref_slice %arg4[%add3A_238, %dma_wait3A_317] : memref<327680x32xf32, #tpu.memory_space<hbm>> -> memref<1024x32xf32, #tpu.memory_space<hbm>>
      %dma_wait3A_319 = arith.constant 0 : i32
      %dma_wait3A_320 = tpu.memref_slice %arg4[%add3A_238, %dma_wait3A_319] : memref<327680x32xf32, #tpu.memory_space<hbm>> -> memref<1024x32xf32, #tpu.memory_space<hbm>>
      %dma_wait3A_321 = arith.constant 0 : i32
      %dma_wait3A_322 = arith.constant 0 : i32
      %dma_wait3A_323 = tpu.memref_slice %arg6[%run_scoped3A_239, %dma_wait3A_321, %dma_wait3A_322] : memref<3x1024x32xf32, #tpu.memory_space<vmem>> -> memref<1x1024x32xf32, #tpu.memory_space<vmem>>
      %dma_wait3A_324 = tpu.memref_squeeze %dma_wait3A_323 : memref<1x1024x32xf32, #tpu.memory_space<vmem>> -> memref<1024x32xf32, #tpu.memory_space<vmem>>
      tpu.wait_dma2 semaphore(%run_scoped3A_300 : memref<!tpu.dma_semaphore, #tpu.memory_space<semaphore_mem>>) src(%dma_wait3A_324 : memref<1024x32xf32, #tpu.memory_space<vmem>>) dst(%dma_wait3A_320 : memref<1024x32xf32, #tpu.memory_space<hbm>>)
      tpu.yield
    }) : () -> ()
    %add3A_240 = arith.constant 9216 : i32
    %add3A_241 = arith.addi %mul3A_2, %add3A_240 : i32
    %run_scoped3A_242 = arith.constant 0 : i32
    "tpu.region"() ({
      %run_scoped3A_300 = tpu.sem_alloc : memref<!tpu.dma_semaphore, #tpu.memory_space<semaphore_mem>>
      %dma_start3A_301 = arith.constant 0 : i32
      %dma_start3A_302 = tpu.memref_slice %arg5[%run_scoped3A_242, %dma_start3A_301] : memref<3x1024xi32, #tpu.memory_space<vmem>> -> memref<1x1024xi32, #tpu.memory_space<vmem>>
      %dma_start3A_303 = tpu.memref_squeeze %dma_start3A_302 : memref<1x1024xi32, #tpu.memory_space<vmem>> -> memref<1024xi32, #tpu.memory_space<vmem>>
      %dma_start3A_304 = tpu.memref_slice %arg2[%add3A_241] : memref<327680xi32, #tpu.memory_space<hbm>> -> memref<1024xi32, #tpu.memory_space<hbm>>
      %dma_start3A_305 = arith.constant 0 : i32
      %dma_start3A_306 = tpu.memref_slice %arg5[%run_scoped3A_242, %dma_start3A_305] : memref<3x1024xi32, #tpu.memory_space<vmem>> -> memref<1x1024xi32, #tpu.memory_space<vmem>>
      %dma_start3A_307 = tpu.memref_squeeze %dma_start3A_306 : memref<1x1024xi32, #tpu.memory_space<vmem>> -> memref<1024xi32, #tpu.memory_space<vmem>>
      %dma_start3A_308 = tpu.memref_slice %arg2[%add3A_241] : memref<327680xi32, #tpu.memory_space<hbm>> -> memref<1024xi32, #tpu.memory_space<hbm>>
      tpu.enqueue_dma source(%dma_start3A_308 : memref<1024xi32, #tpu.memory_space<hbm>>) target(%dma_start3A_307 : memref<1024xi32, #tpu.memory_space<vmem>>) target_semaphore(%run_scoped3A_300 : memref<!tpu.dma_semaphore, #tpu.memory_space<semaphore_mem>>)
      %dma_wait3A_309 = arith.constant 0 : i32
      %dma_wait3A_310 = tpu.memref_slice %arg5[%run_scoped3A_242, %dma_wait3A_309] : memref<3x1024xi32, #tpu.memory_space<vmem>> -> memref<1x1024xi32, #tpu.memory_space<vmem>>
      %dma_wait3A_311 = tpu.memref_squeeze %dma_wait3A_310 : memref<1x1024xi32, #tpu.memory_space<vmem>> -> memref<1024xi32, #tpu.memory_space<vmem>>
      %dma_wait3A_312 = tpu.memref_slice %arg2[%add3A_241] : memref<327680xi32, #tpu.memory_space<hbm>> -> memref<1024xi32, #tpu.memory_space<hbm>>
      %dma_wait3A_313 = arith.constant 0 : i32
      %dma_wait3A_314 = tpu.memref_slice %arg5[%run_scoped3A_242, %dma_wait3A_313] : memref<3x1024xi32, #tpu.memory_space<vmem>> -> memref<1x1024xi32, #tpu.memory_space<vmem>>
      %dma_wait3A_315 = tpu.memref_squeeze %dma_wait3A_314 : memref<1x1024xi32, #tpu.memory_space<vmem>> -> memref<1024xi32, #tpu.memory_space<vmem>>
      %dma_wait3A_316 = tpu.memref_slice %arg2[%add3A_241] : memref<327680xi32, #tpu.memory_space<hbm>> -> memref<1024xi32, #tpu.memory_space<hbm>>
      tpu.wait_dma2 semaphore(%run_scoped3A_300 : memref<!tpu.dma_semaphore, #tpu.memory_space<semaphore_mem>>) src(%dma_wait3A_316 : memref<1024xi32, #tpu.memory_space<hbm>>) dst(%dma_wait3A_315 : memref<1024xi32, #tpu.memory_space<vmem>>)
      tpu.yield
    }) : () -> ()
    %dma_start3A_243 = arith.constant 0 : i32
    %dma_start3A_244 = arith.constant 0 : i32
    %dma_start3A_245 = arith.constant 0 : i32
    %dma_start3A_246 = arith.constant 0 : i32
    %dma_start3A_247 = tpu.memref_slice %arg6[%dma_start3A_244, %dma_start3A_245, %dma_start3A_246] : memref<3x1024x32xf32, #tpu.memory_space<vmem>> -> memref<1x1024x32xf32, #tpu.memory_space<vmem>>
    %dma_start3A_248 = tpu.memref_squeeze %dma_start3A_247 : memref<1x1024x32xf32, #tpu.memory_space<vmem>> -> memref<1024x32xf32, #tpu.memory_space<vmem>>
    %dma_start3A_249 = arith.constant 0 : i32
    %dma_start3A_250 = tpu.memref_slice %arg5[%dma_start3A_243, %dma_start3A_249] : memref<3x1024xi32, #tpu.memory_space<vmem>> -> memref<1x1024xi32, #tpu.memory_space<vmem>>
    %dma_start3A_251 = tpu.memref_squeeze %dma_start3A_250 : memref<1x1024xi32, #tpu.memory_space<vmem>> -> memref<1024xi32, #tpu.memory_space<vmem>>
    %dma_start3A_252 = arith.constant 0 : i32
    %dma_start3A_253 = arith.constant 0 : i32
    %dma_start3A_254 = tpu.memref_slice %arg3[%dma_start3A_252, %dma_start3A_253] : memref<1000000x32xf32, #tpu.memory_space<hbm>> -> memref<1000000x32xf32, #tpu.memory_space<hbm>>
    tpu.enqueue_indirect_dma source(%dma_start3A_254 : memref<1000000x32xf32, #tpu.memory_space<hbm>>) target(%dma_start3A_248 : memref<1024x32xf32, #tpu.memory_space<vmem>>) offsets(%dma_start3A_251 : memref<1024xi32, #tpu.memory_space<vmem>>) semaphore(%arg7 : memref<!tpu.dma_semaphore, #tpu.memory_space<semaphore_mem>>)
    %dma_wait3A_255 = arith.constant 1 : i32
    %dma_wait3A_256 = arith.constant 1 : i32
    %dma_wait3A_257 = arith.constant 0 : i32
    %dma_wait3A_258 = arith.constant 0 : i32
    %dma_wait3A_259 = tpu.memref_slice %arg6[%dma_wait3A_256, %dma_wait3A_257, %dma_wait3A_258] : memref<3x1024x32xf32, #tpu.memory_space<vmem>> -> memref<1x1024x32xf32, #tpu.memory_space<vmem>>
    %dma_wait3A_260 = tpu.memref_squeeze %dma_wait3A_259 : memref<1x1024x32xf32, #tpu.memory_space<vmem>> -> memref<1024x32xf32, #tpu.memory_space<vmem>>
    %dma_wait3A_261 = arith.constant 0 : i32
    %dma_wait3A_262 = tpu.memref_slice %arg5[%dma_wait3A_255, %dma_wait3A_261] : memref<3x1024xi32, #tpu.memory_space<vmem>> -> memref<1x1024xi32, #tpu.memory_space<vmem>>
    %dma_wait3A_263 = tpu.memref_squeeze %dma_wait3A_262 : memref<1x1024xi32, #tpu.memory_space<vmem>> -> memref<1024xi32, #tpu.memory_space<vmem>>
    %dma_wait3A_264 = arith.constant 0 : i32
    %dma_wait3A_265 = arith.constant 0 : i32
    %dma_wait3A_266 = tpu.memref_slice %arg3[%dma_wait3A_264, %dma_wait3A_265] : memref<1000000x32xf32, #tpu.memory_space<hbm>> -> memref<1000000x32xf32, #tpu.memory_space<hbm>>
    tpu.wait_indirect_dma semaphore(%arg8 : memref<!tpu.dma_semaphore, #tpu.memory_space<semaphore_mem>>) src(%dma_wait3A_266 : memref<1000000x32xf32, #tpu.memory_space<hbm>>) dst(%dma_wait3A_260 : memref<1024x32xf32, #tpu.memory_space<vmem>>)
    %add3A_267 = arith.constant 7168 : i32
    %add3A_268 = arith.addi %mul3A_2, %add3A_267 : i32
    %run_scoped3A_269 = arith.constant 1 : i32
    "tpu.region"() ({
      %run_scoped3A_300 = tpu.sem_alloc : memref<!tpu.dma_semaphore, #tpu.memory_space<semaphore_mem>>
      %dma_start3A_301 = arith.constant 0 : i32
      %dma_start3A_302 = arith.constant 0 : i32
      %dma_start3A_303 = tpu.memref_slice %arg6[%run_scoped3A_269, %dma_start3A_301, %dma_start3A_302] : memref<3x1024x32xf32, #tpu.memory_space<vmem>> -> memref<1x1024x32xf32, #tpu.memory_space<vmem>>
      %dma_start3A_304 = tpu.memref_squeeze %dma_start3A_303 : memref<1x1024x32xf32, #tpu.memory_space<vmem>> -> memref<1024x32xf32, #tpu.memory_space<vmem>>
      %dma_start3A_305 = arith.constant 0 : i32
      %dma_start3A_306 = tpu.memref_slice %arg4[%add3A_268, %dma_start3A_305] : memref<327680x32xf32, #tpu.memory_space<hbm>> -> memref<1024x32xf32, #tpu.memory_space<hbm>>
      %dma_start3A_307 = arith.constant 0 : i32
      %dma_start3A_308 = tpu.memref_slice %arg4[%add3A_268, %dma_start3A_307] : memref<327680x32xf32, #tpu.memory_space<hbm>> -> memref<1024x32xf32, #tpu.memory_space<hbm>>
      %dma_start3A_309 = arith.constant 0 : i32
      %dma_start3A_310 = arith.constant 0 : i32
      %dma_start3A_311 = tpu.memref_slice %arg6[%run_scoped3A_269, %dma_start3A_309, %dma_start3A_310] : memref<3x1024x32xf32, #tpu.memory_space<vmem>> -> memref<1x1024x32xf32, #tpu.memory_space<vmem>>
      %dma_start3A_312 = tpu.memref_squeeze %dma_start3A_311 : memref<1x1024x32xf32, #tpu.memory_space<vmem>> -> memref<1024x32xf32, #tpu.memory_space<vmem>>
      tpu.enqueue_dma source(%dma_start3A_312 : memref<1024x32xf32, #tpu.memory_space<vmem>>) target(%dma_start3A_308 : memref<1024x32xf32, #tpu.memory_space<hbm>>) target_semaphore(%run_scoped3A_300 : memref<!tpu.dma_semaphore, #tpu.memory_space<semaphore_mem>>)
      %dma_wait3A_313 = arith.constant 0 : i32
      %dma_wait3A_314 = arith.constant 0 : i32
      %dma_wait3A_315 = tpu.memref_slice %arg6[%run_scoped3A_269, %dma_wait3A_313, %dma_wait3A_314] : memref<3x1024x32xf32, #tpu.memory_space<vmem>> -> memref<1x1024x32xf32, #tpu.memory_space<vmem>>
      %dma_wait3A_316 = tpu.memref_squeeze %dma_wait3A_315 : memref<1x1024x32xf32, #tpu.memory_space<vmem>> -> memref<1024x32xf32, #tpu.memory_space<vmem>>
      %dma_wait3A_317 = arith.constant 0 : i32
      %dma_wait3A_318 = tpu.memref_slice %arg4[%add3A_268, %dma_wait3A_317] : memref<327680x32xf32, #tpu.memory_space<hbm>> -> memref<1024x32xf32, #tpu.memory_space<hbm>>
      %dma_wait3A_319 = arith.constant 0 : i32
      %dma_wait3A_320 = tpu.memref_slice %arg4[%add3A_268, %dma_wait3A_319] : memref<327680x32xf32, #tpu.memory_space<hbm>> -> memref<1024x32xf32, #tpu.memory_space<hbm>>
      %dma_wait3A_321 = arith.constant 0 : i32
      %dma_wait3A_322 = arith.constant 0 : i32
      %dma_wait3A_323 = tpu.memref_slice %arg6[%run_scoped3A_269, %dma_wait3A_321, %dma_wait3A_322] : memref<3x1024x32xf32, #tpu.memory_space<vmem>> -> memref<1x1024x32xf32, #tpu.memory_space<vmem>>
      %dma_wait3A_324 = tpu.memref_squeeze %dma_wait3A_323 : memref<1x1024x32xf32, #tpu.memory_space<vmem>> -> memref<1024x32xf32, #tpu.memory_space<vmem>>
      tpu.wait_dma2 semaphore(%run_scoped3A_300 : memref<!tpu.dma_semaphore, #tpu.memory_space<semaphore_mem>>) src(%dma_wait3A_324 : memref<1024x32xf32, #tpu.memory_space<vmem>>) dst(%dma_wait3A_320 : memref<1024x32xf32, #tpu.memory_space<hbm>>)
      tpu.yield
    }) : () -> ()
    %dma_wait3A_270 = arith.constant 2 : i32
    %dma_wait3A_271 = arith.constant 2 : i32
    %dma_wait3A_272 = arith.constant 0 : i32
    %dma_wait3A_273 = arith.constant 0 : i32
    %dma_wait3A_274 = tpu.memref_slice %arg6[%dma_wait3A_271, %dma_wait3A_272, %dma_wait3A_273] : memref<3x1024x32xf32, #tpu.memory_space<vmem>> -> memref<1x1024x32xf32, #tpu.memory_space<vmem>>
    %dma_wait3A_275 = tpu.memref_squeeze %dma_wait3A_274 : memref<1x1024x32xf32, #tpu.memory_space<vmem>> -> memref<1024x32xf32, #tpu.memory_space<vmem>>
    %dma_wait3A_276 = arith.constant 0 : i32
    %dma_wait3A_277 = tpu.memref_slice %arg5[%dma_wait3A_270, %dma_wait3A_276] : memref<3x1024xi32, #tpu.memory_space<vmem>> -> memref<1x1024xi32, #tpu.memory_space<vmem>>
    %dma_wait3A_278 = tpu.memref_squeeze %dma_wait3A_277 : memref<1x1024xi32, #tpu.memory_space<vmem>> -> memref<1024xi32, #tpu.memory_space<vmem>>
    %dma_wait3A_279 = arith.constant 0 : i32
    %dma_wait3A_280 = arith.constant 0 : i32
    %dma_wait3A_281 = tpu.memref_slice %arg3[%dma_wait3A_279, %dma_wait3A_280] : memref<1000000x32xf32, #tpu.memory_space<hbm>> -> memref<1000000x32xf32, #tpu.memory_space<hbm>>
    tpu.wait_indirect_dma semaphore(%arg9 : memref<!tpu.dma_semaphore, #tpu.memory_space<semaphore_mem>>) src(%dma_wait3A_281 : memref<1000000x32xf32, #tpu.memory_space<hbm>>) dst(%dma_wait3A_275 : memref<1024x32xf32, #tpu.memory_space<vmem>>)
    %add3A_282 = arith.constant 8192 : i32
    %add3A_283 = arith.addi %mul3A_2, %add3A_282 : i32
    %run_scoped3A_284 = arith.constant 2 : i32
    "tpu.region"() ({
      %run_scoped3A_300 = tpu.sem_alloc : memref<!tpu.dma_semaphore, #tpu.memory_space<semaphore_mem>>
      %dma_start3A_301 = arith.constant 0 : i32
      %dma_start3A_302 = arith.constant 0 : i32
      %dma_start3A_303 = tpu.memref_slice %arg6[%run_scoped3A_284, %dma_start3A_301, %dma_start3A_302] : memref<3x1024x32xf32, #tpu.memory_space<vmem>> -> memref<1x1024x32xf32, #tpu.memory_space<vmem>>
      %dma_start3A_304 = tpu.memref_squeeze %dma_start3A_303 : memref<1x1024x32xf32, #tpu.memory_space<vmem>> -> memref<1024x32xf32, #tpu.memory_space<vmem>>
      %dma_start3A_305 = arith.constant 0 : i32
      %dma_start3A_306 = tpu.memref_slice %arg4[%add3A_283, %dma_start3A_305] : memref<327680x32xf32, #tpu.memory_space<hbm>> -> memref<1024x32xf32, #tpu.memory_space<hbm>>
      %dma_start3A_307 = arith.constant 0 : i32
      %dma_start3A_308 = tpu.memref_slice %arg4[%add3A_283, %dma_start3A_307] : memref<327680x32xf32, #tpu.memory_space<hbm>> -> memref<1024x32xf32, #tpu.memory_space<hbm>>
      %dma_start3A_309 = arith.constant 0 : i32
      %dma_start3A_310 = arith.constant 0 : i32
      %dma_start3A_311 = tpu.memref_slice %arg6[%run_scoped3A_284, %dma_start3A_309, %dma_start3A_310] : memref<3x1024x32xf32, #tpu.memory_space<vmem>> -> memref<1x1024x32xf32, #tpu.memory_space<vmem>>
      %dma_start3A_312 = tpu.memref_squeeze %dma_start3A_311 : memref<1x1024x32xf32, #tpu.memory_space<vmem>> -> memref<1024x32xf32, #tpu.memory_space<vmem>>
      tpu.enqueue_dma source(%dma_start3A_312 : memref<1024x32xf32, #tpu.memory_space<vmem>>) target(%dma_start3A_308 : memref<1024x32xf32, #tpu.memory_space<hbm>>) target_semaphore(%run_scoped3A_300 : memref<!tpu.dma_semaphore, #tpu.memory_space<semaphore_mem>>)
      %dma_wait3A_313 = arith.constant 0 : i32
      %dma_wait3A_314 = arith.constant 0 : i32
      %dma_wait3A_315 = tpu.memref_slice %arg6[%run_scoped3A_284, %dma_wait3A_313, %dma_wait3A_314] : memref<3x1024x32xf32, #tpu.memory_space<vmem>> -> memref<1x1024x32xf32, #tpu.memory_space<vmem>>
      %dma_wait3A_316 = tpu.memref_squeeze %dma_wait3A_315 : memref<1x1024x32xf32, #tpu.memory_space<vmem>> -> memref<1024x32xf32, #tpu.memory_space<vmem>>
      %dma_wait3A_317 = arith.constant 0 : i32
      %dma_wait3A_318 = tpu.memref_slice %arg4[%add3A_283, %dma_wait3A_317] : memref<327680x32xf32, #tpu.memory_space<hbm>> -> memref<1024x32xf32, #tpu.memory_space<hbm>>
      %dma_wait3A_319 = arith.constant 0 : i32
      %dma_wait3A_320 = tpu.memref_slice %arg4[%add3A_283, %dma_wait3A_319] : memref<327680x32xf32, #tpu.memory_space<hbm>> -> memref<1024x32xf32, #tpu.memory_space<hbm>>
      %dma_wait3A_321 = arith.constant 0 : i32
      %dma_wait3A_322 = arith.constant 0 : i32
      %dma_wait3A_323 = tpu.memref_slice %arg6[%run_scoped3A_284, %dma_wait3A_321, %dma_wait3A_322] : memref<3x1024x32xf32, #tpu.memory_space<vmem>> -> memref<1x1024x32xf32, #tpu.memory_space<vmem>>
      %dma_wait3A_324 = tpu.memref_squeeze %dma_wait3A_323 : memref<1x1024x32xf32, #tpu.memory_space<vmem>> -> memref<1024x32xf32, #tpu.memory_space<vmem>>
      tpu.wait_dma2 semaphore(%run_scoped3A_300 : memref<!tpu.dma_semaphore, #tpu.memory_space<semaphore_mem>>) src(%dma_wait3A_324 : memref<1024x32xf32, #tpu.memory_space<vmem>>) dst(%dma_wait3A_320 : memref<1024x32xf32, #tpu.memory_space<hbm>>)
      tpu.yield
    }) : () -> ()
    %dma_wait3A_285 = arith.constant 0 : i32
    %dma_wait3A_286 = arith.constant 0 : i32
    %dma_wait3A_287 = arith.constant 0 : i32
    %dma_wait3A_288 = arith.constant 0 : i32
    %dma_wait3A_289 = tpu.memref_slice %arg6[%dma_wait3A_286, %dma_wait3A_287, %dma_wait3A_288] : memref<3x1024x32xf32, #tpu.memory_space<vmem>> -> memref<1x1024x32xf32, #tpu.memory_space<vmem>>
    %dma_wait3A_290 = tpu.memref_squeeze %dma_wait3A_289 : memref<1x1024x32xf32, #tpu.memory_space<vmem>> -> memref<1024x32xf32, #tpu.memory_space<vmem>>
    %dma_wait3A_291 = arith.constant 0 : i32
    %dma_wait3A_292 = tpu.memref_slice %arg5[%dma_wait3A_285, %dma_wait3A_291] : memref<3x1024xi32, #tpu.memory_space<vmem>> -> memref<1x1024xi32, #tpu.memory_space<vmem>>
    %dma_wait3A_293 = tpu.memref_squeeze %dma_wait3A_292 : memref<1x1024xi32, #tpu.memory_space<vmem>> -> memref<1024xi32, #tpu.memory_space<vmem>>
    %dma_wait3A_294 = arith.constant 0 : i32
    %dma_wait3A_295 = arith.constant 0 : i32
    %dma_wait3A_296 = tpu.memref_slice %arg3[%dma_wait3A_294, %dma_wait3A_295] : memref<1000000x32xf32, #tpu.memory_space<hbm>> -> memref<1000000x32xf32, #tpu.memory_space<hbm>>
    tpu.wait_indirect_dma semaphore(%arg7 : memref<!tpu.dma_semaphore, #tpu.memory_space<semaphore_mem>>) src(%dma_wait3A_296 : memref<1000000x32xf32, #tpu.memory_space<hbm>>) dst(%dma_wait3A_290 : memref<1024x32xf32, #tpu.memory_space<vmem>>)
    %add3A_297 = arith.constant 9216 : i32
    %add3A_298 = arith.addi %mul3A_2, %add3A_297 : i32
    %run_scoped3A_299 = arith.constant 0 : i32
    "tpu.region"() ({
      %run_scoped3A_300 = tpu.sem_alloc : memref<!tpu.dma_semaphore, #tpu.memory_space<semaphore_mem>>
      %dma_start3A_301 = arith.constant 0 : i32
      %dma_start3A_302 = arith.constant 0 : i32
      %dma_start3A_303 = tpu.memref_slice %arg6[%run_scoped3A_299, %dma_start3A_301, %dma_start3A_302] : memref<3x1024x32xf32, #tpu.memory_space<vmem>> -> memref<1x1024x32xf32, #tpu.memory_space<vmem>>
      %dma_start3A_304 = tpu.memref_squeeze %dma_start3A_303 : memref<1x1024x32xf32, #tpu.memory_space<vmem>> -> memref<1024x32xf32, #tpu.memory_space<vmem>>
      %dma_start3A_305 = arith.constant 0 : i32
      %dma_start3A_306 = tpu.memref_slice %arg4[%add3A_298, %dma_start3A_305] : memref<327680x32xf32, #tpu.memory_space<hbm>> -> memref<1024x32xf32, #tpu.memory_space<hbm>>
      %dma_start3A_307 = arith.constant 0 : i32
      %dma_start3A_308 = tpu.memref_slice %arg4[%add3A_298, %dma_start3A_307] : memref<327680x32xf32, #tpu.memory_space<hbm>> -> memref<1024x32xf32, #tpu.memory_space<hbm>>
      %dma_start3A_309 = arith.constant 0 : i32
      %dma_start3A_310 = arith.constant 0 : i32
      %dma_start3A_311 = tpu.memref_slice %arg6[%run_scoped3A_299, %dma_start3A_309, %dma_start3A_310] : memref<3x1024x32xf32, #tpu.memory_space<vmem>> -> memref<1x1024x32xf32, #tpu.memory_space<vmem>>
      %dma_start3A_312 = tpu.memref_squeeze %dma_start3A_311 : memref<1x1024x32xf32, #tpu.memory_space<vmem>> -> memref<1024x32xf32, #tpu.memory_space<vmem>>
      tpu.enqueue_dma source(%dma_start3A_312 : memref<1024x32xf32, #tpu.memory_space<vmem>>) target(%dma_start3A_308 : memref<1024x32xf32, #tpu.memory_space<hbm>>) target_semaphore(%run_scoped3A_300 : memref<!tpu.dma_semaphore, #tpu.memory_space<semaphore_mem>>)
      %dma_wait3A_313 = arith.constant 0 : i32
      %dma_wait3A_314 = arith.constant 0 : i32
      %dma_wait3A_315 = tpu.memref_slice %arg6[%run_scoped3A_299, %dma_wait3A_313, %dma_wait3A_314] : memref<3x1024x32xf32, #tpu.memory_space<vmem>> -> memref<1x1024x32xf32, #tpu.memory_space<vmem>>
      %dma_wait3A_316 = tpu.memref_squeeze %dma_wait3A_315 : memref<1x1024x32xf32, #tpu.memory_space<vmem>> -> memref<1024x32xf32, #tpu.memory_space<vmem>>
      %dma_wait3A_317 = arith.constant 0 : i32
      %dma_wait3A_318 = tpu.memref_slice %arg4[%add3A_298, %dma_wait3A_317] : memref<327680x32xf32, #tpu.memory_space<hbm>> -> memref<1024x32xf32, #tpu.memory_space<hbm>>
      %dma_wait3A_319 = arith.constant 0 : i32
      %dma_wait3A_320 = tpu.memref_slice %arg4[%add3A_298, %dma_wait3A_319] : memref<327680x32xf32, #tpu.memory_space<hbm>> -> memref<1024x32xf32, #tpu.memory_space<hbm>>
      %dma_wait3A_321 = arith.constant 0 : i32
      %dma_wait3A_322 = arith.constant 0 : i32
      %dma_wait3A_323 = tpu.memref_slice %arg6[%run_scoped3A_299, %dma_wait3A_321, %dma_wait3A_322] : memref<3x1024x32xf32, #tpu.memory_space<vmem>> -> memref<1x1024x32xf32, #tpu.memory_space<vmem>>
      %dma_wait3A_324 = tpu.memref_squeeze %dma_wait3A_323 : memref<1x1024x32xf32, #tpu.memory_space<vmem>> -> memref<1024x32xf32, #tpu.memory_space<vmem>>
      tpu.wait_dma2 semaphore(%run_scoped3A_300 : memref<!tpu.dma_semaphore, #tpu.memory_space<semaphore_mem>>) src(%dma_wait3A_324 : memref<1024x32xf32, #tpu.memory_space<vmem>>) dst(%dma_wait3A_320 : memref<1024x32xf32, #tpu.memory_space<hbm>>)
      tpu.yield
    }) : () -> ()
    return
  }
}

#map = affine_map<(d0, d1) -> (0)>
#map1 = affine_map<(d0, d1) -> (0, 0)>
module attributes {stable_mosaic.version = 14 : i64} {
  func.func @_lookup1(%arg0: i32, %arg1: i32, %arg2: memref<327680xi32, #tpu.memory_space<hbm>>, %arg3: memref<1000000x32xf32, #tpu.memory_space<hbm>>, %arg4: memref<327680x32xf32, #tpu.memory_space<hbm>>, %arg5: memref<3x1024xi32, #tpu.memory_space<vmem>>, %arg6: memref<3x1024x32xf32, #tpu.memory_space<vmem>>, %arg7: memref<!tpu.dma_semaphore, #tpu.memory_space<semaphore_mem>>, %arg8: memref<!tpu.dma_semaphore, #tpu.memory_space<semaphore_mem>>, %arg9: memref<!tpu.dma_semaphore, #tpu.memory_space<semaphore_mem>>) attributes {dimension_semantics = [#tpu.dimension_semantics<core_parallel>, #tpu.dimension_semantics<subcore_parallel>], iteration_bounds = array<i64: 2, 16>, scalar_prefetch = 0 : i64, scratch_operands = 5 : i64, tpu.core_type = #tpu.core_type<sc_vector_subcore>, window_params = [{transform_indices = #map}, {transform_indices = #map1}, {transform_indices = #map1}]} {
    %mul3A = arith.constant 2 : i32
    %mul3A_0 = arith.muli %arg1, %mul3A : i32
    %add3A = arith.addi %mul3A_0, %arg0 : i32
    %mul3A_1 = arith.constant 10240 : i32
    %mul3A_2 = arith.muli %add3A, %mul3A_1 : i32
    %add3A_3 = arith.constant 0 : i32
    %add3A_4 = arith.addi %mul3A_2, %add3A_3 : i32
    %run_scoped3A = arith.constant 0 : i32
    "tpu.region"() ({
      %run_scoped3A_300 = tpu.sem_alloc : memref<!tpu.dma_semaphore, #tpu.memory_space<semaphore_mem>>
      %dma_start3A_301 = arith.constant 0 : i32
      %dma_start3A_302 = tpu.memref_slice %arg5[%run_scoped3A, %dma_start3A_301] : memref<3x1024xi32, #tpu.memory_space<vmem>> -> memref<1x1024xi32, #tpu.memory_space<vmem>>
      %dma_start3A_303 = tpu.memref_squeeze %dma_start3A_302 : memref<1x1024xi32, #tpu.memory_space<vmem>> -> memref<1024xi32, #tpu.memory_space<vmem>>
      %dma_start3A_304 = tpu.memref_slice %arg2[%add3A_4] : memref<327680xi32, #tpu.memory_space<hbm>> -> memref<1024xi32, #tpu.memory_space<hbm>>
      %dma_start3A_305 = arith.constant 0 : i32
      %dma_start3A_306 = tpu.memref_slice %arg5[%run_scoped3A, %dma_start3A_305] : memref<3x1024xi32, #tpu.memory_space<vmem>> -> memref<1x1024xi32, #tpu.memory_space<vmem>>
      %dma_start3A_307 = tpu.memref_squeeze %dma_start3A_306 : memref<1x1024xi32, #tpu.memory_space<vmem>> -> memref<1024xi32, #tpu.memory_space<vmem>>
      %dma_start3A_308 = tpu.memref_slice %arg2[%add3A_4] : memref<327680xi32, #tpu.memory_space<hbm>> -> memref<1024xi32, #tpu.memory_space<hbm>>
      tpu.enqueue_dma source(%dma_start3A_308 : memref<1024xi32, #tpu.memory_space<hbm>>) target(%dma_start3A_307 : memref<1024xi32, #tpu.memory_space<vmem>>) target_semaphore(%run_scoped3A_300 : memref<!tpu.dma_semaphore, #tpu.memory_space<semaphore_mem>>)
      %dma_wait3A_309 = arith.constant 0 : i32
      %dma_wait3A_310 = tpu.memref_slice %arg5[%run_scoped3A, %dma_wait3A_309] : memref<3x1024xi32, #tpu.memory_space<vmem>> -> memref<1x1024xi32, #tpu.memory_space<vmem>>
      %dma_wait3A_311 = tpu.memref_squeeze %dma_wait3A_310 : memref<1x1024xi32, #tpu.memory_space<vmem>> -> memref<1024xi32, #tpu.memory_space<vmem>>
      %dma_wait3A_312 = tpu.memref_slice %arg2[%add3A_4] : memref<327680xi32, #tpu.memory_space<hbm>> -> memref<1024xi32, #tpu.memory_space<hbm>>
      %dma_wait3A_313 = arith.constant 0 : i32
      %dma_wait3A_314 = tpu.memref_slice %arg5[%run_scoped3A, %dma_wait3A_313] : memref<3x1024xi32, #tpu.memory_space<vmem>> -> memref<1x1024xi32, #tpu.memory_space<vmem>>
      %dma_wait3A_315 = tpu.memref_squeeze %dma_wait3A_314 : memref<1x1024xi32, #tpu.memory_space<vmem>> -> memref<1024xi32, #tpu.memory_space<vmem>>
      %dma_wait3A_316 = tpu.memref_slice %arg2[%add3A_4] : memref<327680xi32, #tpu.memory_space<hbm>> -> memref<1024xi32, #tpu.memory_space<hbm>>
      tpu.wait_dma2 semaphore(%run_scoped3A_300 : memref<!tpu.dma_semaphore, #tpu.memory_space<semaphore_mem>>) src(%dma_wait3A_316 : memref<1024xi32, #tpu.memory_space<hbm>>) dst(%dma_wait3A_315 : memref<1024xi32, #tpu.memory_space<vmem>>)
      tpu.yield
    }) : () -> ()
    %dma_start3A = arith.constant 0 : i32
    %dma_start3A_5 = arith.constant 0 : i32
    %dma_start3A_6 = arith.constant 0 : i32
    %dma_start3A_7 = arith.constant 0 : i32
    %dma_start3A_8 = tpu.memref_slice %arg6[%dma_start3A_5, %dma_start3A_6, %dma_start3A_7] : memref<3x1024x32xf32, #tpu.memory_space<vmem>> -> memref<1x1024x32xf32, #tpu.memory_space<vmem>>
    %dma_start3A_9 = tpu.memref_squeeze %dma_start3A_8 : memref<1x1024x32xf32, #tpu.memory_space<vmem>> -> memref<1024x32xf32, #tpu.memory_space<vmem>>
    %dma_start3A_10 = arith.constant 0 : i32
    %dma_start3A_11 = tpu.memref_slice %arg5[%dma_start3A, %dma_start3A_10] : memref<3x1024xi32, #tpu.memory_space<vmem>> -> memref<1x1024xi32, #tpu.memory_space<vmem>>
    %dma_start3A_12 = tpu.memref_squeeze %dma_start3A_11 : memref<1x1024xi32, #tpu.memory_space<vmem>> -> memref<1024xi32, #tpu.memory_space<vmem>>
    %dma_start3A_13 = arith.constant 0 : i32
    %dma_start3A_14 = arith.constant 0 : i32
    %dma_start3A_15 = tpu.memref_slice %arg3[%dma_start3A_13, %dma_start3A_14] : memref<1000000x32xf32, #tpu.memory_space<hbm>> -> memref<1000000x32xf32, #tpu.memory_space<hbm>>
    tpu.enqueue_indirect_dma source(%dma_start3A_15 : memref<1000000x32xf32, #tpu.memory_space<hbm>>) target(%dma_start3A_9 : memref<1024x32xf32, #tpu.memory_space<vmem>>) offsets(%dma_start3A_12 : memref<1024xi32, #tpu.memory_space<vmem>>) semaphore(%arg7 : memref<!tpu.dma_semaphore, #tpu.memory_space<semaphore_mem>>)
    %add3A_16 = arith.constant 1024 : i32
    %add3A_17 = arith.addi %mul3A_2, %add3A_16 : i32
    %run_scoped3A_18 = arith.constant 1 : i32
    "tpu.region"() ({
      %run_scoped3A_300 = tpu.sem_alloc : memref<!tpu.dma_semaphore, #tpu.memory_space<semaphore_mem>>
      %dma_start3A_301 = arith.constant 0 : i32
      %dma_start3A_302 = tpu.memref_slice %arg5[%run_scoped3A_18, %dma_start3A_301] : memref<3x1024xi32, #tpu.memory_space<vmem>> -> memref<1x1024xi32, #tpu.memory_space<vmem>>
      %dma_start3A_303 = tpu.memref_squeeze %dma_start3A_302 : memref<1x1024xi32, #tpu.memory_space<vmem>> -> memref<1024xi32, #tpu.memory_space<vmem>>
      %dma_start3A_304 = tpu.memref_slice %arg2[%add3A_17] : memref<327680xi32, #tpu.memory_space<hbm>> -> memref<1024xi32, #tpu.memory_space<hbm>>
      %dma_start3A_305 = arith.constant 0 : i32
      %dma_start3A_306 = tpu.memref_slice %arg5[%run_scoped3A_18, %dma_start3A_305] : memref<3x1024xi32, #tpu.memory_space<vmem>> -> memref<1x1024xi32, #tpu.memory_space<vmem>>
      %dma_start3A_307 = tpu.memref_squeeze %dma_start3A_306 : memref<1x1024xi32, #tpu.memory_space<vmem>> -> memref<1024xi32, #tpu.memory_space<vmem>>
      %dma_start3A_308 = tpu.memref_slice %arg2[%add3A_17] : memref<327680xi32, #tpu.memory_space<hbm>> -> memref<1024xi32, #tpu.memory_space<hbm>>
      tpu.enqueue_dma source(%dma_start3A_308 : memref<1024xi32, #tpu.memory_space<hbm>>) target(%dma_start3A_307 : memref<1024xi32, #tpu.memory_space<vmem>>) target_semaphore(%run_scoped3A_300 : memref<!tpu.dma_semaphore, #tpu.memory_space<semaphore_mem>>)
      %dma_wait3A_309 = arith.constant 0 : i32
      %dma_wait3A_310 = tpu.memref_slice %arg5[%run_scoped3A_18, %dma_wait3A_309] : memref<3x1024xi32, #tpu.memory_space<vmem>> -> memref<1x1024xi32, #tpu.memory_space<vmem>>
      %dma_wait3A_311 = tpu.memref_squeeze %dma_wait3A_310 : memref<1x1024xi32, #tpu.memory_space<vmem>> -> memref<1024xi32, #tpu.memory_space<vmem>>
      %dma_wait3A_312 = tpu.memref_slice %arg2[%add3A_17] : memref<327680xi32, #tpu.memory_space<hbm>> -> memref<1024xi32, #tpu.memory_space<hbm>>
      %dma_wait3A_313 = arith.constant 0 : i32
      %dma_wait3A_314 = tpu.memref_slice %arg5[%run_scoped3A_18, %dma_wait3A_313] : memref<3x1024xi32, #tpu.memory_space<vmem>> -> memref<1x1024xi32, #tpu.memory_space<vmem>>
      %dma_wait3A_315 = tpu.memref_squeeze %dma_wait3A_314 : memref<1x1024xi32, #tpu.memory_space<vmem>> -> memref<1024xi32, #tpu.memory_space<vmem>>
      %dma_wait3A_316 = tpu.memref_slice %arg2[%add3A_17] : memref<327680xi32, #tpu.memory_space<hbm>> -> memref<1024xi32, #tpu.memory_space<hbm>>
      tpu.wait_dma2 semaphore(%run_scoped3A_300 : memref<!tpu.dma_semaphore, #tpu.memory_space<semaphore_mem>>) src(%dma_wait3A_316 : memref<1024xi32, #tpu.memory_space<hbm>>) dst(%dma_wait3A_315 : memref<1024xi32, #tpu.memory_space<vmem>>)
      tpu.yield
    }) : () -> ()
    %dma_start3A_19 = arith.constant 1 : i32
    %dma_start3A_20 = arith.constant 1 : i32
    %dma_start3A_21 = arith.constant 0 : i32
    %dma_start3A_22 = arith.constant 0 : i32
    %dma_start3A_23 = tpu.memref_slice %arg6[%dma_start3A_20, %dma_start3A_21, %dma_start3A_22] : memref<3x1024x32xf32, #tpu.memory_space<vmem>> -> memref<1x1024x32xf32, #tpu.memory_space<vmem>>
    %dma_start3A_24 = tpu.memref_squeeze %dma_start3A_23 : memref<1x1024x32xf32, #tpu.memory_space<vmem>> -> memref<1024x32xf32, #tpu.memory_space<vmem>>
    %dma_start3A_25 = arith.constant 0 : i32
    %dma_start3A_26 = tpu.memref_slice %arg5[%dma_start3A_19, %dma_start3A_25] : memref<3x1024xi32, #tpu.memory_space<vmem>> -> memref<1x1024xi32, #tpu.memory_space<vmem>>
    %dma_start3A_27 = tpu.memref_squeeze %dma_start3A_26 : memref<1x1024xi32, #tpu.memory_space<vmem>> -> memref<1024xi32, #tpu.memory_space<vmem>>
    %dma_start3A_28 = arith.constant 0 : i32
    %dma_start3A_29 = arith.constant 0 : i32
    %dma_start3A_30 = tpu.memref_slice %arg3[%dma_start3A_28, %dma_start3A_29] : memref<1000000x32xf32, #tpu.memory_space<hbm>> -> memref<1000000x32xf32, #tpu.memory_space<hbm>>
    tpu.enqueue_indirect_dma source(%dma_start3A_30 : memref<1000000x32xf32, #tpu.memory_space<hbm>>) target(%dma_start3A_24 : memref<1024x32xf32, #tpu.memory_space<vmem>>) offsets(%dma_start3A_27 : memref<1024xi32, #tpu.memory_space<vmem>>) semaphore(%arg8 : memref<!tpu.dma_semaphore, #tpu.memory_space<semaphore_mem>>)
    %add3A_31 = arith.constant 2048 : i32
    %add3A_32 = arith.addi %mul3A_2, %add3A_31 : i32
    %run_scoped3A_33 = arith.constant 2 : i32
    "tpu.region"() ({
      %run_scoped3A_300 = tpu.sem_alloc : memref<!tpu.dma_semaphore, #tpu.memory_space<semaphore_mem>>
      %dma_start3A_301 = arith.constant 0 : i32
      %dma_start3A_302 = tpu.memref_slice %arg5[%run_scoped3A_33, %dma_start3A_301] : memref<3x1024xi32, #tpu.memory_space<vmem>> -> memref<1x1024xi32, #tpu.memory_space<vmem>>
      %dma_start3A_303 = tpu.memref_squeeze %dma_start3A_302 : memref<1x1024xi32, #tpu.memory_space<vmem>> -> memref<1024xi32, #tpu.memory_space<vmem>>
      %dma_start3A_304 = tpu.memref_slice %arg2[%add3A_32] : memref<327680xi32, #tpu.memory_space<hbm>> -> memref<1024xi32, #tpu.memory_space<hbm>>
      %dma_start3A_305 = arith.constant 0 : i32
      %dma_start3A_306 = tpu.memref_slice %arg5[%run_scoped3A_33, %dma_start3A_305] : memref<3x1024xi32, #tpu.memory_space<vmem>> -> memref<1x1024xi32, #tpu.memory_space<vmem>>
      %dma_start3A_307 = tpu.memref_squeeze %dma_start3A_306 : memref<1x1024xi32, #tpu.memory_space<vmem>> -> memref<1024xi32, #tpu.memory_space<vmem>>
      %dma_start3A_308 = tpu.memref_slice %arg2[%add3A_32] : memref<327680xi32, #tpu.memory_space<hbm>> -> memref<1024xi32, #tpu.memory_space<hbm>>
      tpu.enqueue_dma source(%dma_start3A_308 : memref<1024xi32, #tpu.memory_space<hbm>>) target(%dma_start3A_307 : memref<1024xi32, #tpu.memory_space<vmem>>) target_semaphore(%run_scoped3A_300 : memref<!tpu.dma_semaphore, #tpu.memory_space<semaphore_mem>>)
      %dma_wait3A_309 = arith.constant 0 : i32
      %dma_wait3A_310 = tpu.memref_slice %arg5[%run_scoped3A_33, %dma_wait3A_309] : memref<3x1024xi32, #tpu.memory_space<vmem>> -> memref<1x1024xi32, #tpu.memory_space<vmem>>
      %dma_wait3A_311 = tpu.memref_squeeze %dma_wait3A_310 : memref<1x1024xi32, #tpu.memory_space<vmem>> -> memref<1024xi32, #tpu.memory_space<vmem>>
      %dma_wait3A_312 = tpu.memref_slice %arg2[%add3A_32] : memref<327680xi32, #tpu.memory_space<hbm>> -> memref<1024xi32, #tpu.memory_space<hbm>>
      %dma_wait3A_313 = arith.constant 0 : i32
      %dma_wait3A_314 = tpu.memref_slice %arg5[%run_scoped3A_33, %dma_wait3A_313] : memref<3x1024xi32, #tpu.memory_space<vmem>> -> memref<1x1024xi32, #tpu.memory_space<vmem>>
      %dma_wait3A_315 = tpu.memref_squeeze %dma_wait3A_314 : memref<1x1024xi32, #tpu.memory_space<vmem>> -> memref<1024xi32, #tpu.memory_space<vmem>>
      %dma_wait3A_316 = tpu.memref_slice %arg2[%add3A_32] : memref<327680xi32, #tpu.memory_space<hbm>> -> memref<1024xi32, #tpu.memory_space<hbm>>
      tpu.wait_dma2 semaphore(%run_scoped3A_300 : memref<!tpu.dma_semaphore, #tpu.memory_space<semaphore_mem>>) src(%dma_wait3A_316 : memref<1024xi32, #tpu.memory_space<hbm>>) dst(%dma_wait3A_315 : memref<1024xi32, #tpu.memory_space<vmem>>)
      tpu.yield
    }) : () -> ()
    %dma_start3A_34 = arith.constant 2 : i32
    %dma_start3A_35 = arith.constant 2 : i32
    %dma_start3A_36 = arith.constant 0 : i32
    %dma_start3A_37 = arith.constant 0 : i32
    %dma_start3A_38 = tpu.memref_slice %arg6[%dma_start3A_35, %dma_start3A_36, %dma_start3A_37] : memref<3x1024x32xf32, #tpu.memory_space<vmem>> -> memref<1x1024x32xf32, #tpu.memory_space<vmem>>
    %dma_start3A_39 = tpu.memref_squeeze %dma_start3A_38 : memref<1x1024x32xf32, #tpu.memory_space<vmem>> -> memref<1024x32xf32, #tpu.memory_space<vmem>>
    %dma_start3A_40 = arith.constant 0 : i32
    %dma_start3A_41 = tpu.memref_slice %arg5[%dma_start3A_34, %dma_start3A_40] : memref<3x1024xi32, #tpu.memory_space<vmem>> -> memref<1x1024xi32, #tpu.memory_space<vmem>>
    %dma_start3A_42 = tpu.memref_squeeze %dma_start3A_41 : memref<1x1024xi32, #tpu.memory_space<vmem>> -> memref<1024xi32, #tpu.memory_space<vmem>>
    %dma_start3A_43 = arith.constant 0 : i32
    %dma_start3A_44 = arith.constant 0 : i32
    %dma_start3A_45 = tpu.memref_slice %arg3[%dma_start3A_43, %dma_start3A_44] : memref<1000000x32xf32, #tpu.memory_space<hbm>> -> memref<1000000x32xf32, #tpu.memory_space<hbm>>
    tpu.enqueue_indirect_dma source(%dma_start3A_45 : memref<1000000x32xf32, #tpu.memory_space<hbm>>) target(%dma_start3A_39 : memref<1024x32xf32, #tpu.memory_space<vmem>>) offsets(%dma_start3A_42 : memref<1024xi32, #tpu.memory_space<vmem>>) semaphore(%arg9 : memref<!tpu.dma_semaphore, #tpu.memory_space<semaphore_mem>>)
    %dma_wait3A = arith.constant 0 : i32
    %dma_wait3A_46 = arith.constant 0 : i32
    %dma_wait3A_47 = arith.constant 0 : i32
    %dma_wait3A_48 = arith.constant 0 : i32
    %dma_wait3A_49 = tpu.memref_slice %arg6[%dma_wait3A_46, %dma_wait3A_47, %dma_wait3A_48] : memref<3x1024x32xf32, #tpu.memory_space<vmem>> -> memref<1x1024x32xf32, #tpu.memory_space<vmem>>
    %dma_wait3A_50 = tpu.memref_squeeze %dma_wait3A_49 : memref<1x1024x32xf32, #tpu.memory_space<vmem>> -> memref<1024x32xf32, #tpu.memory_space<vmem>>
    %dma_wait3A_51 = arith.constant 0 : i32
    %dma_wait3A_52 = tpu.memref_slice %arg5[%dma_wait3A, %dma_wait3A_51] : memref<3x1024xi32, #tpu.memory_space<vmem>> -> memref<1x1024xi32, #tpu.memory_space<vmem>>
    %dma_wait3A_53 = tpu.memref_squeeze %dma_wait3A_52 : memref<1x1024xi32, #tpu.memory_space<vmem>> -> memref<1024xi32, #tpu.memory_space<vmem>>
    %dma_wait3A_54 = arith.constant 0 : i32
    %dma_wait3A_55 = arith.constant 0 : i32
    %dma_wait3A_56 = tpu.memref_slice %arg3[%dma_wait3A_54, %dma_wait3A_55] : memref<1000000x32xf32, #tpu.memory_space<hbm>> -> memref<1000000x32xf32, #tpu.memory_space<hbm>>
    tpu.wait_indirect_dma semaphore(%arg7 : memref<!tpu.dma_semaphore, #tpu.memory_space<semaphore_mem>>) src(%dma_wait3A_56 : memref<1000000x32xf32, #tpu.memory_space<hbm>>) dst(%dma_wait3A_50 : memref<1024x32xf32, #tpu.memory_space<vmem>>)
    %add3A_57 = arith.constant 0 : i32
    %add3A_58 = arith.addi %mul3A_2, %add3A_57 : i32
    %run_scoped3A_59 = arith.constant 0 : i32
    "tpu.region"() ({
      %run_scoped3A_300 = tpu.sem_alloc : memref<!tpu.dma_semaphore, #tpu.memory_space<semaphore_mem>>
      %dma_start3A_301 = arith.constant 0 : i32
      %dma_start3A_302 = arith.constant 0 : i32
      %dma_start3A_303 = tpu.memref_slice %arg6[%run_scoped3A_59, %dma_start3A_301, %dma_start3A_302] : memref<3x1024x32xf32, #tpu.memory_space<vmem>> -> memref<1x1024x32xf32, #tpu.memory_space<vmem>>
      %dma_start3A_304 = tpu.memref_squeeze %dma_start3A_303 : memref<1x1024x32xf32, #tpu.memory_space<vmem>> -> memref<1024x32xf32, #tpu.memory_space<vmem>>
      %dma_start3A_305 = arith.constant 0 : i32
      %dma_start3A_306 = tpu.memref_slice %arg4[%add3A_58, %dma_start3A_305] : memref<327680x32xf32, #tpu.memory_space<hbm>> -> memref<1024x32xf32, #tpu.memory_space<hbm>>
      %dma_start3A_307 = arith.constant 0 : i32
      %dma_start3A_308 = tpu.memref_slice %arg4[%add3A_58, %dma_start3A_307] : memref<327680x32xf32, #tpu.memory_space<hbm>> -> memref<1024x32xf32, #tpu.memory_space<hbm>>
      %dma_start3A_309 = arith.constant 0 : i32
      %dma_start3A_310 = arith.constant 0 : i32
      %dma_start3A_311 = tpu.memref_slice %arg6[%run_scoped3A_59, %dma_start3A_309, %dma_start3A_310] : memref<3x1024x32xf32, #tpu.memory_space<vmem>> -> memref<1x1024x32xf32, #tpu.memory_space<vmem>>
      %dma_start3A_312 = tpu.memref_squeeze %dma_start3A_311 : memref<1x1024x32xf32, #tpu.memory_space<vmem>> -> memref<1024x32xf32, #tpu.memory_space<vmem>>
      tpu.enqueue_dma source(%dma_start3A_312 : memref<1024x32xf32, #tpu.memory_space<vmem>>) target(%dma_start3A_308 : memref<1024x32xf32, #tpu.memory_space<hbm>>) target_semaphore(%run_scoped3A_300 : memref<!tpu.dma_semaphore, #tpu.memory_space<semaphore_mem>>)
      %dma_wait3A_313 = arith.constant 0 : i32
      %dma_wait3A_314 = arith.constant 0 : i32
      %dma_wait3A_315 = tpu.memref_slice %arg6[%run_scoped3A_59, %dma_wait3A_313, %dma_wait3A_314] : memref<3x1024x32xf32, #tpu.memory_space<vmem>> -> memref<1x1024x32xf32, #tpu.memory_space<vmem>>
      %dma_wait3A_316 = tpu.memref_squeeze %dma_wait3A_315 : memref<1x1024x32xf32, #tpu.memory_space<vmem>> -> memref<1024x32xf32, #tpu.memory_space<vmem>>
      %dma_wait3A_317 = arith.constant 0 : i32
      %dma_wait3A_318 = tpu.memref_slice %arg4[%add3A_58, %dma_wait3A_317] : memref<327680x32xf32, #tpu.memory_space<hbm>> -> memref<1024x32xf32, #tpu.memory_space<hbm>>
      %dma_wait3A_319 = arith.constant 0 : i32
      %dma_wait3A_320 = tpu.memref_slice %arg4[%add3A_58, %dma_wait3A_319] : memref<327680x32xf32, #tpu.memory_space<hbm>> -> memref<1024x32xf32, #tpu.memory_space<hbm>>
      %dma_wait3A_321 = arith.constant 0 : i32
      %dma_wait3A_322 = arith.constant 0 : i32
      %dma_wait3A_323 = tpu.memref_slice %arg6[%run_scoped3A_59, %dma_wait3A_321, %dma_wait3A_322] : memref<3x1024x32xf32, #tpu.memory_space<vmem>> -> memref<1x1024x32xf32, #tpu.memory_space<vmem>>
      %dma_wait3A_324 = tpu.memref_squeeze %dma_wait3A_323 : memref<1x1024x32xf32, #tpu.memory_space<vmem>> -> memref<1024x32xf32, #tpu.memory_space<vmem>>
      tpu.wait_dma2 semaphore(%run_scoped3A_300 : memref<!tpu.dma_semaphore, #tpu.memory_space<semaphore_mem>>) src(%dma_wait3A_324 : memref<1024x32xf32, #tpu.memory_space<vmem>>) dst(%dma_wait3A_320 : memref<1024x32xf32, #tpu.memory_space<hbm>>)
      tpu.yield
    }) : () -> ()
    %add3A_60 = arith.constant 3072 : i32
    %add3A_61 = arith.addi %mul3A_2, %add3A_60 : i32
    %run_scoped3A_62 = arith.constant 0 : i32
    "tpu.region"() ({
      %run_scoped3A_300 = tpu.sem_alloc : memref<!tpu.dma_semaphore, #tpu.memory_space<semaphore_mem>>
      %dma_start3A_301 = arith.constant 0 : i32
      %dma_start3A_302 = tpu.memref_slice %arg5[%run_scoped3A_62, %dma_start3A_301] : memref<3x1024xi32, #tpu.memory_space<vmem>> -> memref<1x1024xi32, #tpu.memory_space<vmem>>
      %dma_start3A_303 = tpu.memref_squeeze %dma_start3A_302 : memref<1x1024xi32, #tpu.memory_space<vmem>> -> memref<1024xi32, #tpu.memory_space<vmem>>
      %dma_start3A_304 = tpu.memref_slice %arg2[%add3A_61] : memref<327680xi32, #tpu.memory_space<hbm>> -> memref<1024xi32, #tpu.memory_space<hbm>>
      %dma_start3A_305 = arith.constant 0 : i32
      %dma_start3A_306 = tpu.memref_slice %arg5[%run_scoped3A_62, %dma_start3A_305] : memref<3x1024xi32, #tpu.memory_space<vmem>> -> memref<1x1024xi32, #tpu.memory_space<vmem>>
      %dma_start3A_307 = tpu.memref_squeeze %dma_start3A_306 : memref<1x1024xi32, #tpu.memory_space<vmem>> -> memref<1024xi32, #tpu.memory_space<vmem>>
      %dma_start3A_308 = tpu.memref_slice %arg2[%add3A_61] : memref<327680xi32, #tpu.memory_space<hbm>> -> memref<1024xi32, #tpu.memory_space<hbm>>
      tpu.enqueue_dma source(%dma_start3A_308 : memref<1024xi32, #tpu.memory_space<hbm>>) target(%dma_start3A_307 : memref<1024xi32, #tpu.memory_space<vmem>>) target_semaphore(%run_scoped3A_300 : memref<!tpu.dma_semaphore, #tpu.memory_space<semaphore_mem>>)
      %dma_wait3A_309 = arith.constant 0 : i32
      %dma_wait3A_310 = tpu.memref_slice %arg5[%run_scoped3A_62, %dma_wait3A_309] : memref<3x1024xi32, #tpu.memory_space<vmem>> -> memref<1x1024xi32, #tpu.memory_space<vmem>>
      %dma_wait3A_311 = tpu.memref_squeeze %dma_wait3A_310 : memref<1x1024xi32, #tpu.memory_space<vmem>> -> memref<1024xi32, #tpu.memory_space<vmem>>
      %dma_wait3A_312 = tpu.memref_slice %arg2[%add3A_61] : memref<327680xi32, #tpu.memory_space<hbm>> -> memref<1024xi32, #tpu.memory_space<hbm>>
      %dma_wait3A_313 = arith.constant 0 : i32
      %dma_wait3A_314 = tpu.memref_slice %arg5[%run_scoped3A_62, %dma_wait3A_313] : memref<3x1024xi32, #tpu.memory_space<vmem>> -> memref<1x1024xi32, #tpu.memory_space<vmem>>
      %dma_wait3A_315 = tpu.memref_squeeze %dma_wait3A_314 : memref<1x1024xi32, #tpu.memory_space<vmem>> -> memref<1024xi32, #tpu.memory_space<vmem>>
      %dma_wait3A_316 = tpu.memref_slice %arg2[%add3A_61] : memref<327680xi32, #tpu.memory_space<hbm>> -> memref<1024xi32, #tpu.memory_space<hbm>>
      tpu.wait_dma2 semaphore(%run_scoped3A_300 : memref<!tpu.dma_semaphore, #tpu.memory_space<semaphore_mem>>) src(%dma_wait3A_316 : memref<1024xi32, #tpu.memory_space<hbm>>) dst(%dma_wait3A_315 : memref<1024xi32, #tpu.memory_space<vmem>>)
      tpu.yield
    }) : () -> ()
    %dma_start3A_63 = arith.constant 0 : i32
    %dma_start3A_64 = arith.constant 0 : i32
    %dma_start3A_65 = arith.constant 0 : i32
    %dma_start3A_66 = arith.constant 0 : i32
    %dma_start3A_67 = tpu.memref_slice %arg6[%dma_start3A_64, %dma_start3A_65, %dma_start3A_66] : memref<3x1024x32xf32, #tpu.memory_space<vmem>> -> memref<1x1024x32xf32, #tpu.memory_space<vmem>>
    %dma_start3A_68 = tpu.memref_squeeze %dma_start3A_67 : memref<1x1024x32xf32, #tpu.memory_space<vmem>> -> memref<1024x32xf32, #tpu.memory_space<vmem>>
    %dma_start3A_69 = arith.constant 0 : i32
    %dma_start3A_70 = tpu.memref_slice %arg5[%dma_start3A_63, %dma_start3A_69] : memref<3x1024xi32, #tpu.memory_space<vmem>> -> memref<1x1024xi32, #tpu.memory_space<vmem>>
    %dma_start3A_71 = tpu.memref_squeeze %dma_start3A_70 : memref<1x1024xi32, #tpu.memory_space<vmem>> -> memref<1024xi32, #tpu.memory_space<vmem>>
    %dma_start3A_72 = arith.constant 0 : i32
    %dma_start3A_73 = arith.constant 0 : i32
    %dma_start3A_74 = tpu.memref_slice %arg3[%dma_start3A_72, %dma_start3A_73] : memref<1000000x32xf32, #tpu.memory_space<hbm>> -> memref<1000000x32xf32, #tpu.memory_space<hbm>>
    tpu.enqueue_indirect_dma source(%dma_start3A_74 : memref<1000000x32xf32, #tpu.memory_space<hbm>>) target(%dma_start3A_68 : memref<1024x32xf32, #tpu.memory_space<vmem>>) offsets(%dma_start3A_71 : memref<1024xi32, #tpu.memory_space<vmem>>) semaphore(%arg7 : memref<!tpu.dma_semaphore, #tpu.memory_space<semaphore_mem>>)
    %dma_wait3A_75 = arith.constant 1 : i32
    %dma_wait3A_76 = arith.constant 1 : i32
    %dma_wait3A_77 = arith.constant 0 : i32
    %dma_wait3A_78 = arith.constant 0 : i32
    %dma_wait3A_79 = tpu.memref_slice %arg6[%dma_wait3A_76, %dma_wait3A_77, %dma_wait3A_78] : memref<3x1024x32xf32, #tpu.memory_space<vmem>> -> memref<1x1024x32xf32, #tpu.memory_space<vmem>>
    %dma_wait3A_80 = tpu.memref_squeeze %dma_wait3A_79 : memref<1x1024x32xf32, #tpu.memory_space<vmem>> -> memref<1024x32xf32, #tpu.memory_space<vmem>>
    %dma_wait3A_81 = arith.constant 0 : i32
    %dma_wait3A_82 = tpu.memref_slice %arg5[%dma_wait3A_75, %dma_wait3A_81] : memref<3x1024xi32, #tpu.memory_space<vmem>> -> memref<1x1024xi32, #tpu.memory_space<vmem>>
    %dma_wait3A_83 = tpu.memref_squeeze %dma_wait3A_82 : memref<1x1024xi32, #tpu.memory_space<vmem>> -> memref<1024xi32, #tpu.memory_space<vmem>>
    %dma_wait3A_84 = arith.constant 0 : i32
    %dma_wait3A_85 = arith.constant 0 : i32
    %dma_wait3A_86 = tpu.memref_slice %arg3[%dma_wait3A_84, %dma_wait3A_85] : memref<1000000x32xf32, #tpu.memory_space<hbm>> -> memref<1000000x32xf32, #tpu.memory_space<hbm>>
    tpu.wait_indirect_dma semaphore(%arg8 : memref<!tpu.dma_semaphore, #tpu.memory_space<semaphore_mem>>) src(%dma_wait3A_86 : memref<1000000x32xf32, #tpu.memory_space<hbm>>) dst(%dma_wait3A_80 : memref<1024x32xf32, #tpu.memory_space<vmem>>)
    %add3A_87 = arith.constant 1024 : i32
    %add3A_88 = arith.addi %mul3A_2, %add3A_87 : i32
    %run_scoped3A_89 = arith.constant 1 : i32
    "tpu.region"() ({
      %run_scoped3A_300 = tpu.sem_alloc : memref<!tpu.dma_semaphore, #tpu.memory_space<semaphore_mem>>
      %dma_start3A_301 = arith.constant 0 : i32
      %dma_start3A_302 = arith.constant 0 : i32
      %dma_start3A_303 = tpu.memref_slice %arg6[%run_scoped3A_89, %dma_start3A_301, %dma_start3A_302] : memref<3x1024x32xf32, #tpu.memory_space<vmem>> -> memref<1x1024x32xf32, #tpu.memory_space<vmem>>
      %dma_start3A_304 = tpu.memref_squeeze %dma_start3A_303 : memref<1x1024x32xf32, #tpu.memory_space<vmem>> -> memref<1024x32xf32, #tpu.memory_space<vmem>>
      %dma_start3A_305 = arith.constant 0 : i32
      %dma_start3A_306 = tpu.memref_slice %arg4[%add3A_88, %dma_start3A_305] : memref<327680x32xf32, #tpu.memory_space<hbm>> -> memref<1024x32xf32, #tpu.memory_space<hbm>>
      %dma_start3A_307 = arith.constant 0 : i32
      %dma_start3A_308 = tpu.memref_slice %arg4[%add3A_88, %dma_start3A_307] : memref<327680x32xf32, #tpu.memory_space<hbm>> -> memref<1024x32xf32, #tpu.memory_space<hbm>>
      %dma_start3A_309 = arith.constant 0 : i32
      %dma_start3A_310 = arith.constant 0 : i32
      %dma_start3A_311 = tpu.memref_slice %arg6[%run_scoped3A_89, %dma_start3A_309, %dma_start3A_310] : memref<3x1024x32xf32, #tpu.memory_space<vmem>> -> memref<1x1024x32xf32, #tpu.memory_space<vmem>>
      %dma_start3A_312 = tpu.memref_squeeze %dma_start3A_311 : memref<1x1024x32xf32, #tpu.memory_space<vmem>> -> memref<1024x32xf32, #tpu.memory_space<vmem>>
      tpu.enqueue_dma source(%dma_start3A_312 : memref<1024x32xf32, #tpu.memory_space<vmem>>) target(%dma_start3A_308 : memref<1024x32xf32, #tpu.memory_space<hbm>>) target_semaphore(%run_scoped3A_300 : memref<!tpu.dma_semaphore, #tpu.memory_space<semaphore_mem>>)
      %dma_wait3A_313 = arith.constant 0 : i32
      %dma_wait3A_314 = arith.constant 0 : i32
      %dma_wait3A_315 = tpu.memref_slice %arg6[%run_scoped3A_89, %dma_wait3A_313, %dma_wait3A_314] : memref<3x1024x32xf32, #tpu.memory_space<vmem>> -> memref<1x1024x32xf32, #tpu.memory_space<vmem>>
      %dma_wait3A_316 = tpu.memref_squeeze %dma_wait3A_315 : memref<1x1024x32xf32, #tpu.memory_space<vmem>> -> memref<1024x32xf32, #tpu.memory_space<vmem>>
      %dma_wait3A_317 = arith.constant 0 : i32
      %dma_wait3A_318 = tpu.memref_slice %arg4[%add3A_88, %dma_wait3A_317] : memref<327680x32xf32, #tpu.memory_space<hbm>> -> memref<1024x32xf32, #tpu.memory_space<hbm>>
      %dma_wait3A_319 = arith.constant 0 : i32
      %dma_wait3A_320 = tpu.memref_slice %arg4[%add3A_88, %dma_wait3A_319] : memref<327680x32xf32, #tpu.memory_space<hbm>> -> memref<1024x32xf32, #tpu.memory_space<hbm>>
      %dma_wait3A_321 = arith.constant 0 : i32
      %dma_wait3A_322 = arith.constant 0 : i32
      %dma_wait3A_323 = tpu.memref_slice %arg6[%run_scoped3A_89, %dma_wait3A_321, %dma_wait3A_322] : memref<3x1024x32xf32, #tpu.memory_space<vmem>> -> memref<1x1024x32xf32, #tpu.memory_space<vmem>>
      %dma_wait3A_324 = tpu.memref_squeeze %dma_wait3A_323 : memref<1x1024x32xf32, #tpu.memory_space<vmem>> -> memref<1024x32xf32, #tpu.memory_space<vmem>>
      tpu.wait_dma2 semaphore(%run_scoped3A_300 : memref<!tpu.dma_semaphore, #tpu.memory_space<semaphore_mem>>) src(%dma_wait3A_324 : memref<1024x32xf32, #tpu.memory_space<vmem>>) dst(%dma_wait3A_320 : memref<1024x32xf32, #tpu.memory_space<hbm>>)
      tpu.yield
    }) : () -> ()
    %add3A_90 = arith.constant 4096 : i32
    %add3A_91 = arith.addi %mul3A_2, %add3A_90 : i32
    %run_scoped3A_92 = arith.constant 1 : i32
    "tpu.region"() ({
      %run_scoped3A_300 = tpu.sem_alloc : memref<!tpu.dma_semaphore, #tpu.memory_space<semaphore_mem>>
      %dma_start3A_301 = arith.constant 0 : i32
      %dma_start3A_302 = tpu.memref_slice %arg5[%run_scoped3A_92, %dma_start3A_301] : memref<3x1024xi32, #tpu.memory_space<vmem>> -> memref<1x1024xi32, #tpu.memory_space<vmem>>
      %dma_start3A_303 = tpu.memref_squeeze %dma_start3A_302 : memref<1x1024xi32, #tpu.memory_space<vmem>> -> memref<1024xi32, #tpu.memory_space<vmem>>
      %dma_start3A_304 = tpu.memref_slice %arg2[%add3A_91] : memref<327680xi32, #tpu.memory_space<hbm>> -> memref<1024xi32, #tpu.memory_space<hbm>>
      %dma_start3A_305 = arith.constant 0 : i32
      %dma_start3A_306 = tpu.memref_slice %arg5[%run_scoped3A_92, %dma_start3A_305] : memref<3x1024xi32, #tpu.memory_space<vmem>> -> memref<1x1024xi32, #tpu.memory_space<vmem>>
      %dma_start3A_307 = tpu.memref_squeeze %dma_start3A_306 : memref<1x1024xi32, #tpu.memory_space<vmem>> -> memref<1024xi32, #tpu.memory_space<vmem>>
      %dma_start3A_308 = tpu.memref_slice %arg2[%add3A_91] : memref<327680xi32, #tpu.memory_space<hbm>> -> memref<1024xi32, #tpu.memory_space<hbm>>
      tpu.enqueue_dma source(%dma_start3A_308 : memref<1024xi32, #tpu.memory_space<hbm>>) target(%dma_start3A_307 : memref<1024xi32, #tpu.memory_space<vmem>>) target_semaphore(%run_scoped3A_300 : memref<!tpu.dma_semaphore, #tpu.memory_space<semaphore_mem>>)
      %dma_wait3A_309 = arith.constant 0 : i32
      %dma_wait3A_310 = tpu.memref_slice %arg5[%run_scoped3A_92, %dma_wait3A_309] : memref<3x1024xi32, #tpu.memory_space<vmem>> -> memref<1x1024xi32, #tpu.memory_space<vmem>>
      %dma_wait3A_311 = tpu.memref_squeeze %dma_wait3A_310 : memref<1x1024xi32, #tpu.memory_space<vmem>> -> memref<1024xi32, #tpu.memory_space<vmem>>
      %dma_wait3A_312 = tpu.memref_slice %arg2[%add3A_91] : memref<327680xi32, #tpu.memory_space<hbm>> -> memref<1024xi32, #tpu.memory_space<hbm>>
      %dma_wait3A_313 = arith.constant 0 : i32
      %dma_wait3A_314 = tpu.memref_slice %arg5[%run_scoped3A_92, %dma_wait3A_313] : memref<3x1024xi32, #tpu.memory_space<vmem>> -> memref<1x1024xi32, #tpu.memory_space<vmem>>
      %dma_wait3A_315 = tpu.memref_squeeze %dma_wait3A_314 : memref<1x1024xi32, #tpu.memory_space<vmem>> -> memref<1024xi32, #tpu.memory_space<vmem>>
      %dma_wait3A_316 = tpu.memref_slice %arg2[%add3A_91] : memref<327680xi32, #tpu.memory_space<hbm>> -> memref<1024xi32, #tpu.memory_space<hbm>>
      tpu.wait_dma2 semaphore(%run_scoped3A_300 : memref<!tpu.dma_semaphore, #tpu.memory_space<semaphore_mem>>) src(%dma_wait3A_316 : memref<1024xi32, #tpu.memory_space<hbm>>) dst(%dma_wait3A_315 : memref<1024xi32, #tpu.memory_space<vmem>>)
      tpu.yield
    }) : () -> ()
    %dma_start3A_93 = arith.constant 1 : i32
    %dma_start3A_94 = arith.constant 1 : i32
    %dma_start3A_95 = arith.constant 0 : i32
    %dma_start3A_96 = arith.constant 0 : i32
    %dma_start3A_97 = tpu.memref_slice %arg6[%dma_start3A_94, %dma_start3A_95, %dma_start3A_96] : memref<3x1024x32xf32, #tpu.memory_space<vmem>> -> memref<1x1024x32xf32, #tpu.memory_space<vmem>>
    %dma_start3A_98 = tpu.memref_squeeze %dma_start3A_97 : memref<1x1024x32xf32, #tpu.memory_space<vmem>> -> memref<1024x32xf32, #tpu.memory_space<vmem>>
    %dma_start3A_99 = arith.constant 0 : i32
    %dma_start3A_100 = tpu.memref_slice %arg5[%dma_start3A_93, %dma_start3A_99] : memref<3x1024xi32, #tpu.memory_space<vmem>> -> memref<1x1024xi32, #tpu.memory_space<vmem>>
    %dma_start3A_101 = tpu.memref_squeeze %dma_start3A_100 : memref<1x1024xi32, #tpu.memory_space<vmem>> -> memref<1024xi32, #tpu.memory_space<vmem>>
    %dma_start3A_102 = arith.constant 0 : i32
    %dma_start3A_103 = arith.constant 0 : i32
    %dma_start3A_104 = tpu.memref_slice %arg3[%dma_start3A_102, %dma_start3A_103] : memref<1000000x32xf32, #tpu.memory_space<hbm>> -> memref<1000000x32xf32, #tpu.memory_space<hbm>>
    tpu.enqueue_indirect_dma source(%dma_start3A_104 : memref<1000000x32xf32, #tpu.memory_space<hbm>>) target(%dma_start3A_98 : memref<1024x32xf32, #tpu.memory_space<vmem>>) offsets(%dma_start3A_101 : memref<1024xi32, #tpu.memory_space<vmem>>) semaphore(%arg8 : memref<!tpu.dma_semaphore, #tpu.memory_space<semaphore_mem>>)
    %dma_wait3A_105 = arith.constant 2 : i32
    %dma_wait3A_106 = arith.constant 2 : i32
    %dma_wait3A_107 = arith.constant 0 : i32
    %dma_wait3A_108 = arith.constant 0 : i32
    %dma_wait3A_109 = tpu.memref_slice %arg6[%dma_wait3A_106, %dma_wait3A_107, %dma_wait3A_108] : memref<3x1024x32xf32, #tpu.memory_space<vmem>> -> memref<1x1024x32xf32, #tpu.memory_space<vmem>>
    %dma_wait3A_110 = tpu.memref_squeeze %dma_wait3A_109 : memref<1x1024x32xf32, #tpu.memory_space<vmem>> -> memref<1024x32xf32, #tpu.memory_space<vmem>>
    %dma_wait3A_111 = arith.constant 0 : i32
    %dma_wait3A_112 = tpu.memref_slice %arg5[%dma_wait3A_105, %dma_wait3A_111] : memref<3x1024xi32, #tpu.memory_space<vmem>> -> memref<1x1024xi32, #tpu.memory_space<vmem>>
    %dma_wait3A_113 = tpu.memref_squeeze %dma_wait3A_112 : memref<1x1024xi32, #tpu.memory_space<vmem>> -> memref<1024xi32, #tpu.memory_space<vmem>>
    %dma_wait3A_114 = arith.constant 0 : i32
    %dma_wait3A_115 = arith.constant 0 : i32
    %dma_wait3A_116 = tpu.memref_slice %arg3[%dma_wait3A_114, %dma_wait3A_115] : memref<1000000x32xf32, #tpu.memory_space<hbm>> -> memref<1000000x32xf32, #tpu.memory_space<hbm>>
    tpu.wait_indirect_dma semaphore(%arg9 : memref<!tpu.dma_semaphore, #tpu.memory_space<semaphore_mem>>) src(%dma_wait3A_116 : memref<1000000x32xf32, #tpu.memory_space<hbm>>) dst(%dma_wait3A_110 : memref<1024x32xf32, #tpu.memory_space<vmem>>)
    %add3A_117 = arith.constant 2048 : i32
    %add3A_118 = arith.addi %mul3A_2, %add3A_117 : i32
    %run_scoped3A_119 = arith.constant 2 : i32
    "tpu.region"() ({
      %run_scoped3A_300 = tpu.sem_alloc : memref<!tpu.dma_semaphore, #tpu.memory_space<semaphore_mem>>
      %dma_start3A_301 = arith.constant 0 : i32
      %dma_start3A_302 = arith.constant 0 : i32
      %dma_start3A_303 = tpu.memref_slice %arg6[%run_scoped3A_119, %dma_start3A_301, %dma_start3A_302] : memref<3x1024x32xf32, #tpu.memory_space<vmem>> -> memref<1x1024x32xf32, #tpu.memory_space<vmem>>
      %dma_start3A_304 = tpu.memref_squeeze %dma_start3A_303 : memref<1x1024x32xf32, #tpu.memory_space<vmem>> -> memref<1024x32xf32, #tpu.memory_space<vmem>>
      %dma_start3A_305 = arith.constant 0 : i32
      %dma_start3A_306 = tpu.memref_slice %arg4[%add3A_118, %dma_start3A_305] : memref<327680x32xf32, #tpu.memory_space<hbm>> -> memref<1024x32xf32, #tpu.memory_space<hbm>>
      %dma_start3A_307 = arith.constant 0 : i32
      %dma_start3A_308 = tpu.memref_slice %arg4[%add3A_118, %dma_start3A_307] : memref<327680x32xf32, #tpu.memory_space<hbm>> -> memref<1024x32xf32, #tpu.memory_space<hbm>>
      %dma_start3A_309 = arith.constant 0 : i32
      %dma_start3A_310 = arith.constant 0 : i32
      %dma_start3A_311 = tpu.memref_slice %arg6[%run_scoped3A_119, %dma_start3A_309, %dma_start3A_310] : memref<3x1024x32xf32, #tpu.memory_space<vmem>> -> memref<1x1024x32xf32, #tpu.memory_space<vmem>>
      %dma_start3A_312 = tpu.memref_squeeze %dma_start3A_311 : memref<1x1024x32xf32, #tpu.memory_space<vmem>> -> memref<1024x32xf32, #tpu.memory_space<vmem>>
      tpu.enqueue_dma source(%dma_start3A_312 : memref<1024x32xf32, #tpu.memory_space<vmem>>) target(%dma_start3A_308 : memref<1024x32xf32, #tpu.memory_space<hbm>>) target_semaphore(%run_scoped3A_300 : memref<!tpu.dma_semaphore, #tpu.memory_space<semaphore_mem>>)
      %dma_wait3A_313 = arith.constant 0 : i32
      %dma_wait3A_314 = arith.constant 0 : i32
      %dma_wait3A_315 = tpu.memref_slice %arg6[%run_scoped3A_119, %dma_wait3A_313, %dma_wait3A_314] : memref<3x1024x32xf32, #tpu.memory_space<vmem>> -> memref<1x1024x32xf32, #tpu.memory_space<vmem>>
      %dma_wait3A_316 = tpu.memref_squeeze %dma_wait3A_315 : memref<1x1024x32xf32, #tpu.memory_space<vmem>> -> memref<1024x32xf32, #tpu.memory_space<vmem>>
      %dma_wait3A_317 = arith.constant 0 : i32
      %dma_wait3A_318 = tpu.memref_slice %arg4[%add3A_118, %dma_wait3A_317] : memref<327680x32xf32, #tpu.memory_space<hbm>> -> memref<1024x32xf32, #tpu.memory_space<hbm>>
      %dma_wait3A_319 = arith.constant 0 : i32
      %dma_wait3A_320 = tpu.memref_slice %arg4[%add3A_118, %dma_wait3A_319] : memref<327680x32xf32, #tpu.memory_space<hbm>> -> memref<1024x32xf32, #tpu.memory_space<hbm>>
      %dma_wait3A_321 = arith.constant 0 : i32
      %dma_wait3A_322 = arith.constant 0 : i32
      %dma_wait3A_323 = tpu.memref_slice %arg6[%run_scoped3A_119, %dma_wait3A_321, %dma_wait3A_322] : memref<3x1024x32xf32, #tpu.memory_space<vmem>> -> memref<1x1024x32xf32, #tpu.memory_space<vmem>>
      %dma_wait3A_324 = tpu.memref_squeeze %dma_wait3A_323 : memref<1x1024x32xf32, #tpu.memory_space<vmem>> -> memref<1024x32xf32, #tpu.memory_space<vmem>>
      tpu.wait_dma2 semaphore(%run_scoped3A_300 : memref<!tpu.dma_semaphore, #tpu.memory_space<semaphore_mem>>) src(%dma_wait3A_324 : memref<1024x32xf32, #tpu.memory_space<vmem>>) dst(%dma_wait3A_320 : memref<1024x32xf32, #tpu.memory_space<hbm>>)
      tpu.yield
    }) : () -> ()
    %add3A_120 = arith.constant 5120 : i32
    %add3A_121 = arith.addi %mul3A_2, %add3A_120 : i32
    %run_scoped3A_122 = arith.constant 2 : i32
    "tpu.region"() ({
      %run_scoped3A_300 = tpu.sem_alloc : memref<!tpu.dma_semaphore, #tpu.memory_space<semaphore_mem>>
      %dma_start3A_301 = arith.constant 0 : i32
      %dma_start3A_302 = tpu.memref_slice %arg5[%run_scoped3A_122, %dma_start3A_301] : memref<3x1024xi32, #tpu.memory_space<vmem>> -> memref<1x1024xi32, #tpu.memory_space<vmem>>
      %dma_start3A_303 = tpu.memref_squeeze %dma_start3A_302 : memref<1x1024xi32, #tpu.memory_space<vmem>> -> memref<1024xi32, #tpu.memory_space<vmem>>
      %dma_start3A_304 = tpu.memref_slice %arg2[%add3A_121] : memref<327680xi32, #tpu.memory_space<hbm>> -> memref<1024xi32, #tpu.memory_space<hbm>>
      %dma_start3A_305 = arith.constant 0 : i32
      %dma_start3A_306 = tpu.memref_slice %arg5[%run_scoped3A_122, %dma_start3A_305] : memref<3x1024xi32, #tpu.memory_space<vmem>> -> memref<1x1024xi32, #tpu.memory_space<vmem>>
      %dma_start3A_307 = tpu.memref_squeeze %dma_start3A_306 : memref<1x1024xi32, #tpu.memory_space<vmem>> -> memref<1024xi32, #tpu.memory_space<vmem>>
      %dma_start3A_308 = tpu.memref_slice %arg2[%add3A_121] : memref<327680xi32, #tpu.memory_space<hbm>> -> memref<1024xi32, #tpu.memory_space<hbm>>
      tpu.enqueue_dma source(%dma_start3A_308 : memref<1024xi32, #tpu.memory_space<hbm>>) target(%dma_start3A_307 : memref<1024xi32, #tpu.memory_space<vmem>>) target_semaphore(%run_scoped3A_300 : memref<!tpu.dma_semaphore, #tpu.memory_space<semaphore_mem>>)
      %dma_wait3A_309 = arith.constant 0 : i32
      %dma_wait3A_310 = tpu.memref_slice %arg5[%run_scoped3A_122, %dma_wait3A_309] : memref<3x1024xi32, #tpu.memory_space<vmem>> -> memref<1x1024xi32, #tpu.memory_space<vmem>>
      %dma_wait3A_311 = tpu.memref_squeeze %dma_wait3A_310 : memref<1x1024xi32, #tpu.memory_space<vmem>> -> memref<1024xi32, #tpu.memory_space<vmem>>
      %dma_wait3A_312 = tpu.memref_slice %arg2[%add3A_121] : memref<327680xi32, #tpu.memory_space<hbm>> -> memref<1024xi32, #tpu.memory_space<hbm>>
      %dma_wait3A_313 = arith.constant 0 : i32
      %dma_wait3A_314 = tpu.memref_slice %arg5[%run_scoped3A_122, %dma_wait3A_313] : memref<3x1024xi32, #tpu.memory_space<vmem>> -> memref<1x1024xi32, #tpu.memory_space<vmem>>
      %dma_wait3A_315 = tpu.memref_squeeze %dma_wait3A_314 : memref<1x1024xi32, #tpu.memory_space<vmem>> -> memref<1024xi32, #tpu.memory_space<vmem>>
      %dma_wait3A_316 = tpu.memref_slice %arg2[%add3A_121] : memref<327680xi32, #tpu.memory_space<hbm>> -> memref<1024xi32, #tpu.memory_space<hbm>>
      tpu.wait_dma2 semaphore(%run_scoped3A_300 : memref<!tpu.dma_semaphore, #tpu.memory_space<semaphore_mem>>) src(%dma_wait3A_316 : memref<1024xi32, #tpu.memory_space<hbm>>) dst(%dma_wait3A_315 : memref<1024xi32, #tpu.memory_space<vmem>>)
      tpu.yield
    }) : () -> ()
    %dma_start3A_123 = arith.constant 2 : i32
    %dma_start3A_124 = arith.constant 2 : i32
    %dma_start3A_125 = arith.constant 0 : i32
    %dma_start3A_126 = arith.constant 0 : i32
    %dma_start3A_127 = tpu.memref_slice %arg6[%dma_start3A_124, %dma_start3A_125, %dma_start3A_126] : memref<3x1024x32xf32, #tpu.memory_space<vmem>> -> memref<1x1024x32xf32, #tpu.memory_space<vmem>>
    %dma_start3A_128 = tpu.memref_squeeze %dma_start3A_127 : memref<1x1024x32xf32, #tpu.memory_space<vmem>> -> memref<1024x32xf32, #tpu.memory_space<vmem>>
    %dma_start3A_129 = arith.constant 0 : i32
    %dma_start3A_130 = tpu.memref_slice %arg5[%dma_start3A_123, %dma_start3A_129] : memref<3x1024xi32, #tpu.memory_space<vmem>> -> memref<1x1024xi32, #tpu.memory_space<vmem>>
    %dma_start3A_131 = tpu.memref_squeeze %dma_start3A_130 : memref<1x1024xi32, #tpu.memory_space<vmem>> -> memref<1024xi32, #tpu.memory_space<vmem>>
    %dma_start3A_132 = arith.constant 0 : i32
    %dma_start3A_133 = arith.constant 0 : i32
    %dma_start3A_134 = tpu.memref_slice %arg3[%dma_start3A_132, %dma_start3A_133] : memref<1000000x32xf32, #tpu.memory_space<hbm>> -> memref<1000000x32xf32, #tpu.memory_space<hbm>>
    tpu.enqueue_indirect_dma source(%dma_start3A_134 : memref<1000000x32xf32, #tpu.memory_space<hbm>>) target(%dma_start3A_128 : memref<1024x32xf32, #tpu.memory_space<vmem>>) offsets(%dma_start3A_131 : memref<1024xi32, #tpu.memory_space<vmem>>) semaphore(%arg9 : memref<!tpu.dma_semaphore, #tpu.memory_space<semaphore_mem>>)
    %dma_wait3A_135 = arith.constant 0 : i32
    %dma_wait3A_136 = arith.constant 0 : i32
    %dma_wait3A_137 = arith.constant 0 : i32
    %dma_wait3A_138 = arith.constant 0 : i32
    %dma_wait3A_139 = tpu.memref_slice %arg6[%dma_wait3A_136, %dma_wait3A_137, %dma_wait3A_138] : memref<3x1024x32xf32, #tpu.memory_space<vmem>> -> memref<1x1024x32xf32, #tpu.memory_space<vmem>>
    %dma_wait3A_140 = tpu.memref_squeeze %dma_wait3A_139 : memref<1x1024x32xf32, #tpu.memory_space<vmem>> -> memref<1024x32xf32, #tpu.memory_space<vmem>>
    %dma_wait3A_141 = arith.constant 0 : i32
    %dma_wait3A_142 = tpu.memref_slice %arg5[%dma_wait3A_135, %dma_wait3A_141] : memref<3x1024xi32, #tpu.memory_space<vmem>> -> memref<1x1024xi32, #tpu.memory_space<vmem>>
    %dma_wait3A_143 = tpu.memref_squeeze %dma_wait3A_142 : memref<1x1024xi32, #tpu.memory_space<vmem>> -> memref<1024xi32, #tpu.memory_space<vmem>>
    %dma_wait3A_144 = arith.constant 0 : i32
    %dma_wait3A_145 = arith.constant 0 : i32
    %dma_wait3A_146 = tpu.memref_slice %arg3[%dma_wait3A_144, %dma_wait3A_145] : memref<1000000x32xf32, #tpu.memory_space<hbm>> -> memref<1000000x32xf32, #tpu.memory_space<hbm>>
    tpu.wait_indirect_dma semaphore(%arg7 : memref<!tpu.dma_semaphore, #tpu.memory_space<semaphore_mem>>) src(%dma_wait3A_146 : memref<1000000x32xf32, #tpu.memory_space<hbm>>) dst(%dma_wait3A_140 : memref<1024x32xf32, #tpu.memory_space<vmem>>)
    %add3A_147 = arith.constant 3072 : i32
    %add3A_148 = arith.addi %mul3A_2, %add3A_147 : i32
    %run_scoped3A_149 = arith.constant 0 : i32
    "tpu.region"() ({
      %run_scoped3A_300 = tpu.sem_alloc : memref<!tpu.dma_semaphore, #tpu.memory_space<semaphore_mem>>
      %dma_start3A_301 = arith.constant 0 : i32
      %dma_start3A_302 = arith.constant 0 : i32
      %dma_start3A_303 = tpu.memref_slice %arg6[%run_scoped3A_149, %dma_start3A_301, %dma_start3A_302] : memref<3x1024x32xf32, #tpu.memory_space<vmem>> -> memref<1x1024x32xf32, #tpu.memory_space<vmem>>
      %dma_start3A_304 = tpu.memref_squeeze %dma_start3A_303 : memref<1x1024x32xf32, #tpu.memory_space<vmem>> -> memref<1024x32xf32, #tpu.memory_space<vmem>>
      %dma_start3A_305 = arith.constant 0 : i32
      %dma_start3A_306 = tpu.memref_slice %arg4[%add3A_148, %dma_start3A_305] : memref<327680x32xf32, #tpu.memory_space<hbm>> -> memref<1024x32xf32, #tpu.memory_space<hbm>>
      %dma_start3A_307 = arith.constant 0 : i32
      %dma_start3A_308 = tpu.memref_slice %arg4[%add3A_148, %dma_start3A_307] : memref<327680x32xf32, #tpu.memory_space<hbm>> -> memref<1024x32xf32, #tpu.memory_space<hbm>>
      %dma_start3A_309 = arith.constant 0 : i32
      %dma_start3A_310 = arith.constant 0 : i32
      %dma_start3A_311 = tpu.memref_slice %arg6[%run_scoped3A_149, %dma_start3A_309, %dma_start3A_310] : memref<3x1024x32xf32, #tpu.memory_space<vmem>> -> memref<1x1024x32xf32, #tpu.memory_space<vmem>>
      %dma_start3A_312 = tpu.memref_squeeze %dma_start3A_311 : memref<1x1024x32xf32, #tpu.memory_space<vmem>> -> memref<1024x32xf32, #tpu.memory_space<vmem>>
      tpu.enqueue_dma source(%dma_start3A_312 : memref<1024x32xf32, #tpu.memory_space<vmem>>) target(%dma_start3A_308 : memref<1024x32xf32, #tpu.memory_space<hbm>>) target_semaphore(%run_scoped3A_300 : memref<!tpu.dma_semaphore, #tpu.memory_space<semaphore_mem>>)
      %dma_wait3A_313 = arith.constant 0 : i32
      %dma_wait3A_314 = arith.constant 0 : i32
      %dma_wait3A_315 = tpu.memref_slice %arg6[%run_scoped3A_149, %dma_wait3A_313, %dma_wait3A_314] : memref<3x1024x32xf32, #tpu.memory_space<vmem>> -> memref<1x1024x32xf32, #tpu.memory_space<vmem>>
      %dma_wait3A_316 = tpu.memref_squeeze %dma_wait3A_315 : memref<1x1024x32xf32, #tpu.memory_space<vmem>> -> memref<1024x32xf32, #tpu.memory_space<vmem>>
      %dma_wait3A_317 = arith.constant 0 : i32
      %dma_wait3A_318 = tpu.memref_slice %arg4[%add3A_148, %dma_wait3A_317] : memref<327680x32xf32, #tpu.memory_space<hbm>> -> memref<1024x32xf32, #tpu.memory_space<hbm>>
      %dma_wait3A_319 = arith.constant 0 : i32
      %dma_wait3A_320 = tpu.memref_slice %arg4[%add3A_148, %dma_wait3A_319] : memref<327680x32xf32, #tpu.memory_space<hbm>> -> memref<1024x32xf32, #tpu.memory_space<hbm>>
      %dma_wait3A_321 = arith.constant 0 : i32
      %dma_wait3A_322 = arith.constant 0 : i32
      %dma_wait3A_323 = tpu.memref_slice %arg6[%run_scoped3A_149, %dma_wait3A_321, %dma_wait3A_322] : memref<3x1024x32xf32, #tpu.memory_space<vmem>> -> memref<1x1024x32xf32, #tpu.memory_space<vmem>>
      %dma_wait3A_324 = tpu.memref_squeeze %dma_wait3A_323 : memref<1x1024x32xf32, #tpu.memory_space<vmem>> -> memref<1024x32xf32, #tpu.memory_space<vmem>>
      tpu.wait_dma2 semaphore(%run_scoped3A_300 : memref<!tpu.dma_semaphore, #tpu.memory_space<semaphore_mem>>) src(%dma_wait3A_324 : memref<1024x32xf32, #tpu.memory_space<vmem>>) dst(%dma_wait3A_320 : memref<1024x32xf32, #tpu.memory_space<hbm>>)
      tpu.yield
    }) : () -> ()
    %add3A_150 = arith.constant 6144 : i32
    %add3A_151 = arith.addi %mul3A_2, %add3A_150 : i32
    %run_scoped3A_152 = arith.constant 0 : i32
    "tpu.region"() ({
      %run_scoped3A_300 = tpu.sem_alloc : memref<!tpu.dma_semaphore, #tpu.memory_space<semaphore_mem>>
      %dma_start3A_301 = arith.constant 0 : i32
      %dma_start3A_302 = tpu.memref_slice %arg5[%run_scoped3A_152, %dma_start3A_301] : memref<3x1024xi32, #tpu.memory_space<vmem>> -> memref<1x1024xi32, #tpu.memory_space<vmem>>
      %dma_start3A_303 = tpu.memref_squeeze %dma_start3A_302 : memref<1x1024xi32, #tpu.memory_space<vmem>> -> memref<1024xi32, #tpu.memory_space<vmem>>
      %dma_start3A_304 = tpu.memref_slice %arg2[%add3A_151] : memref<327680xi32, #tpu.memory_space<hbm>> -> memref<1024xi32, #tpu.memory_space<hbm>>
      %dma_start3A_305 = arith.constant 0 : i32
      %dma_start3A_306 = tpu.memref_slice %arg5[%run_scoped3A_152, %dma_start3A_305] : memref<3x1024xi32, #tpu.memory_space<vmem>> -> memref<1x1024xi32, #tpu.memory_space<vmem>>
      %dma_start3A_307 = tpu.memref_squeeze %dma_start3A_306 : memref<1x1024xi32, #tpu.memory_space<vmem>> -> memref<1024xi32, #tpu.memory_space<vmem>>
      %dma_start3A_308 = tpu.memref_slice %arg2[%add3A_151] : memref<327680xi32, #tpu.memory_space<hbm>> -> memref<1024xi32, #tpu.memory_space<hbm>>
      tpu.enqueue_dma source(%dma_start3A_308 : memref<1024xi32, #tpu.memory_space<hbm>>) target(%dma_start3A_307 : memref<1024xi32, #tpu.memory_space<vmem>>) target_semaphore(%run_scoped3A_300 : memref<!tpu.dma_semaphore, #tpu.memory_space<semaphore_mem>>)
      %dma_wait3A_309 = arith.constant 0 : i32
      %dma_wait3A_310 = tpu.memref_slice %arg5[%run_scoped3A_152, %dma_wait3A_309] : memref<3x1024xi32, #tpu.memory_space<vmem>> -> memref<1x1024xi32, #tpu.memory_space<vmem>>
      %dma_wait3A_311 = tpu.memref_squeeze %dma_wait3A_310 : memref<1x1024xi32, #tpu.memory_space<vmem>> -> memref<1024xi32, #tpu.memory_space<vmem>>
      %dma_wait3A_312 = tpu.memref_slice %arg2[%add3A_151] : memref<327680xi32, #tpu.memory_space<hbm>> -> memref<1024xi32, #tpu.memory_space<hbm>>
      %dma_wait3A_313 = arith.constant 0 : i32
      %dma_wait3A_314 = tpu.memref_slice %arg5[%run_scoped3A_152, %dma_wait3A_313] : memref<3x1024xi32, #tpu.memory_space<vmem>> -> memref<1x1024xi32, #tpu.memory_space<vmem>>
      %dma_wait3A_315 = tpu.memref_squeeze %dma_wait3A_314 : memref<1x1024xi32, #tpu.memory_space<vmem>> -> memref<1024xi32, #tpu.memory_space<vmem>>
      %dma_wait3A_316 = tpu.memref_slice %arg2[%add3A_151] : memref<327680xi32, #tpu.memory_space<hbm>> -> memref<1024xi32, #tpu.memory_space<hbm>>
      tpu.wait_dma2 semaphore(%run_scoped3A_300 : memref<!tpu.dma_semaphore, #tpu.memory_space<semaphore_mem>>) src(%dma_wait3A_316 : memref<1024xi32, #tpu.memory_space<hbm>>) dst(%dma_wait3A_315 : memref<1024xi32, #tpu.memory_space<vmem>>)
      tpu.yield
    }) : () -> ()
    %dma_start3A_153 = arith.constant 0 : i32
    %dma_start3A_154 = arith.constant 0 : i32
    %dma_start3A_155 = arith.constant 0 : i32
    %dma_start3A_156 = arith.constant 0 : i32
    %dma_start3A_157 = tpu.memref_slice %arg6[%dma_start3A_154, %dma_start3A_155, %dma_start3A_156] : memref<3x1024x32xf32, #tpu.memory_space<vmem>> -> memref<1x1024x32xf32, #tpu.memory_space<vmem>>
    %dma_start3A_158 = tpu.memref_squeeze %dma_start3A_157 : memref<1x1024x32xf32, #tpu.memory_space<vmem>> -> memref<1024x32xf32, #tpu.memory_space<vmem>>
    %dma_start3A_159 = arith.constant 0 : i32
    %dma_start3A_160 = tpu.memref_slice %arg5[%dma_start3A_153, %dma_start3A_159] : memref<3x1024xi32, #tpu.memory_space<vmem>> -> memref<1x1024xi32, #tpu.memory_space<vmem>>
    %dma_start3A_161 = tpu.memref_squeeze %dma_start3A_160 : memref<1x1024xi32, #tpu.memory_space<vmem>> -> memref<1024xi32, #tpu.memory_space<vmem>>
    %dma_start3A_162 = arith.constant 0 : i32
    %dma_start3A_163 = arith.constant 0 : i32
    %dma_start3A_164 = tpu.memref_slice %arg3[%dma_start3A_162, %dma_start3A_163] : memref<1000000x32xf32, #tpu.memory_space<hbm>> -> memref<1000000x32xf32, #tpu.memory_space<hbm>>
    tpu.enqueue_indirect_dma source(%dma_start3A_164 : memref<1000000x32xf32, #tpu.memory_space<hbm>>) target(%dma_start3A_158 : memref<1024x32xf32, #tpu.memory_space<vmem>>) offsets(%dma_start3A_161 : memref<1024xi32, #tpu.memory_space<vmem>>) semaphore(%arg7 : memref<!tpu.dma_semaphore, #tpu.memory_space<semaphore_mem>>)
    %dma_wait3A_165 = arith.constant 1 : i32
    %dma_wait3A_166 = arith.constant 1 : i32
    %dma_wait3A_167 = arith.constant 0 : i32
    %dma_wait3A_168 = arith.constant 0 : i32
    %dma_wait3A_169 = tpu.memref_slice %arg6[%dma_wait3A_166, %dma_wait3A_167, %dma_wait3A_168] : memref<3x1024x32xf32, #tpu.memory_space<vmem>> -> memref<1x1024x32xf32, #tpu.memory_space<vmem>>
    %dma_wait3A_170 = tpu.memref_squeeze %dma_wait3A_169 : memref<1x1024x32xf32, #tpu.memory_space<vmem>> -> memref<1024x32xf32, #tpu.memory_space<vmem>>
    %dma_wait3A_171 = arith.constant 0 : i32
    %dma_wait3A_172 = tpu.memref_slice %arg5[%dma_wait3A_165, %dma_wait3A_171] : memref<3x1024xi32, #tpu.memory_space<vmem>> -> memref<1x1024xi32, #tpu.memory_space<vmem>>
    %dma_wait3A_173 = tpu.memref_squeeze %dma_wait3A_172 : memref<1x1024xi32, #tpu.memory_space<vmem>> -> memref<1024xi32, #tpu.memory_space<vmem>>
    %dma_wait3A_174 = arith.constant 0 : i32
    %dma_wait3A_175 = arith.constant 0 : i32
    %dma_wait3A_176 = tpu.memref_slice %arg3[%dma_wait3A_174, %dma_wait3A_175] : memref<1000000x32xf32, #tpu.memory_space<hbm>> -> memref<1000000x32xf32, #tpu.memory_space<hbm>>
    tpu.wait_indirect_dma semaphore(%arg8 : memref<!tpu.dma_semaphore, #tpu.memory_space<semaphore_mem>>) src(%dma_wait3A_176 : memref<1000000x32xf32, #tpu.memory_space<hbm>>) dst(%dma_wait3A_170 : memref<1024x32xf32, #tpu.memory_space<vmem>>)
    %add3A_177 = arith.constant 4096 : i32
    %add3A_178 = arith.addi %mul3A_2, %add3A_177 : i32
    %run_scoped3A_179 = arith.constant 1 : i32
    "tpu.region"() ({
      %run_scoped3A_300 = tpu.sem_alloc : memref<!tpu.dma_semaphore, #tpu.memory_space<semaphore_mem>>
      %dma_start3A_301 = arith.constant 0 : i32
      %dma_start3A_302 = arith.constant 0 : i32
      %dma_start3A_303 = tpu.memref_slice %arg6[%run_scoped3A_179, %dma_start3A_301, %dma_start3A_302] : memref<3x1024x32xf32, #tpu.memory_space<vmem>> -> memref<1x1024x32xf32, #tpu.memory_space<vmem>>
      %dma_start3A_304 = tpu.memref_squeeze %dma_start3A_303 : memref<1x1024x32xf32, #tpu.memory_space<vmem>> -> memref<1024x32xf32, #tpu.memory_space<vmem>>
      %dma_start3A_305 = arith.constant 0 : i32
      %dma_start3A_306 = tpu.memref_slice %arg4[%add3A_178, %dma_start3A_305] : memref<327680x32xf32, #tpu.memory_space<hbm>> -> memref<1024x32xf32, #tpu.memory_space<hbm>>
      %dma_start3A_307 = arith.constant 0 : i32
      %dma_start3A_308 = tpu.memref_slice %arg4[%add3A_178, %dma_start3A_307] : memref<327680x32xf32, #tpu.memory_space<hbm>> -> memref<1024x32xf32, #tpu.memory_space<hbm>>
      %dma_start3A_309 = arith.constant 0 : i32
      %dma_start3A_310 = arith.constant 0 : i32
      %dma_start3A_311 = tpu.memref_slice %arg6[%run_scoped3A_179, %dma_start3A_309, %dma_start3A_310] : memref<3x1024x32xf32, #tpu.memory_space<vmem>> -> memref<1x1024x32xf32, #tpu.memory_space<vmem>>
      %dma_start3A_312 = tpu.memref_squeeze %dma_start3A_311 : memref<1x1024x32xf32, #tpu.memory_space<vmem>> -> memref<1024x32xf32, #tpu.memory_space<vmem>>
      tpu.enqueue_dma source(%dma_start3A_312 : memref<1024x32xf32, #tpu.memory_space<vmem>>) target(%dma_start3A_308 : memref<1024x32xf32, #tpu.memory_space<hbm>>) target_semaphore(%run_scoped3A_300 : memref<!tpu.dma_semaphore, #tpu.memory_space<semaphore_mem>>)
      %dma_wait3A_313 = arith.constant 0 : i32
      %dma_wait3A_314 = arith.constant 0 : i32
      %dma_wait3A_315 = tpu.memref_slice %arg6[%run_scoped3A_179, %dma_wait3A_313, %dma_wait3A_314] : memref<3x1024x32xf32, #tpu.memory_space<vmem>> -> memref<1x1024x32xf32, #tpu.memory_space<vmem>>
      %dma_wait3A_316 = tpu.memref_squeeze %dma_wait3A_315 : memref<1x1024x32xf32, #tpu.memory_space<vmem>> -> memref<1024x32xf32, #tpu.memory_space<vmem>>
      %dma_wait3A_317 = arith.constant 0 : i32
      %dma_wait3A_318 = tpu.memref_slice %arg4[%add3A_178, %dma_wait3A_317] : memref<327680x32xf32, #tpu.memory_space<hbm>> -> memref<1024x32xf32, #tpu.memory_space<hbm>>
      %dma_wait3A_319 = arith.constant 0 : i32
      %dma_wait3A_320 = tpu.memref_slice %arg4[%add3A_178, %dma_wait3A_319] : memref<327680x32xf32, #tpu.memory_space<hbm>> -> memref<1024x32xf32, #tpu.memory_space<hbm>>
      %dma_wait3A_321 = arith.constant 0 : i32
      %dma_wait3A_322 = arith.constant 0 : i32
      %dma_wait3A_323 = tpu.memref_slice %arg6[%run_scoped3A_179, %dma_wait3A_321, %dma_wait3A_322] : memref<3x1024x32xf32, #tpu.memory_space<vmem>> -> memref<1x1024x32xf32, #tpu.memory_space<vmem>>
      %dma_wait3A_324 = tpu.memref_squeeze %dma_wait3A_323 : memref<1x1024x32xf32, #tpu.memory_space<vmem>> -> memref<1024x32xf32, #tpu.memory_space<vmem>>
      tpu.wait_dma2 semaphore(%run_scoped3A_300 : memref<!tpu.dma_semaphore, #tpu.memory_space<semaphore_mem>>) src(%dma_wait3A_324 : memref<1024x32xf32, #tpu.memory_space<vmem>>) dst(%dma_wait3A_320 : memref<1024x32xf32, #tpu.memory_space<hbm>>)
      tpu.yield
    }) : () -> ()
    %add3A_180 = arith.constant 7168 : i32
    %add3A_181 = arith.addi %mul3A_2, %add3A_180 : i32
    %run_scoped3A_182 = arith.constant 1 : i32
    "tpu.region"() ({
      %run_scoped3A_300 = tpu.sem_alloc : memref<!tpu.dma_semaphore, #tpu.memory_space<semaphore_mem>>
      %dma_start3A_301 = arith.constant 0 : i32
      %dma_start3A_302 = tpu.memref_slice %arg5[%run_scoped3A_182, %dma_start3A_301] : memref<3x1024xi32, #tpu.memory_space<vmem>> -> memref<1x1024xi32, #tpu.memory_space<vmem>>
      %dma_start3A_303 = tpu.memref_squeeze %dma_start3A_302 : memref<1x1024xi32, #tpu.memory_space<vmem>> -> memref<1024xi32, #tpu.memory_space<vmem>>
      %dma_start3A_304 = tpu.memref_slice %arg2[%add3A_181] : memref<327680xi32, #tpu.memory_space<hbm>> -> memref<1024xi32, #tpu.memory_space<hbm>>
      %dma_start3A_305 = arith.constant 0 : i32
      %dma_start3A_306 = tpu.memref_slice %arg5[%run_scoped3A_182, %dma_start3A_305] : memref<3x1024xi32, #tpu.memory_space<vmem>> -> memref<1x1024xi32, #tpu.memory_space<vmem>>
      %dma_start3A_307 = tpu.memref_squeeze %dma_start3A_306 : memref<1x1024xi32, #tpu.memory_space<vmem>> -> memref<1024xi32, #tpu.memory_space<vmem>>
      %dma_start3A_308 = tpu.memref_slice %arg2[%add3A_181] : memref<327680xi32, #tpu.memory_space<hbm>> -> memref<1024xi32, #tpu.memory_space<hbm>>
      tpu.enqueue_dma source(%dma_start3A_308 : memref<1024xi32, #tpu.memory_space<hbm>>) target(%dma_start3A_307 : memref<1024xi32, #tpu.memory_space<vmem>>) target_semaphore(%run_scoped3A_300 : memref<!tpu.dma_semaphore, #tpu.memory_space<semaphore_mem>>)
      %dma_wait3A_309 = arith.constant 0 : i32
      %dma_wait3A_310 = tpu.memref_slice %arg5[%run_scoped3A_182, %dma_wait3A_309] : memref<3x1024xi32, #tpu.memory_space<vmem>> -> memref<1x1024xi32, #tpu.memory_space<vmem>>
      %dma_wait3A_311 = tpu.memref_squeeze %dma_wait3A_310 : memref<1x1024xi32, #tpu.memory_space<vmem>> -> memref<1024xi32, #tpu.memory_space<vmem>>
      %dma_wait3A_312 = tpu.memref_slice %arg2[%add3A_181] : memref<327680xi32, #tpu.memory_space<hbm>> -> memref<1024xi32, #tpu.memory_space<hbm>>
      %dma_wait3A_313 = arith.constant 0 : i32
      %dma_wait3A_314 = tpu.memref_slice %arg5[%run_scoped3A_182, %dma_wait3A_313] : memref<3x1024xi32, #tpu.memory_space<vmem>> -> memref<1x1024xi32, #tpu.memory_space<vmem>>
      %dma_wait3A_315 = tpu.memref_squeeze %dma_wait3A_314 : memref<1x1024xi32, #tpu.memory_space<vmem>> -> memref<1024xi32, #tpu.memory_space<vmem>>
      %dma_wait3A_316 = tpu.memref_slice %arg2[%add3A_181] : memref<327680xi32, #tpu.memory_space<hbm>> -> memref<1024xi32, #tpu.memory_space<hbm>>
      tpu.wait_dma2 semaphore(%run_scoped3A_300 : memref<!tpu.dma_semaphore, #tpu.memory_space<semaphore_mem>>) src(%dma_wait3A_316 : memref<1024xi32, #tpu.memory_space<hbm>>) dst(%dma_wait3A_315 : memref<1024xi32, #tpu.memory_space<vmem>>)
      tpu.yield
    }) : () -> ()
    %dma_start3A_183 = arith.constant 1 : i32
    %dma_start3A_184 = arith.constant 1 : i32
    %dma_start3A_185 = arith.constant 0 : i32
    %dma_start3A_186 = arith.constant 0 : i32
    %dma_start3A_187 = tpu.memref_slice %arg6[%dma_start3A_184, %dma_start3A_185, %dma_start3A_186] : memref<3x1024x32xf32, #tpu.memory_space<vmem>> -> memref<1x1024x32xf32, #tpu.memory_space<vmem>>
    %dma_start3A_188 = tpu.memref_squeeze %dma_start3A_187 : memref<1x1024x32xf32, #tpu.memory_space<vmem>> -> memref<1024x32xf32, #tpu.memory_space<vmem>>
    %dma_start3A_189 = arith.constant 0 : i32
    %dma_start3A_190 = tpu.memref_slice %arg5[%dma_start3A_183, %dma_start3A_189] : memref<3x1024xi32, #tpu.memory_space<vmem>> -> memref<1x1024xi32, #tpu.memory_space<vmem>>
    %dma_start3A_191 = tpu.memref_squeeze %dma_start3A_190 : memref<1x1024xi32, #tpu.memory_space<vmem>> -> memref<1024xi32, #tpu.memory_space<vmem>>
    %dma_start3A_192 = arith.constant 0 : i32
    %dma_start3A_193 = arith.constant 0 : i32
    %dma_start3A_194 = tpu.memref_slice %arg3[%dma_start3A_192, %dma_start3A_193] : memref<1000000x32xf32, #tpu.memory_space<hbm>> -> memref<1000000x32xf32, #tpu.memory_space<hbm>>
    tpu.enqueue_indirect_dma source(%dma_start3A_194 : memref<1000000x32xf32, #tpu.memory_space<hbm>>) target(%dma_start3A_188 : memref<1024x32xf32, #tpu.memory_space<vmem>>) offsets(%dma_start3A_191 : memref<1024xi32, #tpu.memory_space<vmem>>) semaphore(%arg8 : memref<!tpu.dma_semaphore, #tpu.memory_space<semaphore_mem>>)
    %dma_wait3A_195 = arith.constant 2 : i32
    %dma_wait3A_196 = arith.constant 2 : i32
    %dma_wait3A_197 = arith.constant 0 : i32
    %dma_wait3A_198 = arith.constant 0 : i32
    %dma_wait3A_199 = tpu.memref_slice %arg6[%dma_wait3A_196, %dma_wait3A_197, %dma_wait3A_198] : memref<3x1024x32xf32, #tpu.memory_space<vmem>> -> memref<1x1024x32xf32, #tpu.memory_space<vmem>>
    %dma_wait3A_200 = tpu.memref_squeeze %dma_wait3A_199 : memref<1x1024x32xf32, #tpu.memory_space<vmem>> -> memref<1024x32xf32, #tpu.memory_space<vmem>>
    %dma_wait3A_201 = arith.constant 0 : i32
    %dma_wait3A_202 = tpu.memref_slice %arg5[%dma_wait3A_195, %dma_wait3A_201] : memref<3x1024xi32, #tpu.memory_space<vmem>> -> memref<1x1024xi32, #tpu.memory_space<vmem>>
    %dma_wait3A_203 = tpu.memref_squeeze %dma_wait3A_202 : memref<1x1024xi32, #tpu.memory_space<vmem>> -> memref<1024xi32, #tpu.memory_space<vmem>>
    %dma_wait3A_204 = arith.constant 0 : i32
    %dma_wait3A_205 = arith.constant 0 : i32
    %dma_wait3A_206 = tpu.memref_slice %arg3[%dma_wait3A_204, %dma_wait3A_205] : memref<1000000x32xf32, #tpu.memory_space<hbm>> -> memref<1000000x32xf32, #tpu.memory_space<hbm>>
    tpu.wait_indirect_dma semaphore(%arg9 : memref<!tpu.dma_semaphore, #tpu.memory_space<semaphore_mem>>) src(%dma_wait3A_206 : memref<1000000x32xf32, #tpu.memory_space<hbm>>) dst(%dma_wait3A_200 : memref<1024x32xf32, #tpu.memory_space<vmem>>)
    %add3A_207 = arith.constant 5120 : i32
    %add3A_208 = arith.addi %mul3A_2, %add3A_207 : i32
    %run_scoped3A_209 = arith.constant 2 : i32
    "tpu.region"() ({
      %run_scoped3A_300 = tpu.sem_alloc : memref<!tpu.dma_semaphore, #tpu.memory_space<semaphore_mem>>
      %dma_start3A_301 = arith.constant 0 : i32
      %dma_start3A_302 = arith.constant 0 : i32
      %dma_start3A_303 = tpu.memref_slice %arg6[%run_scoped3A_209, %dma_start3A_301, %dma_start3A_302] : memref<3x1024x32xf32, #tpu.memory_space<vmem>> -> memref<1x1024x32xf32, #tpu.memory_space<vmem>>
      %dma_start3A_304 = tpu.memref_squeeze %dma_start3A_303 : memref<1x1024x32xf32, #tpu.memory_space<vmem>> -> memref<1024x32xf32, #tpu.memory_space<vmem>>
      %dma_start3A_305 = arith.constant 0 : i32
      %dma_start3A_306 = tpu.memref_slice %arg4[%add3A_208, %dma_start3A_305] : memref<327680x32xf32, #tpu.memory_space<hbm>> -> memref<1024x32xf32, #tpu.memory_space<hbm>>
      %dma_start3A_307 = arith.constant 0 : i32
      %dma_start3A_308 = tpu.memref_slice %arg4[%add3A_208, %dma_start3A_307] : memref<327680x32xf32, #tpu.memory_space<hbm>> -> memref<1024x32xf32, #tpu.memory_space<hbm>>
      %dma_start3A_309 = arith.constant 0 : i32
      %dma_start3A_310 = arith.constant 0 : i32
      %dma_start3A_311 = tpu.memref_slice %arg6[%run_scoped3A_209, %dma_start3A_309, %dma_start3A_310] : memref<3x1024x32xf32, #tpu.memory_space<vmem>> -> memref<1x1024x32xf32, #tpu.memory_space<vmem>>
      %dma_start3A_312 = tpu.memref_squeeze %dma_start3A_311 : memref<1x1024x32xf32, #tpu.memory_space<vmem>> -> memref<1024x32xf32, #tpu.memory_space<vmem>>
      tpu.enqueue_dma source(%dma_start3A_312 : memref<1024x32xf32, #tpu.memory_space<vmem>>) target(%dma_start3A_308 : memref<1024x32xf32, #tpu.memory_space<hbm>>) target_semaphore(%run_scoped3A_300 : memref<!tpu.dma_semaphore, #tpu.memory_space<semaphore_mem>>)
      %dma_wait3A_313 = arith.constant 0 : i32
      %dma_wait3A_314 = arith.constant 0 : i32
      %dma_wait3A_315 = tpu.memref_slice %arg6[%run_scoped3A_209, %dma_wait3A_313, %dma_wait3A_314] : memref<3x1024x32xf32, #tpu.memory_space<vmem>> -> memref<1x1024x32xf32, #tpu.memory_space<vmem>>
      %dma_wait3A_316 = tpu.memref_squeeze %dma_wait3A_315 : memref<1x1024x32xf32, #tpu.memory_space<vmem>> -> memref<1024x32xf32, #tpu.memory_space<vmem>>
      %dma_wait3A_317 = arith.constant 0 : i32
      %dma_wait3A_318 = tpu.memref_slice %arg4[%add3A_208, %dma_wait3A_317] : memref<327680x32xf32, #tpu.memory_space<hbm>> -> memref<1024x32xf32, #tpu.memory_space<hbm>>
      %dma_wait3A_319 = arith.constant 0 : i32
      %dma_wait3A_320 = tpu.memref_slice %arg4[%add3A_208, %dma_wait3A_319] : memref<327680x32xf32, #tpu.memory_space<hbm>> -> memref<1024x32xf32, #tpu.memory_space<hbm>>
      %dma_wait3A_321 = arith.constant 0 : i32
      %dma_wait3A_322 = arith.constant 0 : i32
      %dma_wait3A_323 = tpu.memref_slice %arg6[%run_scoped3A_209, %dma_wait3A_321, %dma_wait3A_322] : memref<3x1024x32xf32, #tpu.memory_space<vmem>> -> memref<1x1024x32xf32, #tpu.memory_space<vmem>>
      %dma_wait3A_324 = tpu.memref_squeeze %dma_wait3A_323 : memref<1x1024x32xf32, #tpu.memory_space<vmem>> -> memref<1024x32xf32, #tpu.memory_space<vmem>>
      tpu.wait_dma2 semaphore(%run_scoped3A_300 : memref<!tpu.dma_semaphore, #tpu.memory_space<semaphore_mem>>) src(%dma_wait3A_324 : memref<1024x32xf32, #tpu.memory_space<vmem>>) dst(%dma_wait3A_320 : memref<1024x32xf32, #tpu.memory_space<hbm>>)
      tpu.yield
    }) : () -> ()
    %add3A_210 = arith.constant 8192 : i32
    %add3A_211 = arith.addi %mul3A_2, %add3A_210 : i32
    %run_scoped3A_212 = arith.constant 2 : i32
    "tpu.region"() ({
      %run_scoped3A_300 = tpu.sem_alloc : memref<!tpu.dma_semaphore, #tpu.memory_space<semaphore_mem>>
      %dma_start3A_301 = arith.constant 0 : i32
      %dma_start3A_302 = tpu.memref_slice %arg5[%run_scoped3A_212, %dma_start3A_301] : memref<3x1024xi32, #tpu.memory_space<vmem>> -> memref<1x1024xi32, #tpu.memory_space<vmem>>
      %dma_start3A_303 = tpu.memref_squeeze %dma_start3A_302 : memref<1x1024xi32, #tpu.memory_space<vmem>> -> memref<1024xi32, #tpu.memory_space<vmem>>
      %dma_start3A_304 = tpu.memref_slice %arg2[%add3A_211] : memref<327680xi32, #tpu.memory_space<hbm>> -> memref<1024xi32, #tpu.memory_space<hbm>>
      %dma_start3A_305 = arith.constant 0 : i32
      %dma_start3A_306 = tpu.memref_slice %arg5[%run_scoped3A_212, %dma_start3A_305] : memref<3x1024xi32, #tpu.memory_space<vmem>> -> memref<1x1024xi32, #tpu.memory_space<vmem>>
      %dma_start3A_307 = tpu.memref_squeeze %dma_start3A_306 : memref<1x1024xi32, #tpu.memory_space<vmem>> -> memref<1024xi32, #tpu.memory_space<vmem>>
      %dma_start3A_308 = tpu.memref_slice %arg2[%add3A_211] : memref<327680xi32, #tpu.memory_space<hbm>> -> memref<1024xi32, #tpu.memory_space<hbm>>
      tpu.enqueue_dma source(%dma_start3A_308 : memref<1024xi32, #tpu.memory_space<hbm>>) target(%dma_start3A_307 : memref<1024xi32, #tpu.memory_space<vmem>>) target_semaphore(%run_scoped3A_300 : memref<!tpu.dma_semaphore, #tpu.memory_space<semaphore_mem>>)
      %dma_wait3A_309 = arith.constant 0 : i32
      %dma_wait3A_310 = tpu.memref_slice %arg5[%run_scoped3A_212, %dma_wait3A_309] : memref<3x1024xi32, #tpu.memory_space<vmem>> -> memref<1x1024xi32, #tpu.memory_space<vmem>>
      %dma_wait3A_311 = tpu.memref_squeeze %dma_wait3A_310 : memref<1x1024xi32, #tpu.memory_space<vmem>> -> memref<1024xi32, #tpu.memory_space<vmem>>
      %dma_wait3A_312 = tpu.memref_slice %arg2[%add3A_211] : memref<327680xi32, #tpu.memory_space<hbm>> -> memref<1024xi32, #tpu.memory_space<hbm>>
      %dma_wait3A_313 = arith.constant 0 : i32
      %dma_wait3A_314 = tpu.memref_slice %arg5[%run_scoped3A_212, %dma_wait3A_313] : memref<3x1024xi32, #tpu.memory_space<vmem>> -> memref<1x1024xi32, #tpu.memory_space<vmem>>
      %dma_wait3A_315 = tpu.memref_squeeze %dma_wait3A_314 : memref<1x1024xi32, #tpu.memory_space<vmem>> -> memref<1024xi32, #tpu.memory_space<vmem>>
      %dma_wait3A_316 = tpu.memref_slice %arg2[%add3A_211] : memref<327680xi32, #tpu.memory_space<hbm>> -> memref<1024xi32, #tpu.memory_space<hbm>>
      tpu.wait_dma2 semaphore(%run_scoped3A_300 : memref<!tpu.dma_semaphore, #tpu.memory_space<semaphore_mem>>) src(%dma_wait3A_316 : memref<1024xi32, #tpu.memory_space<hbm>>) dst(%dma_wait3A_315 : memref<1024xi32, #tpu.memory_space<vmem>>)
      tpu.yield
    }) : () -> ()
    %dma_start3A_213 = arith.constant 2 : i32
    %dma_start3A_214 = arith.constant 2 : i32
    %dma_start3A_215 = arith.constant 0 : i32
    %dma_start3A_216 = arith.constant 0 : i32
    %dma_start3A_217 = tpu.memref_slice %arg6[%dma_start3A_214, %dma_start3A_215, %dma_start3A_216] : memref<3x1024x32xf32, #tpu.memory_space<vmem>> -> memref<1x1024x32xf32, #tpu.memory_space<vmem>>
    %dma_start3A_218 = tpu.memref_squeeze %dma_start3A_217 : memref<1x1024x32xf32, #tpu.memory_space<vmem>> -> memref<1024x32xf32, #tpu.memory_space<vmem>>
    %dma_start3A_219 = arith.constant 0 : i32
    %dma_start3A_220 = tpu.memref_slice %arg5[%dma_start3A_213, %dma_start3A_219] : memref<3x1024xi32, #tpu.memory_space<vmem>> -> memref<1x1024xi32, #tpu.memory_space<vmem>>
    %dma_start3A_221 = tpu.memref_squeeze %dma_start3A_220 : memref<1x1024xi32, #tpu.memory_space<vmem>> -> memref<1024xi32, #tpu.memory_space<vmem>>
    %dma_start3A_222 = arith.constant 0 : i32
    %dma_start3A_223 = arith.constant 0 : i32
    %dma_start3A_224 = tpu.memref_slice %arg3[%dma_start3A_222, %dma_start3A_223] : memref<1000000x32xf32, #tpu.memory_space<hbm>> -> memref<1000000x32xf32, #tpu.memory_space<hbm>>
    tpu.enqueue_indirect_dma source(%dma_start3A_224 : memref<1000000x32xf32, #tpu.memory_space<hbm>>) target(%dma_start3A_218 : memref<1024x32xf32, #tpu.memory_space<vmem>>) offsets(%dma_start3A_221 : memref<1024xi32, #tpu.memory_space<vmem>>) semaphore(%arg9 : memref<!tpu.dma_semaphore, #tpu.memory_space<semaphore_mem>>)
    %dma_wait3A_225 = arith.constant 0 : i32
    %dma_wait3A_226 = arith.constant 0 : i32
    %dma_wait3A_227 = arith.constant 0 : i32
    %dma_wait3A_228 = arith.constant 0 : i32
    %dma_wait3A_229 = tpu.memref_slice %arg6[%dma_wait3A_226, %dma_wait3A_227, %dma_wait3A_228] : memref<3x1024x32xf32, #tpu.memory_space<vmem>> -> memref<1x1024x32xf32, #tpu.memory_space<vmem>>
    %dma_wait3A_230 = tpu.memref_squeeze %dma_wait3A_229 : memref<1x1024x32xf32, #tpu.memory_space<vmem>> -> memref<1024x32xf32, #tpu.memory_space<vmem>>
    %dma_wait3A_231 = arith.constant 0 : i32
    %dma_wait3A_232 = tpu.memref_slice %arg5[%dma_wait3A_225, %dma_wait3A_231] : memref<3x1024xi32, #tpu.memory_space<vmem>> -> memref<1x1024xi32, #tpu.memory_space<vmem>>
    %dma_wait3A_233 = tpu.memref_squeeze %dma_wait3A_232 : memref<1x1024xi32, #tpu.memory_space<vmem>> -> memref<1024xi32, #tpu.memory_space<vmem>>
    %dma_wait3A_234 = arith.constant 0 : i32
    %dma_wait3A_235 = arith.constant 0 : i32
    %dma_wait3A_236 = tpu.memref_slice %arg3[%dma_wait3A_234, %dma_wait3A_235] : memref<1000000x32xf32, #tpu.memory_space<hbm>> -> memref<1000000x32xf32, #tpu.memory_space<hbm>>
    tpu.wait_indirect_dma semaphore(%arg7 : memref<!tpu.dma_semaphore, #tpu.memory_space<semaphore_mem>>) src(%dma_wait3A_236 : memref<1000000x32xf32, #tpu.memory_space<hbm>>) dst(%dma_wait3A_230 : memref<1024x32xf32, #tpu.memory_space<vmem>>)
    %add3A_237 = arith.constant 6144 : i32
    %add3A_238 = arith.addi %mul3A_2, %add3A_237 : i32
    %run_scoped3A_239 = arith.constant 0 : i32
    "tpu.region"() ({
      %run_scoped3A_300 = tpu.sem_alloc : memref<!tpu.dma_semaphore, #tpu.memory_space<semaphore_mem>>
      %dma_start3A_301 = arith.constant 0 : i32
      %dma_start3A_302 = arith.constant 0 : i32
      %dma_start3A_303 = tpu.memref_slice %arg6[%run_scoped3A_239, %dma_start3A_301, %dma_start3A_302] : memref<3x1024x32xf32, #tpu.memory_space<vmem>> -> memref<1x1024x32xf32, #tpu.memory_space<vmem>>
      %dma_start3A_304 = tpu.memref_squeeze %dma_start3A_303 : memref<1x1024x32xf32, #tpu.memory_space<vmem>> -> memref<1024x32xf32, #tpu.memory_space<vmem>>
      %dma_start3A_305 = arith.constant 0 : i32
      %dma_start3A_306 = tpu.memref_slice %arg4[%add3A_238, %dma_start3A_305] : memref<327680x32xf32, #tpu.memory_space<hbm>> -> memref<1024x32xf32, #tpu.memory_space<hbm>>
      %dma_start3A_307 = arith.constant 0 : i32
      %dma_start3A_308 = tpu.memref_slice %arg4[%add3A_238, %dma_start3A_307] : memref<327680x32xf32, #tpu.memory_space<hbm>> -> memref<1024x32xf32, #tpu.memory_space<hbm>>
      %dma_start3A_309 = arith.constant 0 : i32
      %dma_start3A_310 = arith.constant 0 : i32
      %dma_start3A_311 = tpu.memref_slice %arg6[%run_scoped3A_239, %dma_start3A_309, %dma_start3A_310] : memref<3x1024x32xf32, #tpu.memory_space<vmem>> -> memref<1x1024x32xf32, #tpu.memory_space<vmem>>
      %dma_start3A_312 = tpu.memref_squeeze %dma_start3A_311 : memref<1x1024x32xf32, #tpu.memory_space<vmem>> -> memref<1024x32xf32, #tpu.memory_space<vmem>>
      tpu.enqueue_dma source(%dma_start3A_312 : memref<1024x32xf32, #tpu.memory_space<vmem>>) target(%dma_start3A_308 : memref<1024x32xf32, #tpu.memory_space<hbm>>) target_semaphore(%run_scoped3A_300 : memref<!tpu.dma_semaphore, #tpu.memory_space<semaphore_mem>>)
      %dma_wait3A_313 = arith.constant 0 : i32
      %dma_wait3A_314 = arith.constant 0 : i32
      %dma_wait3A_315 = tpu.memref_slice %arg6[%run_scoped3A_239, %dma_wait3A_313, %dma_wait3A_314] : memref<3x1024x32xf32, #tpu.memory_space<vmem>> -> memref<1x1024x32xf32, #tpu.memory_space<vmem>>
      %dma_wait3A_316 = tpu.memref_squeeze %dma_wait3A_315 : memref<1x1024x32xf32, #tpu.memory_space<vmem>> -> memref<1024x32xf32, #tpu.memory_space<vmem>>
      %dma_wait3A_317 = arith.constant 0 : i32
      %dma_wait3A_318 = tpu.memref_slice %arg4[%add3A_238, %dma_wait3A_317] : memref<327680x32xf32, #tpu.memory_space<hbm>> -> memref<1024x32xf32, #tpu.memory_space<hbm>>
      %dma_wait3A_319 = arith.constant 0 : i32
      %dma_wait3A_320 = tpu.memref_slice %arg4[%add3A_238, %dma_wait3A_319] : memref<327680x32xf32, #tpu.memory_space<hbm>> -> memref<1024x32xf32, #tpu.memory_space<hbm>>
      %dma_wait3A_321 = arith.constant 0 : i32
      %dma_wait3A_322 = arith.constant 0 : i32
      %dma_wait3A_323 = tpu.memref_slice %arg6[%run_scoped3A_239, %dma_wait3A_321, %dma_wait3A_322] : memref<3x1024x32xf32, #tpu.memory_space<vmem>> -> memref<1x1024x32xf32, #tpu.memory_space<vmem>>
      %dma_wait3A_324 = tpu.memref_squeeze %dma_wait3A_323 : memref<1x1024x32xf32, #tpu.memory_space<vmem>> -> memref<1024x32xf32, #tpu.memory_space<vmem>>
      tpu.wait_dma2 semaphore(%run_scoped3A_300 : memref<!tpu.dma_semaphore, #tpu.memory_space<semaphore_mem>>) src(%dma_wait3A_324 : memref<1024x32xf32, #tpu.memory_space<vmem>>) dst(%dma_wait3A_320 : memref<1024x32xf32, #tpu.memory_space<hbm>>)
      tpu.yield
    }) : () -> ()
    %add3A_240 = arith.constant 9216 : i32
    %add3A_241 = arith.addi %mul3A_2, %add3A_240 : i32
    %run_scoped3A_242 = arith.constant 0 : i32
    "tpu.region"() ({
      %run_scoped3A_300 = tpu.sem_alloc : memref<!tpu.dma_semaphore, #tpu.memory_space<semaphore_mem>>
      %dma_start3A_301 = arith.constant 0 : i32
      %dma_start3A_302 = tpu.memref_slice %arg5[%run_scoped3A_242, %dma_start3A_301] : memref<3x1024xi32, #tpu.memory_space<vmem>> -> memref<1x1024xi32, #tpu.memory_space<vmem>>
      %dma_start3A_303 = tpu.memref_squeeze %dma_start3A_302 : memref<1x1024xi32, #tpu.memory_space<vmem>> -> memref<1024xi32, #tpu.memory_space<vmem>>
      %dma_start3A_304 = tpu.memref_slice %arg2[%add3A_241] : memref<327680xi32, #tpu.memory_space<hbm>> -> memref<1024xi32, #tpu.memory_space<hbm>>
      %dma_start3A_305 = arith.constant 0 : i32
      %dma_start3A_306 = tpu.memref_slice %arg5[%run_scoped3A_242, %dma_start3A_305] : memref<3x1024xi32, #tpu.memory_space<vmem>> -> memref<1x1024xi32, #tpu.memory_space<vmem>>
      %dma_start3A_307 = tpu.memref_squeeze %dma_start3A_306 : memref<1x1024xi32, #tpu.memory_space<vmem>> -> memref<1024xi32, #tpu.memory_space<vmem>>
      %dma_start3A_308 = tpu.memref_slice %arg2[%add3A_241] : memref<327680xi32, #tpu.memory_space<hbm>> -> memref<1024xi32, #tpu.memory_space<hbm>>
      tpu.enqueue_dma source(%dma_start3A_308 : memref<1024xi32, #tpu.memory_space<hbm>>) target(%dma_start3A_307 : memref<1024xi32, #tpu.memory_space<vmem>>) target_semaphore(%run_scoped3A_300 : memref<!tpu.dma_semaphore, #tpu.memory_space<semaphore_mem>>)
      %dma_wait3A_309 = arith.constant 0 : i32
      %dma_wait3A_310 = tpu.memref_slice %arg5[%run_scoped3A_242, %dma_wait3A_309] : memref<3x1024xi32, #tpu.memory_space<vmem>> -> memref<1x1024xi32, #tpu.memory_space<vmem>>
      %dma_wait3A_311 = tpu.memref_squeeze %dma_wait3A_310 : memref<1x1024xi32, #tpu.memory_space<vmem>> -> memref<1024xi32, #tpu.memory_space<vmem>>
      %dma_wait3A_312 = tpu.memref_slice %arg2[%add3A_241] : memref<327680xi32, #tpu.memory_space<hbm>> -> memref<1024xi32, #tpu.memory_space<hbm>>
      %dma_wait3A_313 = arith.constant 0 : i32
      %dma_wait3A_314 = tpu.memref_slice %arg5[%run_scoped3A_242, %dma_wait3A_313] : memref<3x1024xi32, #tpu.memory_space<vmem>> -> memref<1x1024xi32, #tpu.memory_space<vmem>>
      %dma_wait3A_315 = tpu.memref_squeeze %dma_wait3A_314 : memref<1x1024xi32, #tpu.memory_space<vmem>> -> memref<1024xi32, #tpu.memory_space<vmem>>
      %dma_wait3A_316 = tpu.memref_slice %arg2[%add3A_241] : memref<327680xi32, #tpu.memory_space<hbm>> -> memref<1024xi32, #tpu.memory_space<hbm>>
      tpu.wait_dma2 semaphore(%run_scoped3A_300 : memref<!tpu.dma_semaphore, #tpu.memory_space<semaphore_mem>>) src(%dma_wait3A_316 : memref<1024xi32, #tpu.memory_space<hbm>>) dst(%dma_wait3A_315 : memref<1024xi32, #tpu.memory_space<vmem>>)
      tpu.yield
    }) : () -> ()
    %dma_start3A_243 = arith.constant 0 : i32
    %dma_start3A_244 = arith.constant 0 : i32
    %dma_start3A_245 = arith.constant 0 : i32
    %dma_start3A_246 = arith.constant 0 : i32
    %dma_start3A_247 = tpu.memref_slice %arg6[%dma_start3A_244, %dma_start3A_245, %dma_start3A_246] : memref<3x1024x32xf32, #tpu.memory_space<vmem>> -> memref<1x1024x32xf32, #tpu.memory_space<vmem>>
    %dma_start3A_248 = tpu.memref_squeeze %dma_start3A_247 : memref<1x1024x32xf32, #tpu.memory_space<vmem>> -> memref<1024x32xf32, #tpu.memory_space<vmem>>
    %dma_start3A_249 = arith.constant 0 : i32
    %dma_start3A_250 = tpu.memref_slice %arg5[%dma_start3A_243, %dma_start3A_249] : memref<3x1024xi32, #tpu.memory_space<vmem>> -> memref<1x1024xi32, #tpu.memory_space<vmem>>
    %dma_start3A_251 = tpu.memref_squeeze %dma_start3A_250 : memref<1x1024xi32, #tpu.memory_space<vmem>> -> memref<1024xi32, #tpu.memory_space<vmem>>
    %dma_start3A_252 = arith.constant 0 : i32
    %dma_start3A_253 = arith.constant 0 : i32
    %dma_start3A_254 = tpu.memref_slice %arg3[%dma_start3A_252, %dma_start3A_253] : memref<1000000x32xf32, #tpu.memory_space<hbm>> -> memref<1000000x32xf32, #tpu.memory_space<hbm>>
    tpu.enqueue_indirect_dma source(%dma_start3A_254 : memref<1000000x32xf32, #tpu.memory_space<hbm>>) target(%dma_start3A_248 : memref<1024x32xf32, #tpu.memory_space<vmem>>) offsets(%dma_start3A_251 : memref<1024xi32, #tpu.memory_space<vmem>>) semaphore(%arg7 : memref<!tpu.dma_semaphore, #tpu.memory_space<semaphore_mem>>)
    %dma_wait3A_255 = arith.constant 1 : i32
    %dma_wait3A_256 = arith.constant 1 : i32
    %dma_wait3A_257 = arith.constant 0 : i32
    %dma_wait3A_258 = arith.constant 0 : i32
    %dma_wait3A_259 = tpu.memref_slice %arg6[%dma_wait3A_256, %dma_wait3A_257, %dma_wait3A_258] : memref<3x1024x32xf32, #tpu.memory_space<vmem>> -> memref<1x1024x32xf32, #tpu.memory_space<vmem>>
    %dma_wait3A_260 = tpu.memref_squeeze %dma_wait3A_259 : memref<1x1024x32xf32, #tpu.memory_space<vmem>> -> memref<1024x32xf32, #tpu.memory_space<vmem>>
    %dma_wait3A_261 = arith.constant 0 : i32
    %dma_wait3A_262 = tpu.memref_slice %arg5[%dma_wait3A_255, %dma_wait3A_261] : memref<3x1024xi32, #tpu.memory_space<vmem>> -> memref<1x1024xi32, #tpu.memory_space<vmem>>
    %dma_wait3A_263 = tpu.memref_squeeze %dma_wait3A_262 : memref<1x1024xi32, #tpu.memory_space<vmem>> -> memref<1024xi32, #tpu.memory_space<vmem>>
    %dma_wait3A_264 = arith.constant 0 : i32
    %dma_wait3A_265 = arith.constant 0 : i32
    %dma_wait3A_266 = tpu.memref_slice %arg3[%dma_wait3A_264, %dma_wait3A_265] : memref<1000000x32xf32, #tpu.memory_space<hbm>> -> memref<1000000x32xf32, #tpu.memory_space<hbm>>
    tpu.wait_indirect_dma semaphore(%arg8 : memref<!tpu.dma_semaphore, #tpu.memory_space<semaphore_mem>>) src(%dma_wait3A_266 : memref<1000000x32xf32, #tpu.memory_space<hbm>>) dst(%dma_wait3A_260 : memref<1024x32xf32, #tpu.memory_space<vmem>>)
    %add3A_267 = arith.constant 7168 : i32
    %add3A_268 = arith.addi %mul3A_2, %add3A_267 : i32
    %run_scoped3A_269 = arith.constant 1 : i32
    "tpu.region"() ({
      %run_scoped3A_300 = tpu.sem_alloc : memref<!tpu.dma_semaphore, #tpu.memory_space<semaphore_mem>>
      %dma_start3A_301 = arith.constant 0 : i32
      %dma_start3A_302 = arith.constant 0 : i32
      %dma_start3A_303 = tpu.memref_slice %arg6[%run_scoped3A_269, %dma_start3A_301, %dma_start3A_302] : memref<3x1024x32xf32, #tpu.memory_space<vmem>> -> memref<1x1024x32xf32, #tpu.memory_space<vmem>>
      %dma_start3A_304 = tpu.memref_squeeze %dma_start3A_303 : memref<1x1024x32xf32, #tpu.memory_space<vmem>> -> memref<1024x32xf32, #tpu.memory_space<vmem>>
      %dma_start3A_305 = arith.constant 0 : i32
      %dma_start3A_306 = tpu.memref_slice %arg4[%add3A_268, %dma_start3A_305] : memref<327680x32xf32, #tpu.memory_space<hbm>> -> memref<1024x32xf32, #tpu.memory_space<hbm>>
      %dma_start3A_307 = arith.constant 0 : i32
      %dma_start3A_308 = tpu.memref_slice %arg4[%add3A_268, %dma_start3A_307] : memref<327680x32xf32, #tpu.memory_space<hbm>> -> memref<1024x32xf32, #tpu.memory_space<hbm>>
      %dma_start3A_309 = arith.constant 0 : i32
      %dma_start3A_310 = arith.constant 0 : i32
      %dma_start3A_311 = tpu.memref_slice %arg6[%run_scoped3A_269, %dma_start3A_309, %dma_start3A_310] : memref<3x1024x32xf32, #tpu.memory_space<vmem>> -> memref<1x1024x32xf32, #tpu.memory_space<vmem>>
      %dma_start3A_312 = tpu.memref_squeeze %dma_start3A_311 : memref<1x1024x32xf32, #tpu.memory_space<vmem>> -> memref<1024x32xf32, #tpu.memory_space<vmem>>
      tpu.enqueue_dma source(%dma_start3A_312 : memref<1024x32xf32, #tpu.memory_space<vmem>>) target(%dma_start3A_308 : memref<1024x32xf32, #tpu.memory_space<hbm>>) target_semaphore(%run_scoped3A_300 : memref<!tpu.dma_semaphore, #tpu.memory_space<semaphore_mem>>)
      %dma_wait3A_313 = arith.constant 0 : i32
      %dma_wait3A_314 = arith.constant 0 : i32
      %dma_wait3A_315 = tpu.memref_slice %arg6[%run_scoped3A_269, %dma_wait3A_313, %dma_wait3A_314] : memref<3x1024x32xf32, #tpu.memory_space<vmem>> -> memref<1x1024x32xf32, #tpu.memory_space<vmem>>
      %dma_wait3A_316 = tpu.memref_squeeze %dma_wait3A_315 : memref<1x1024x32xf32, #tpu.memory_space<vmem>> -> memref<1024x32xf32, #tpu.memory_space<vmem>>
      %dma_wait3A_317 = arith.constant 0 : i32
      %dma_wait3A_318 = tpu.memref_slice %arg4[%add3A_268, %dma_wait3A_317] : memref<327680x32xf32, #tpu.memory_space<hbm>> -> memref<1024x32xf32, #tpu.memory_space<hbm>>
      %dma_wait3A_319 = arith.constant 0 : i32
      %dma_wait3A_320 = tpu.memref_slice %arg4[%add3A_268, %dma_wait3A_319] : memref<327680x32xf32, #tpu.memory_space<hbm>> -> memref<1024x32xf32, #tpu.memory_space<hbm>>
      %dma_wait3A_321 = arith.constant 0 : i32
      %dma_wait3A_322 = arith.constant 0 : i32
      %dma_wait3A_323 = tpu.memref_slice %arg6[%run_scoped3A_269, %dma_wait3A_321, %dma_wait3A_322] : memref<3x1024x32xf32, #tpu.memory_space<vmem>> -> memref<1x1024x32xf32, #tpu.memory_space<vmem>>
      %dma_wait3A_324 = tpu.memref_squeeze %dma_wait3A_323 : memref<1x1024x32xf32, #tpu.memory_space<vmem>> -> memref<1024x32xf32, #tpu.memory_space<vmem>>
      tpu.wait_dma2 semaphore(%run_scoped3A_300 : memref<!tpu.dma_semaphore, #tpu.memory_space<semaphore_mem>>) src(%dma_wait3A_324 : memref<1024x32xf32, #tpu.memory_space<vmem>>) dst(%dma_wait3A_320 : memref<1024x32xf32, #tpu.memory_space<hbm>>)
      tpu.yield
    }) : () -> ()
    %dma_wait3A_270 = arith.constant 2 : i32
    %dma_wait3A_271 = arith.constant 2 : i32
    %dma_wait3A_272 = arith.constant 0 : i32
    %dma_wait3A_273 = arith.constant 0 : i32
    %dma_wait3A_274 = tpu.memref_slice %arg6[%dma_wait3A_271, %dma_wait3A_272, %dma_wait3A_273] : memref<3x1024x32xf32, #tpu.memory_space<vmem>> -> memref<1x1024x32xf32, #tpu.memory_space<vmem>>
    %dma_wait3A_275 = tpu.memref_squeeze %dma_wait3A_274 : memref<1x1024x32xf32, #tpu.memory_space<vmem>> -> memref<1024x32xf32, #tpu.memory_space<vmem>>
    %dma_wait3A_276 = arith.constant 0 : i32
    %dma_wait3A_277 = tpu.memref_slice %arg5[%dma_wait3A_270, %dma_wait3A_276] : memref<3x1024xi32, #tpu.memory_space<vmem>> -> memref<1x1024xi32, #tpu.memory_space<vmem>>
    %dma_wait3A_278 = tpu.memref_squeeze %dma_wait3A_277 : memref<1x1024xi32, #tpu.memory_space<vmem>> -> memref<1024xi32, #tpu.memory_space<vmem>>
    %dma_wait3A_279 = arith.constant 0 : i32
    %dma_wait3A_280 = arith.constant 0 : i32
    %dma_wait3A_281 = tpu.memref_slice %arg3[%dma_wait3A_279, %dma_wait3A_280] : memref<1000000x32xf32, #tpu.memory_space<hbm>> -> memref<1000000x32xf32, #tpu.memory_space<hbm>>
    tpu.wait_indirect_dma semaphore(%arg9 : memref<!tpu.dma_semaphore, #tpu.memory_space<semaphore_mem>>) src(%dma_wait3A_281 : memref<1000000x32xf32, #tpu.memory_space<hbm>>) dst(%dma_wait3A_275 : memref<1024x32xf32, #tpu.memory_space<vmem>>)
    %add3A_282 = arith.constant 8192 : i32
    %add3A_283 = arith.addi %mul3A_2, %add3A_282 : i32
    %run_scoped3A_284 = arith.constant 2 : i32
    "tpu.region"() ({
      %run_scoped3A_300 = tpu.sem_alloc : memref<!tpu.dma_semaphore, #tpu.memory_space<semaphore_mem>>
      %dma_start3A_301 = arith.constant 0 : i32
      %dma_start3A_302 = arith.constant 0 : i32
      %dma_start3A_303 = tpu.memref_slice %arg6[%run_scoped3A_284, %dma_start3A_301, %dma_start3A_302] : memref<3x1024x32xf32, #tpu.memory_space<vmem>> -> memref<1x1024x32xf32, #tpu.memory_space<vmem>>
      %dma_start3A_304 = tpu.memref_squeeze %dma_start3A_303 : memref<1x1024x32xf32, #tpu.memory_space<vmem>> -> memref<1024x32xf32, #tpu.memory_space<vmem>>
      %dma_start3A_305 = arith.constant 0 : i32
      %dma_start3A_306 = tpu.memref_slice %arg4[%add3A_283, %dma_start3A_305] : memref<327680x32xf32, #tpu.memory_space<hbm>> -> memref<1024x32xf32, #tpu.memory_space<hbm>>
      %dma_start3A_307 = arith.constant 0 : i32
      %dma_start3A_308 = tpu.memref_slice %arg4[%add3A_283, %dma_start3A_307] : memref<327680x32xf32, #tpu.memory_space<hbm>> -> memref<1024x32xf32, #tpu.memory_space<hbm>>
      %dma_start3A_309 = arith.constant 0 : i32
      %dma_start3A_310 = arith.constant 0 : i32
      %dma_start3A_311 = tpu.memref_slice %arg6[%run_scoped3A_284, %dma_start3A_309, %dma_start3A_310] : memref<3x1024x32xf32, #tpu.memory_space<vmem>> -> memref<1x1024x32xf32, #tpu.memory_space<vmem>>
      %dma_start3A_312 = tpu.memref_squeeze %dma_start3A_311 : memref<1x1024x32xf32, #tpu.memory_space<vmem>> -> memref<1024x32xf32, #tpu.memory_space<vmem>>
      tpu.enqueue_dma source(%dma_start3A_312 : memref<1024x32xf32, #tpu.memory_space<vmem>>) target(%dma_start3A_308 : memref<1024x32xf32, #tpu.memory_space<hbm>>) target_semaphore(%run_scoped3A_300 : memref<!tpu.dma_semaphore, #tpu.memory_space<semaphore_mem>>)
      %dma_wait3A_313 = arith.constant 0 : i32
      %dma_wait3A_314 = arith.constant 0 : i32
      %dma_wait3A_315 = tpu.memref_slice %arg6[%run_scoped3A_284, %dma_wait3A_313, %dma_wait3A_314] : memref<3x1024x32xf32, #tpu.memory_space<vmem>> -> memref<1x1024x32xf32, #tpu.memory_space<vmem>>
      %dma_wait3A_316 = tpu.memref_squeeze %dma_wait3A_315 : memref<1x1024x32xf32, #tpu.memory_space<vmem>> -> memref<1024x32xf32, #tpu.memory_space<vmem>>
      %dma_wait3A_317 = arith.constant 0 : i32
      %dma_wait3A_318 = tpu.memref_slice %arg4[%add3A_283, %dma_wait3A_317] : memref<327680x32xf32, #tpu.memory_space<hbm>> -> memref<1024x32xf32, #tpu.memory_space<hbm>>
      %dma_wait3A_319 = arith.constant 0 : i32
      %dma_wait3A_320 = tpu.memref_slice %arg4[%add3A_283, %dma_wait3A_319] : memref<327680x32xf32, #tpu.memory_space<hbm>> -> memref<1024x32xf32, #tpu.memory_space<hbm>>
      %dma_wait3A_321 = arith.constant 0 : i32
      %dma_wait3A_322 = arith.constant 0 : i32
      %dma_wait3A_323 = tpu.memref_slice %arg6[%run_scoped3A_284, %dma_wait3A_321, %dma_wait3A_322] : memref<3x1024x32xf32, #tpu.memory_space<vmem>> -> memref<1x1024x32xf32, #tpu.memory_space<vmem>>
      %dma_wait3A_324 = tpu.memref_squeeze %dma_wait3A_323 : memref<1x1024x32xf32, #tpu.memory_space<vmem>> -> memref<1024x32xf32, #tpu.memory_space<vmem>>
      tpu.wait_dma2 semaphore(%run_scoped3A_300 : memref<!tpu.dma_semaphore, #tpu.memory_space<semaphore_mem>>) src(%dma_wait3A_324 : memref<1024x32xf32, #tpu.memory_space<vmem>>) dst(%dma_wait3A_320 : memref<1024x32xf32, #tpu.memory_space<hbm>>)
      tpu.yield
    }) : () -> ()
    %dma_wait3A_285 = arith.constant 0 : i32
    %dma_wait3A_286 = arith.constant 0 : i32
    %dma_wait3A_287 = arith.constant 0 : i32
    %dma_wait3A_288 = arith.constant 0 : i32
    %dma_wait3A_289 = tpu.memref_slice %arg6[%dma_wait3A_286, %dma_wait3A_287, %dma_wait3A_288] : memref<3x1024x32xf32, #tpu.memory_space<vmem>> -> memref<1x1024x32xf32, #tpu.memory_space<vmem>>
    %dma_wait3A_290 = tpu.memref_squeeze %dma_wait3A_289 : memref<1x1024x32xf32, #tpu.memory_space<vmem>> -> memref<1024x32xf32, #tpu.memory_space<vmem>>
    %dma_wait3A_291 = arith.constant 0 : i32
    %dma_wait3A_292 = tpu.memref_slice %arg5[%dma_wait3A_285, %dma_wait3A_291] : memref<3x1024xi32, #tpu.memory_space<vmem>> -> memref<1x1024xi32, #tpu.memory_space<vmem>>
    %dma_wait3A_293 = tpu.memref_squeeze %dma_wait3A_292 : memref<1x1024xi32, #tpu.memory_space<vmem>> -> memref<1024xi32, #tpu.memory_space<vmem>>
    %dma_wait3A_294 = arith.constant 0 : i32
    %dma_wait3A_295 = arith.constant 0 : i32
    %dma_wait3A_296 = tpu.memref_slice %arg3[%dma_wait3A_294, %dma_wait3A_295] : memref<1000000x32xf32, #tpu.memory_space<hbm>> -> memref<1000000x32xf32, #tpu.memory_space<hbm>>
    tpu.wait_indirect_dma semaphore(%arg7 : memref<!tpu.dma_semaphore, #tpu.memory_space<semaphore_mem>>) src(%dma_wait3A_296 : memref<1000000x32xf32, #tpu.memory_space<hbm>>) dst(%dma_wait3A_290 : memref<1024x32xf32, #tpu.memory_space<vmem>>)
    %add3A_297 = arith.constant 9216 : i32
    %add3A_298 = arith.addi %mul3A_2, %add3A_297 : i32
    %run_scoped3A_299 = arith.constant 0 : i32
    "tpu.region"() ({
      %run_scoped3A_300 = tpu.sem_alloc : memref<!tpu.dma_semaphore, #tpu.memory_space<semaphore_mem>>
      %dma_start3A_301 = arith.constant 0 : i32
      %dma_start3A_302 = arith.constant 0 : i32
      %dma_start3A_303 = tpu.memref_slice %arg6[%run_scoped3A_299, %dma_start3A_301, %dma_start3A_302] : memref<3x1024x32xf32, #tpu.memory_space<vmem>> -> memref<1x1024x32xf32, #tpu.memory_space<vmem>>
      %dma_start3A_304 = tpu.memref_squeeze %dma_start3A_303 : memref<1x1024x32xf32, #tpu.memory_space<vmem>> -> memref<1024x32xf32, #tpu.memory_space<vmem>>
      %dma_start3A_305 = arith.constant 0 : i32
      %dma_start3A_306 = tpu.memref_slice %arg4[%add3A_298, %dma_start3A_305] : memref<327680x32xf32, #tpu.memory_space<hbm>> -> memref<1024x32xf32, #tpu.memory_space<hbm>>
      %dma_start3A_307 = arith.constant 0 : i32
      %dma_start3A_308 = tpu.memref_slice %arg4[%add3A_298, %dma_start3A_307] : memref<327680x32xf32, #tpu.memory_space<hbm>> -> memref<1024x32xf32, #tpu.memory_space<hbm>>
      %dma_start3A_309 = arith.constant 0 : i32
      %dma_start3A_310 = arith.constant 0 : i32
      %dma_start3A_311 = tpu.memref_slice %arg6[%run_scoped3A_299, %dma_start3A_309, %dma_start3A_310] : memref<3x1024x32xf32, #tpu.memory_space<vmem>> -> memref<1x1024x32xf32, #tpu.memory_space<vmem>>
      %dma_start3A_312 = tpu.memref_squeeze %dma_start3A_311 : memref<1x1024x32xf32, #tpu.memory_space<vmem>> -> memref<1024x32xf32, #tpu.memory_space<vmem>>
      tpu.enqueue_dma source(%dma_start3A_312 : memref<1024x32xf32, #tpu.memory_space<vmem>>) target(%dma_start3A_308 : memref<1024x32xf32, #tpu.memory_space<hbm>>) target_semaphore(%run_scoped3A_300 : memref<!tpu.dma_semaphore, #tpu.memory_space<semaphore_mem>>)
      %dma_wait3A_313 = arith.constant 0 : i32
      %dma_wait3A_314 = arith.constant 0 : i32
      %dma_wait3A_315 = tpu.memref_slice %arg6[%run_scoped3A_299, %dma_wait3A_313, %dma_wait3A_314] : memref<3x1024x32xf32, #tpu.memory_space<vmem>> -> memref<1x1024x32xf32, #tpu.memory_space<vmem>>
      %dma_wait3A_316 = tpu.memref_squeeze %dma_wait3A_315 : memref<1x1024x32xf32, #tpu.memory_space<vmem>> -> memref<1024x32xf32, #tpu.memory_space<vmem>>
      %dma_wait3A_317 = arith.constant 0 : i32
      %dma_wait3A_318 = tpu.memref_slice %arg4[%add3A_298, %dma_wait3A_317] : memref<327680x32xf32, #tpu.memory_space<hbm>> -> memref<1024x32xf32, #tpu.memory_space<hbm>>
      %dma_wait3A_319 = arith.constant 0 : i32
      %dma_wait3A_320 = tpu.memref_slice %arg4[%add3A_298, %dma_wait3A_319] : memref<327680x32xf32, #tpu.memory_space<hbm>> -> memref<1024x32xf32, #tpu.memory_space<hbm>>
      %dma_wait3A_321 = arith.constant 0 : i32
      %dma_wait3A_322 = arith.constant 0 : i32
      %dma_wait3A_323 = tpu.memref_slice %arg6[%run_scoped3A_299, %dma_wait3A_321, %dma_wait3A_322] : memref<3x1024x32xf32, #tpu.memory_space<vmem>> -> memref<1x1024x32xf32, #tpu.memory_space<vmem>>
      %dma_wait3A_324 = tpu.memref_squeeze %dma_wait3A_323 : memref<1x1024x32xf32, #tpu.memory_space<vmem>> -> memref<1024x32xf32, #tpu.memory_space<vmem>>
      tpu.wait_dma2 semaphore(%run_scoped3A_300 : memref<!tpu.dma_semaphore, #tpu.memory_space<semaphore_mem>>) src(%dma_wait3A_324 : memref<1024x32xf32, #tpu.memory_space<vmem>>) dst(%dma_wait3A_320 : memref<1024x32xf32, #tpu.memory_space<hbm>>)
      tpu.yield
    }) : () -> ()
    return
  }
}

</mosaic_0001>

<sc_bundles>
// kernel: kernel.4.cloned.1.call-start
scs
__scs_entry_jumppad:
0x0: {  	(pc) =	sbr.rel $0x88, $3  }
0x1: {  	(tag) =	ssettag $0x0;
	lr =	simm.s32 $0x1  }
0x2: {  	[smem:$0x3F9E] =	sst lr;
	_ =	strace $0xD0000000  }
0x3: {  	_ = 	snop  }
0x4: {  	_ = 	snop  }
0x5: {  	_ = 	snop  }
0x6: {  	_ = 	snop  }
0x7: {  	_ = 	snop  }
__scs_overlays_trampoline_lowered:
0x8: {  	[smem:$0x3FAD] =	sst s0  }
0x9: {  	[smem:$0x3FAE] =	sst s1  }
0xa: {  	[smem:$0x3FAF] =	sst s2  }
0xb: {  	[smem:$0x3FB0] =	sst s3  }
0xc: {  	[smem:$0x3FB1] =	sst s4  }
0xd: {  	[smem:$0x3FB2] =	sst s5  }
0xe: {  	[smem:$0x3FB3] =	sst s6  }
0xf: {  	[smem:$0x3FB4] =	sst s7  }
0x10: {  	[smem:$0x3FB5] =	sst s8  }
0x11: {  	[smem:$0x3FB6] =	sst s9;
	s0 =	simm.s32 @!p0 $0x0  }
0x12: {  	s1 =	sld [smem:$0x3F9C];
	s0 =	simm.s32 @p0 $0x1  }
0x13: {  	[smem:$0x3FB7] =	sst s0;
	s0 =	simm.s32 @!p1 $0x0  }
0x14: {  	s2 =	sld [smem:$0x3F9B];
	s0 =	simm.s32 @p1 $0x1  }
0x15: {  	[smem:$0x3FB8] =	sst s0;
	s0 =	simm.s32 @!p2 $0x0  }
0x16: {  	s3 =	sld [smem:$0x3FDB];
	s0 =	simm.s32 @p2 $0x1  }
0x17: {  	s4 =	simm.s32 $0x1BF5;
	[smem:$0x3FBA] =	sst s0  }
0x18: {  	s0 =	sld [smem:$0x3F9D];
	_ =	swait.ge [sflag:s4], $0x0  }
0x19: {  	s7 =	sld [smem:$0x3F9E]  }
0x1a: {  	s8 =	sadd.s32 $0xFFFFE003, lr  }
0x1b: {  	s9 =	sadd.s32 $0xFFFFFEF7, lr;
	s5 =	simm.s32 $0xFFFFFFFF;
	p2 =	slt.u32 s8, $0xFFFFF086  }
0x1c: {  	p1 =	slt.u32 s9, $0xF7A;
	s5 =	simm.s32 @!p2 $0x0  }
0x1d: {  	s5 =	simm.s32 @p1 $0x1;
	p0 =	seq.s32 s7, s2  }
0x1e: {  	s7 =	smul.u32 @!p0 $0xF7A, s2;
	p2 =	seq.s32 @!p0 s5, $0x0  }
0x1f: {  	s9 =	smul.u32 $0xF7A, s1;
	s8 =	simm.s32 @!p0 $0x1BF5;
	p2 =	por !p2, p0  }
0x20: {  	[sflag:s8] =	ssyncset.s32 @!p0 $0xFFFFF086;
	s6 =	sadd.s32 @!p0 s3, s7;
	s7 =	simm.s32 @!p0 $0x108  }
0x21: {  	s3 =	sadd.s32 s3, s9;
	s6 =	sadd.s32 @!p0 $0x88, s6;
	s7 =	simm.s32 @p2 $0x1082  }
0x22: {  	[simem:s7], [sflag:s8] =	dma.local @!p0 [hbm:s6], $0xF7A  }
0x23: {  	s9 =	sor.u32 $0xD0000000, s2;
	s6 =	simm.s32 $0x108;
	_ =	swait.ge @!p0 [sflag:s8], $0x0  }
0x24: {  	s3 =	sadd.s32 $0x88, s3;
	s6 =	simm.s32 @!p1 $0x1082;
	[sflag:s4] =	ssyncset.s32 $0xFFFFF086  }
0x25: {  	[simem:s6], [sflag:s4] =	dma.local [hbm:s3], $0xF7A  }
0x26: {  	[smem:$0x3F9E] =	sst s1;
	(tag) =	ssettag s2;
	_ =	strace s9  }
0x27: {  	s1 =	sld [smem:$0x3FAE]  }
0x28: {  	s2 =	sld [smem:$0x3FAF]  }
0x29: {  	s4 =	sld [smem:$0x3FB1]  }
0x2a: {  	p0 =	seq.s32 s5, $0x0;
	s5 =	sld [smem:$0x3FB2]  }
0x2b: {  	s6 =	sld [smem:$0x3FB3]  }
0x2c: {  	s7 =	sld [smem:$0x3FB4]  }
0x2d: {  	s3 =	simm.s32 $0x108;
	s8 =	sld [smem:$0x3FB5]  }
0x2e: {  	s3 =	simm.s32 @!p0 $0x1082;
	s9 =	sld [smem:$0x3FB6]  }
0x2f: {  	lr =	sadd.s32 s0, s3;
	s0 =	sld [smem:$0x3FAD]  }
0x30: {  	s3 =	sld [smem:$0x3FB0]  }
0x31: {  	[smem:$0x3FB9] =	sst s10  }
0x32: {  	s10 =	sld [smem:$0x3FB7];
	_ =	sdelay $0x3  }
0x33: {  	p0 =	seq.s32 s10, $0x1;
	s10 =	sld [smem:$0x3FB9];
	_ =	sdelay $0x3  }
0x34: {  	[smem:$0x3FB9] =	sst s10  }
0x35: {  	s10 =	sld [smem:$0x3FB8];
	_ =	sdelay $0x3  }
0x36: {  	p1 =	seq.s32 s10, $0x1;
	s10 =	sld [smem:$0x3FB9];
	_ =	sdelay $0x3  }
0x37: {  	[smem:$0x3FB9] =	sst s10  }
0x38: {  	s10 =	sld [smem:$0x3FBA]  }
0x39: {  	_ = 	snop;
	(pc) =	sbr.ind lr, $3  }
0x3a: {  	_ = 	snop  }
0x3b: {  	_ = 	snop  }
0x3c: {  	p2 =	seq.s32 s10, $0x1;
	s10 =	sld [smem:$0x3FB9]  }
0x3d: {  	_ =	shalt  }
0x3e: {  	_ =	shalt  }
0x3f: {  	_ =	shalt  }
0x40: {  	_ =	shalt  }
0x41: {  	_ =	shalt  }
0x42: {  	_ =	shalt  }
0x43: {  	_ =	shalt  }
0x44: {  	_ =	shalt  }
0x45: {  	_ =	shalt  }
0x46: {  	_ =	shalt  }
0x47: {  	_ =	shalt  }
0x48: {  	_ =	shalt  }
0x49: {  	_ =	shalt  }
0x4a: {  	_ =	shalt  }
0x4b: {  	_ =	shalt  }
0x4c: {  	_ =	shalt  }
0x4d: {  	_ =	shalt  }
0x4e: {  	_ =	shalt  }
0x4f: {  	_ =	shalt  }
0x50: {  	_ =	shalt  }
0x51: {  	_ =	shalt  }
0x52: {  	_ =	shalt  }
0x53: {  	_ =	shalt  }
0x54: {  	_ =	shalt  }
0x55: {  	_ =	shalt  }
0x56: {  	_ =	shalt  }
0x57: {  	_ =	shalt  }
0x58: {  	_ =	shalt  }
0x59: {  	_ =	shalt  }
0x5a: {  	_ =	shalt  }
0x5b: {  	_ =	shalt  }
0x5c: {  	_ =	shalt  }
0x5d: {  	_ =	shalt  }
0x5e: {  	_ =	shalt  }
0x5f: {  	_ =	shalt  }
0x60: {  	_ =	shalt  }
0x61: {  	_ =	shalt  }
0x62: {  	_ =	shalt  }
0x63: {  	_ =	shalt  }
0x64: {  	_ =	shalt  }
0x65: {  	_ =	shalt  }
0x66: {  	_ =	shalt  }
0x67: {  	_ =	shalt  }
0x68: {  	_ =	shalt  }
0x69: {  	_ =	shalt  }
0x6a: {  	_ =	shalt  }
0x6b: {  	_ =	shalt  }
0x6c: {  	_ =	shalt  }
0x6d: {  	_ =	shalt  }
0x6e: {  	_ =	shalt  }
0x6f: {  	_ =	shalt  }
0x70: {  	_ =	shalt  }
0x71: {  	_ =	shalt  }
0x72: {  	_ =	shalt  }
0x73: {  	_ =	shalt  }
0x74: {  	_ =	shalt  }
0x75: {  	_ =	shalt  }
0x76: {  	_ =	shalt  }
0x77: {  	_ =	shalt  }
0x78: {  	_ =	shalt  }
0x79: {  	_ =	shalt  }
0x7a: {  	_ =	shalt  }
0x7b: {  	_ =	shalt  }
0x7c: {  	_ =	shalt  }
0x7d: {  	_ =	shalt  }
0x7e: {  	_ =	shalt  }
0x7f: {  	_ =	shalt  }
0x80: {  	_ =	shalt  }
0x81: {  	_ =	shalt  }
0x82: {  	_ =	shalt  }
0x83: {  	_ =	shalt  }
0x84: {  	_ =	shalt  }
0x85: {  	_ =	shalt  }
0x86: {  	_ =	shalt  }
0x87: {  	_ =	shalt  }
.Lfunc_end0:
.L_simem_size_0:
called_computation.2_lowered:
.L_overlay_start_0:
0x88: {  	s2 =	sld [smem:$0x3FD9]  }
0x89: {  	s3 =	sld [smem:$0x3FFE];
	_ =	sdelay $0x1  }
0x8a: {  	s1 =	srdreg.scid  }
0x8b: {  	s0 =	sand.u32 $0x1, s1  }
0x8c: {  	s16 =	sshll.u32 s0, $0xA;
	s2 =	sadd.s32 s3, s2  }
0x8d: {  	s2 =	sadd.s32 s2, s16  }
0x8e: {  	[smem:$0x3FC5] =	sst s2  }
0x8f: {  	_ = 	snop  }
0x90: {  	(tm) =	ssettm $0x1  }
0x91: {  	s17 =	sld [smem:$0x3FFB];
	_ =	sdelay $0x3  }
0x92: {  	_ =	strace s17  }
0x93: {  	s2 =	sld [smem:$0x3FFC];
	_ =	sdelay $0x3  }
0x94: {  	_ =	strace s2  }
0x95: {  	s2 =	sld [smem:$0x3FFD];
	_ =	sdelay $0x3  }
0x96: {  	_ =	strace s2  }
0x97: {  	_ =	strace $0x8FFFFFFF  }
0x98: {  	s18 =	sld [smem:$0x3FDB];
	_ =	sdelay $0x1  }
0x99: {  	s19 =	simm.s32 $_scs_section_size  }
0x9a: {  	s4 =	simm.s32 $_size__tile_overlayer_lowered;
	s5 =	simm.s32 $_tile_overlayer_lowered  }
0x9b: {  	s22 =	simm.s32 $0x1BFF;
	s21 =	sshll.u32 s5, $0x1;
	s2 =	sadd.s32 s19, s18  }
0x9c: {  	s6 =	simm.s32 $0x0;
	s20 =	sshll.u32 s4, $0x1;
	s4 =	sadd.s32 s21, s2  }
0x9d: {  	[timem:s6], [sflag:s22] =	dma.local [hbm:s4], s20  }
0x9e: {  	_ =	swait.ge [sflag:s22], s20  }
0x9f: {  	s3 =	ssub.s32 $0x0, s20;
	[sflag:s22] =	ssyncset.done $0x0  }
0xa0: {  	[sflag:s22] =	ssyncadd.s32 s3;
	_ =	sdelay $0x1  }
0xa1: {  	s23 =	simm.s32 $0x1B8B  }
0xa2: {  	_ =	swait.ge [sflag:s23], $0x1  }
0xa3: {  	[sflag:s23] =	ssyncset.done $0x0  }
0xa4: {  	s25 =	simm.s32 $0x1B8E;
	s24 =	sld [smem:$0x3FFE];
	[sflag:s23] =	ssyncadd.s32 $0xFFFFFFFF  }
0xa5: {  	s26 =	simm.s32 $execute0_lowered;
	[smem:$0x3FD2] =	sst s25  }
0xa6: {  	s4 =	sshll.u32 s26, $0x1;
	_ =	strace $0x80000046;
	[dreg:$0x1] =	wrdreg $0xFFFFFFFF  }
0xa7: {  	s28 =	simm.s32 $_size_execute0_lowered;
	s2 =	sadd.s32 s2, s4;
	[dreg:$0x0] =	wrdreg $0x0  }
0xa8: {  	s4 =	sshll.u32 s28, $0x1;
	[dreg:$0x2] =	wrdreg s2  }
0xa9: {  	[dreg:$0x3] =	wrdreg s4  }
0xaa: {  	[dreg:$0x4] =	wrdreg $0xC0  }
0xab: {  	_ =	task [dreg:s6], $0x5FFFF  }
0xac: {  	[dreg:$0x1] =	wrdreg $0xFFFFFFFF  }
0xad: {  	[dreg:$0x0] =	wrdreg $0x60  }
0xae: {  	[dreg:$0x2] =	wrdreg s24  }
0xaf: {  	[dreg:$0x3] =	wrdreg $0x9  }
0xb0: {  	_ =	task.clear_ibuf [dreg:s6], $0x4FFFF;
	_ =	strace $0x90000046  }
0xb1: {  	s29 =	simm.s32 $0x9;
	_ =	strace $0x80000048  }
0xb2: {  	_ =	swait.ge [sflag:s29], $0x1  }
0xb3: {  	[sflag:s29] =	ssyncadd.s32 $0xFFFFFFFF  }
0xb4: {  	_ =	strace $0x90000048  }
0xb5: {  	_ =	sfence  }
0xb6: {  	s30 =	sld [smem:$0x0];
	_ =	sdelay $0x2  }
0xb7: {  	s31 =	sshll.u32 s1, $0xD;
	s1 =	sshrl.u32 s1, $0x2  }
0xb8: {  	s3 =	sand.u32 $0x4000, s31;
	s1 =	sadd.s32 s1, s30  }
0xb9: {  	s0 =	sor.u32 s3, s0;
	s1 =	sshll.u32 s1, $0x11  }
0xba: {  	s0 =	sor.u32 s1, s0  }
0xbb: {  	s0 =	sadd.s32 $0x8F2B, s0  }
0xbc: {  	[sflag:s0] =	ssyncadd.remote.s32 $0x1  }
0xbd: {  	_ =	sfence.sel $0xFFFF  }
0xbe: {  	[dreg:$0x0] =	wrdreg $0xFFFFFFFF;
	(pc) =	sbr.abs _section_cstart, $3  }
0xbf: {  	[dreg:$0x1] =	wrdreg $0xFFFFFFFF  }
0xc0: {  	_ =	task.clear_ibuf [dreg:s6], $0x2FFFF;
	_ =	strace $0x9FFFFFFF  }
0xc1: {  	(tm) =	ssettm $0x7FFFFFFF  }
tec
execute0_lowered:
.L_overlay_start_1:
0x0: {  	(tag) =	ssettag $0x1  }
0x1: {  	s1 =	srdreg.scid;
	s0 =	stileid.u32  }
0x2: {  	s1 =	sand.u32 $0x1, s1;
	s2 =	sshll.u32 s0, $0x1  }
0x3: {  	s12 =	sor.u32 s1, s2  }
0x4: {  	s13 =	rddreg [dreg:$0x0];
	s29 =	smul.u32 $0x2800, s12  }
0x5: {  	s28 =	sadd.s32 $0x1400, s13  }
0x6: {  	[dreg:$0x4] =	wrdreg s1;
	s2 =	simm.s32 $0x0;
	s3 =	sshrl.u32 s29, $0x3  }
0x7: {  	[smem:$0x7FF] =	sst s2;
	s15 =	sor.u32 $0x400, s29;
	s3 =	sadd.s32 s28, s3  }
0x8: {  	_ =	strace $0x80000047;
	s26 =	sshrl.u32 s15, $0x3;
	[dreg:$0x2] =	wrdreg s3  }
0x9: {  	s3 =	sadd.s32 s28, s26;
	s4 =	rddreg [dreg:$0x2]  }
0xa: {  	[dreg:$0x3] =	wrdreg s3;
	s3 =	simm.s32 $0x4  }
0xb: {  	[tilespmem:s2], [sflag:$0x4] =	stream.linear.gather [hbm4b:s4+s2], $0x400, $0x38;
	[tilespmem:$0x18C00] =	vst v63  }
0xc: {  	_ =	swait.ge [sflag:s3], $0x400  }
0xd: {  	s5 =	simm.s32 $0x400;
	[sflag:s3] =	ssyncset.done $0x0  }
0xe: {  	s6 =	simm.s32 $0xC00;
	s4 =	sadd.s32 $0xF4D800, s13;
	[sflag:s3] =	ssyncadd.s32 $0xFFFFFC00  }
0xf: {  	[tilespmem:s6], [sflag:$0x1] =	stream.indirect.gather [hbm4b:s4+s5], $0x20, s2, s5, $0xb8;
	[tilespmem:$0x18C00] =	vst v63  }
0x10: {  	s7 =	rddreg [dreg:$0x3]  }
0x11: {  	[tilespmem:s5], [sflag:$0x4] =	stream.linear.gather [hbm4b:s7+s2], $0x400, $0x38;
	[tilespmem:$0x18C00] =	vst v63  }
0x12: {  	_ =	swait.ge [sflag:s3], $0x400  }
0x13: {  	s18 =	sadd.s32 $0x800, s29;
	[sflag:s3] =	ssyncset.done $0x0  }
0x14: {  	s8 =	sshrl.u32 s18, $0x3;
	s7 =	simm.s32 $0x8C00;
	[sflag:s3] =	ssyncadd.s32 $0xFFFFFC00  }
0x15: {  	[tilespmem:s7], [sflag:$0x2] =	stream.indirect.gather [hbm4b:s4+s5], $0x20, s5, s5, $0xb8;
	[tilespmem:$0x18C00] =	vst v63  }
0x16: {  	s9 =	simm.s32 $0x800;
	s8 =	sadd.s32 s28, s8  }
0x17: {  	[tilespmem:s9], [sflag:$0x4] =	stream.linear.gather [hbm4b:s8+s2], $0x400, $0x38;
	[tilespmem:$0x18C00] =	vst v63  }
0x18: {  	_ =	swait.ge [sflag:s3], $0x400  }
0x19: {  	[sflag:s3] =	ssyncset.done $0x0  }
0x1a: {  	s10 =	simm.s32 $0x10C00;
	s11 =	simm.s32 $0x1;
	[sflag:s3] =	ssyncadd.s32 $0xFFFFFC00  }
0x1b: {  	[tilespmem:s10], [sflag:$0x3] =	stream.indirect.gather [hbm4b:s4+s5], $0x20, s9, s5, $0xb8;
	[tilespmem:$0x18C00] =	vst v63  }
0x1c: {  	s12 =	smul.u32 $0xA000, s12;
	_ =	swait.ge [sflag:s11], $0x8000  }
0x1d: {  	s31 =	sadd.s32 $0xB400, s13;
	[sflag:s11] =	ssyncset.done $0x0  }
0x1e: {  	s12 =	sadd.s32 s31, s12;
	[sflag:s11] =	ssyncadd.s32 $0xFFFF8000  }
0x1f: {  	[hbm4b:s12+s2] =	stream.linear.scatter [tilespmem:s6], [sflag:$0x4], $0x8000, $0x38;
	[tilespmem:$0x18C00] =	vst v63  }
0x20: {  	s20 =	sadd.s32 $0xC00, s29;
	_ =	swait.ge [sflag:s3], $0x8000  }
0x21: {  	s0 =	sshrl.u32 s20, $0x3;
	[sflag:s3] =	ssyncset.done $0x0  }
0x22: {  	s13 =	sadd.s32 s28, s0;
	[sflag:s3] =	ssyncadd.s32 $0xFFFF8000  }
0x23: {  	[tilespmem:s2], [sflag:$0x4] =	stream.linear.gather [hbm4b:s13+s2], $0x400, $0x38;
	[tilespmem:$0x18C00] =	vst v63  }
0x24: {  	_ =	swait.ge [sflag:s3], $0x400  }
0x25: {  	[sflag:s3] =	ssyncset.done $0x0  }
0x26: {  	s14 =	simm.s32 $0x2;
	[sflag:s3] =	ssyncadd.s32 $0xFFFFFC00  }
0x27: {  	[tilespmem:s6], [sflag:$0x1] =	stream.indirect.gather [hbm4b:s4+s5], $0x20, s2, s5, $0xb8;
	[tilespmem:$0x18C00] =	vst v63  }
0x28: {  	_ =	swait.ge [sflag:s14], $0x8000  }
0x29: {  	s15 =	sshll.u32 s15, $0x2;
	[sflag:s14] =	ssyncset.done $0x0  }
0x2a: {  	s15 =	sadd.s32 s31, s15;
	[sflag:s14] =	ssyncadd.s32 $0xFFFF8000  }
0x2b: {  	[hbm4b:s15+s2] =	stream.linear.scatter [tilespmem:s7], [sflag:$0x4], $0x8000, $0x38;
	[tilespmem:$0x18C00] =	vst v63  }
0x2c: {  	s22 =	sadd.s32 $0x1000, s29;
	_ =	swait.ge [sflag:s3], $0x8000  }
0x2d: {  	s16 =	sshrl.u32 s22, $0x3;
	[sflag:s3] =	ssyncset.done $0x0  }
0x2e: {  	s16 =	sadd.s32 s28, s16;
	[sflag:s3] =	ssyncadd.s32 $0xFFFF8000  }
0x2f: {  	[tilespmem:s5], [sflag:$0x4] =	stream.linear.gather [hbm4b:s16+s2], $0x400, $0x38;
	[tilespmem:$0x18C00] =	vst v63  }
0x30: {  	_ =	swait.ge [sflag:s3], $0x400  }
0x31: {  	[sflag:s3] =	ssyncset.done $0x0  }
0x32: {  	s17 =	simm.s32 $0x3;
	[sflag:s3] =	ssyncadd.s32 $0xFFFFFC00  }
0x33: {  	[tilespmem:s7], [sflag:$0x2] =	stream.indirect.gather [hbm4b:s4+s5], $0x20, s5, s5, $0xb8;
	[tilespmem:$0x18C00] =	vst v63  }
0x34: {  	_ =	swait.ge [sflag:s17], $0x8000  }
0x35: {  	s18 =	sshll.u32 s18, $0x2;
	[sflag:s17] =	ssyncset.done $0x0  }
0x36: {  	s18 =	sadd.s32 s31, s18;
	[sflag:s17] =	ssyncadd.s32 $0xFFFF8000  }
0x37: {  	[hbm4b:s18+s2] =	stream.linear.scatter [tilespmem:s10], [sflag:$0x4], $0x8000, $0x38;
	[tilespmem:$0x18C00] =	vst v63  }
0x38: {  	s24 =	sadd.s32 $0x1400, s29;
	_ =	swait.ge [sflag:s3], $0x8000  }
0x39: {  	s19 =	sshrl.u32 s24, $0x3;
	[sflag:s3] =	ssyncset.done $0x0  }
0x3a: {  	s19 =	sadd.s32 s28, s19;
	[sflag:s3] =	ssyncadd.s32 $0xFFFF8000  }
0x3b: {  	[tilespmem:s9], [sflag:$0x4] =	stream.linear.gather [hbm4b:s19+s2], $0x400, $0x38;
	[tilespmem:$0x18C00] =	vst v63  }
0x3c: {  	_ =	swait.ge [sflag:s3], $0x400  }
0x3d: {  	[sflag:s3] =	ssyncset.done $0x0  }
0x3e: {  	[sflag:s3] =	ssyncadd.s32 $0xFFFFFC00  }
0x3f: {  	[tilespmem:s10], [sflag:$0x3] =	stream.indirect.gather [hbm4b:s4+s5], $0x20, s9, s5, $0xb8;
	[tilespmem:$0x18C00] =	vst v63  }
0x40: {  	_ =	swait.ge [sflag:s11], $0x8000  }
0x41: {  	s20 =	sshll.u32 s20, $0x2;
	[sflag:s11] =	ssyncset.done $0x0  }
0x42: {  	s20 =	sadd.s32 s31, s20;
	[sflag:s11] =	ssyncadd.s32 $0xFFFF8000  }
0x43: {  	[hbm4b:s20+s2] =	stream.linear.scatter [tilespmem:s6], [sflag:$0x4], $0x8000, $0x38;
	[tilespmem:$0x18C00] =	vst v63  }
0x44: {  	s26 =	sadd.s32 $0x1800, s29;
	_ =	swait.ge [sflag:s3], $0x8000  }
0x45: {  	s21 =	sshrl.u32 s26, $0x3;
	[sflag:s3] =	ssyncset.done $0x0  }
0x46: {  	s21 =	sadd.s32 s28, s21;
	[sflag:s3] =	ssyncadd.s32 $0xFFFF8000  }
0x47: {  	[tilespmem:s2], [sflag:$0x4] =	stream.linear.gather [hbm4b:s21+s2], $0x400, $0x38;
	[tilespmem:$0x18C00] =	vst v63  }
0x48: {  	_ =	swait.ge [sflag:s3], $0x400  }
0x49: {  	[sflag:s3] =	ssyncset.done $0x0  }
0x4a: {  	[sflag:s3] =	ssyncadd.s32 $0xFFFFFC00  }
0x4b: {  	[tilespmem:s6], [sflag:$0x1] =	stream.indirect.gather [hbm4b:s4+s5], $0x20, s2, s5, $0xb8;
	[tilespmem:$0x18C00] =	vst v63  }
0x4c: {  	_ =	swait.ge [sflag:s14], $0x8000  }
0x4d: {  	s22 =	sshll.u32 s22, $0x2;
	[sflag:s14] =	ssyncset.done $0x0  }
0x4e: {  	s22 =	sadd.s32 s31, s22;
	[sflag:s14] =	ssyncadd.s32 $0xFFFF8000  }
0x4f: {  	[hbm4b:s22+s2] =	stream.linear.scatter [tilespmem:s7], [sflag:$0x4], $0x8000, $0x38;
	[tilespmem:$0x18C00] =	vst v63  }
0x50: {  	s30 =	sadd.s32 $0x1C00, s29;
	_ =	swait.ge [sflag:s3], $0x8000  }
0x51: {  	s23 =	sshrl.u32 s30, $0x3;
	[sflag:s3] =	ssyncset.done $0x0  }
0x52: {  	s23 =	sadd.s32 s28, s23;
	[sflag:s3] =	ssyncadd.s32 $0xFFFF8000  }
0x53: {  	[tilespmem:s5], [sflag:$0x4] =	stream.linear.gather [hbm4b:s23+s2], $0x400, $0x38;
	[tilespmem:$0x18C00] =	vst v63  }
0x54: {  	_ =	swait.ge [sflag:s3], $0x400  }
0x55: {  	[sflag:s3] =	ssyncset.done $0x0  }
0x56: {  	[sflag:s3] =	ssyncadd.s32 $0xFFFFFC00  }
0x57: {  	[tilespmem:s7], [sflag:$0x2] =	stream.indirect.gather [hbm4b:s4+s5], $0x20, s5, s5, $0xb8;
	[tilespmem:$0x18C00] =	vst v63  }
0x58: {  	_ =	swait.ge [sflag:s17], $0x8000  }
0x59: {  	s24 =	sshll.u32 s24, $0x2;
	[sflag:s17] =	ssyncset.done $0x0  }
0x5a: {  	s24 =	sadd.s32 s31, s24;
	[sflag:s17] =	ssyncadd.s32 $0xFFFF8000  }
0x5b: {  	[hbm4b:s24+s2] =	stream.linear.scatter [tilespmem:s10], [sflag:$0x4], $0x8000, $0x38;
	[tilespmem:$0x18C00] =	vst v63  }
0x5c: {  	s1 =	sadd.s32 $0x2000, s29;
	_ =	swait.ge [sflag:s3], $0x8000  }
0x5d: {  	s25 =	sshrl.u32 s1, $0x3;
	[sflag:s3] =	ssyncset.done $0x0  }
0x5e: {  	s25 =	sadd.s32 s28, s25;
	[sflag:s3] =	ssyncadd.s32 $0xFFFF8000  }
0x5f: {  	[tilespmem:s9], [sflag:$0x4] =	stream.linear.gather [hbm4b:s25+s2], $0x400, $0x38;
	[tilespmem:$0x18C00] =	vst v63  }
0x60: {  	_ =	swait.ge [sflag:s3], $0x400  }
0x61: {  	[sflag:s3] =	ssyncset.done $0x0  }
0x62: {  	[sflag:s3] =	ssyncadd.s32 $0xFFFFFC00  }
0x63: {  	[tilespmem:s10], [sflag:$0x3] =	stream.indirect.gather [hbm4b:s4+s5], $0x20, s9, s5, $0xb8;
	[tilespmem:$0x18C00] =	vst v63  }
0x64: {  	_ =	swait.ge [sflag:s11], $0x8000  }
0x65: {  	s26 =	sshll.u32 s26, $0x2;
	s0 =	sadd.s32 $0x2400, s29;
	[sflag:s11] =	ssyncset.done $0x0  }
0x66: {  	s26 =	sadd.s32 s31, s26;
	[dreg:$0x5] =	wrdreg s0;
	[sflag:s11] =	ssyncadd.s32 $0xFFFF8000  }
0x67: {  	[hbm4b:s26+s2] =	stream.linear.scatter [tilespmem:s6], [sflag:$0x4], $0x8000, $0x38;
	[tilespmem:$0x18C00] =	vst v63  }
0x68: {  	_ =	swait.ge [sflag:s3], $0x8000  }
0x69: {  	s29 =	sshrl.u32 s0, $0x3;
	[sflag:s3] =	ssyncset.done $0x0  }
0x6a: {  	s28 =	sadd.s32 s28, s29;
	[sflag:s3] =	ssyncadd.s32 $0xFFFF8000  }
0x6b: {  	[tilespmem:s2], [sflag:$0x4] =	stream.linear.gather [hbm4b:s28+s2], $0x400, $0x38;
	[tilespmem:$0x18C00] =	vst v63  }
0x6c: {  	_ =	swait.ge [sflag:s3], $0x400  }
0x6d: {  	[sflag:s3] =	ssyncset.done $0x0  }
0x6e: {  	[sflag:s3] =	ssyncadd.s32 $0xFFFFFC00  }
0x6f: {  	[tilespmem:s6], [sflag:$0x1] =	stream.indirect.gather [hbm4b:s4+s5], $0x20, s2, s5, $0xb8;
	[tilespmem:$0x18C00] =	vst v63  }
0x70: {  	_ =	swait.ge [sflag:s14], $0x8000  }
0x71: {  	s29 =	sshll.u32 s30, $0x2;
	[sflag:s14] =	ssyncset.done $0x0  }
0x72: {  	s29 =	sadd.s32 s31, s29;
	[sflag:s14] =	ssyncadd.s32 $0xFFFF8000  }
0x73: {  	[hbm4b:s29+s2] =	stream.linear.scatter [tilespmem:s7], [sflag:$0x4], $0x8000, $0x38;
	[tilespmem:$0x18C00] =	vst v63  }
0x74: {  	_ =	swait.ge [sflag:s3], $0x8000  }
0x75: {  	[sflag:s3] =	ssyncset.done $0x0  }
0x76: {  	[sflag:s3] =	ssyncadd.s32 $0xFFFF8000  }
0x77: {  	_ =	swait.ge [sflag:s17], $0x8000  }
0x78: {  	s1 =	sshll.u32 s1, $0x2;
	[sflag:s17] =	ssyncset.done $0x0  }
0x79: {  	s30 =	sadd.s32 s31, s1;
	[sflag:s17] =	ssyncadd.s32 $0xFFFF8000  }
0x7a: {  	[hbm4b:s30+s2] =	stream.linear.scatter [tilespmem:s10], [sflag:$0x4], $0x8000, $0x38;
	[tilespmem:$0x18C00] =	vst v63  }
0x7b: {  	_ =	swait.ge [sflag:s3], $0x8000  }
0x7c: {  	s1 =	rddreg [dreg:$0x4]  }
0x7d: {  	s1 =	ssub.s32 $0x2, s1  }
0x7e: {  	s0 =	sshrl.u32 s1, $0x1  }
0x7f: {  	[sflag:s3] =	ssyncset.done $0x0;
	s0 =	ssub.s32 s1, s0  }
0x80: {  	[sflag:s3] =	ssyncadd.s32 $0xFFFF8000;
	s0 =	smax.u32 s0, $0x1  }
0x81: {  	_ =	swait.ge [sflag:s11], $0x8000;
	p0 =	sne.s32 s0, $0x1  }
.Ltmp0:
0x82: {  	s1 =	rddreg [dreg:$0x5];
	(pc) =	sbr.rel @!p0 .LBB2_2-.Ltmp0, $4  }
0x83: {  	[sflag:s11] =	ssyncset.done $0x0;
	s1 =	sshll.u32 s1, $0x2  }
0x84: {  	[sflag:s11] =	ssyncadd.s32 $0xFFFF8000;
	s31 =	sadd.s32 s31, s1  }
0x85: {  	[hbm4b:s31+s2] =	stream.linear.scatter [tilespmem:s6], [sflag:$0x4], $0x8000, $0x38;
	[tilespmem:$0x18C00] =	vst v63  }
0x86: {  	s1 =	sadd.s32 $0xFFFFFFFF, s0;
	_ =	swait.ge [sflag:s3], $0x8000  }
.LBB2_1:
0x87: {  	[sflag:s3] =	ssyncset.done $0x0  }
0x88: {  	s0 =	rddreg [dreg:$0x2];
	[sflag:s3] =	ssyncadd.s32 $0xFFFF8000  }
0x89: {  	[tilespmem:s2], [sflag:$0x4] =	stream.linear.gather [hbm4b:s0+s2], $0x400, $0x38;
	[tilespmem:$0x18C00] =	vst v63  }
0x8a: {  	_ =	swait.ge [sflag:s3], $0x400  }
0x8b: {  	[sflag:s3] =	ssyncset.done $0x0  }
0x8c: {  	[sflag:s3] =	ssyncadd.s32 $0xFFFFFC00  }
0x8d: {  	[tilespmem:s6], [sflag:$0x1] =	stream.indirect.gather [hbm4b:s4+s5], $0x20, s2, s5, $0xb8;
	[tilespmem:$0x18C00] =	vst v63  }
0x8e: {  	s0 =	rddreg [dreg:$0x3]  }
0x8f: {  	[tilespmem:s5], [sflag:$0x4] =	stream.linear.gather [hbm4b:s0+s2], $0x400, $0x38;
	[tilespmem:$0x18C00] =	vst v63  }
0x90: {  	_ =	swait.ge [sflag:s3], $0x400  }
0x91: {  	[sflag:s3] =	ssyncset.done $0x0  }
0x92: {  	[sflag:s3] =	ssyncadd.s32 $0xFFFFFC00  }
0x93: {  	[tilespmem:s7], [sflag:$0x2] =	stream.indirect.gather [hbm4b:s4+s5], $0x20, s5, s5, $0xb8;
	[tilespmem:$0x18C00] =	vst v63  }
0x94: {  	_ = 	snop  }
0x95: {  	[tilespmem:s9], [sflag:$0x4] =	stream.linear.gather [hbm4b:s8+s2], $0x400, $0x38;
	[tilespmem:$0x18C00] =	vst v63  }
0x96: {  	_ =	swait.ge [sflag:s3], $0x400  }
0x97: {  	[sflag:s3] =	ssyncset.done $0x0  }
0x98: {  	[sflag:s3] =	ssyncadd.s32 $0xFFFFFC00  }
0x99: {  	[tilespmem:s10], [sflag:$0x3] =	stream.indirect.gather [hbm4b:s4+s5], $0x20, s9, s5, $0xb8;
	[tilespmem:$0x18C00] =	vst v63  }
0x9a: {  	_ =	swait.ge [sflag:s11], $0x8000  }
0x9b: {  	[sflag:s11] =	ssyncset.done $0x0  }
0x9c: {  	[sflag:s11] =	ssyncadd.s32 $0xFFFF8000  }
0x9d: {  	[hbm4b:s12+s2] =	stream.linear.scatter [tilespmem:s6], [sflag:$0x4], $0x8000, $0x38;
	[tilespmem:$0x18C00] =	vst v63  }
0x9e: {  	_ =	swait.ge [sflag:s3], $0x8000  }
0x9f: {  	[sflag:s3] =	ssyncset.done $0x0  }
0xa0: {  	[sflag:s3] =	ssyncadd.s32 $0xFFFF8000  }
0xa1: {  	[tilespmem:s2], [sflag:$0x4] =	stream.linear.gather [hbm4b:s13+s2], $0x400, $0x38;
	[tilespmem:$0x18C00] =	vst v63  }
0xa2: {  	_ =	swait.ge [sflag:s3], $0x400  }
0xa3: {  	[sflag:s3] =	ssyncset.done $0x0  }
0xa4: {  	[sflag:s3] =	ssyncadd.s32 $0xFFFFFC00  }
0xa5: {  	[tilespmem:s6], [sflag:$0x1] =	stream.indirect.gather [hbm4b:s4+s5], $0x20, s2, s5, $0xb8;
	[tilespmem:$0x18C00] =	vst v63  }
0xa6: {  	_ =	swait.ge [sflag:s14], $0x8000  }
0xa7: {  	[sflag:s14] =	ssyncset.done $0x0  }
0xa8: {  	[sflag:s14] =	ssyncadd.s32 $0xFFFF8000  }
0xa9: {  	[hbm4b:s15+s2] =	stream.linear.scatter [tilespmem:s7], [sflag:$0x4], $0x8000, $0x38;
	[tilespmem:$0x18C00] =	vst v63  }
0xaa: {  	_ =	swait.ge [sflag:s3], $0x8000  }
0xab: {  	[sflag:s3] =	ssyncset.done $0x0  }
0xac: {  	[sflag:s3] =	ssyncadd.s32 $0xFFFF8000  }
0xad: {  	[tilespmem:s5], [sflag:$0x4] =	stream.linear.gather [hbm4b:s16+s2], $0x400, $0x38;
	[tilespmem:$0x18C00] =	vst v63  }
0xae: {  	_ =	swait.ge [sflag:s3], $0x400  }
0xaf: {  	[sflag:s3] =	ssyncset.done $0x0  }
0xb0: {  	[sflag:s3] =	ssyncadd.s32 $0xFFFFFC00  }
0xb1: {  	[tilespmem:s7], [sflag:$0x2] =	stream.indirect.gather [hbm4b:s4+s5], $0x20, s5, s5, $0xb8;
	[tilespmem:$0x18C00] =	vst v63  }
0xb2: {  	_ =	swait.ge [sflag:s17], $0x8000  }
0xb3: {  	[sflag:s17] =	ssyncset.done $0x0  }
0xb4: {  	[sflag:s17] =	ssyncadd.s32 $0xFFFF8000  }
0xb5: {  	[hbm4b:s18+s2] =	stream.linear.scatter [tilespmem:s10], [sflag:$0x4], $0x8000, $0x38;
	[tilespmem:$0x18C00] =	vst v63  }
0xb6: {  	_ =	swait.ge [sflag:s3], $0x8000  }
0xb7: {  	[sflag:s3] =	ssyncset.done $0x0  }
0xb8: {  	[sflag:s3] =	ssyncadd.s32 $0xFFFF8000  }
0xb9: {  	[tilespmem:s9], [sflag:$0x4] =	stream.linear.gather [hbm4b:s19+s2], $0x400, $0x38;
	[tilespmem:$0x18C00] =	vst v63  }
0xba: {  	_ =	swait.ge [sflag:s3], $0x400  }
0xbb: {  	[sflag:s3] =	ssyncset.done $0x0  }
0xbc: {  	[sflag:s3] =	ssyncadd.s32 $0xFFFFFC00  }
0xbd: {  	[tilespmem:s10], [sflag:$0x3] =	stream.indirect.gather [hbm4b:s4+s5], $0x20, s9, s5, $0xb8;
	[tilespmem:$0x18C00] =	vst v63  }
0xbe: {  	_ =	swait.ge [sflag:s11], $0x8000  }
0xbf: {  	[sflag:s11] =	ssyncset.done $0x0  }
0xc0: {  	[sflag:s11] =	ssyncadd.s32 $0xFFFF8000  }
0xc1: {  	[hbm4b:s20+s2] =	stream.linear.scatter [tilespmem:s6], [sflag:$0x4], $0x8000, $0x38;
	[tilespmem:$0x18C00] =	vst v63  }
0xc2: {  	_ =	swait.ge [sflag:s3], $0x8000  }
0xc3: {  	[sflag:s3] =	ssyncset.done $0x0  }
0xc4: {  	[sflag:s3] =	ssyncadd.s32 $0xFFFF8000  }
0xc5: {  	[tilespmem:s2], [sflag:$0x4] =	stream.linear.gather [hbm4b:s21+s2], $0x400, $0x38;
	[tilespmem:$0x18C00] =	vst v63  }
0xc6: {  	_ =	swait.ge [sflag:s3], $0x400  }
0xc7: {  	[sflag:s3] =	ssyncset.done $0x0  }
0xc8: {  	[sflag:s3] =	ssyncadd.s32 $0xFFFFFC00  }
0xc9: {  	[tilespmem:s6], [sflag:$0x1] =	stream.indirect.gather [hbm4b:s4+s5], $0x20, s2, s5, $0xb8;
	[tilespmem:$0x18C00] =	vst v63  }
0xca: {  	_ =	swait.ge [sflag:s14], $0x8000  }
0xcb: {  	[sflag:s14] =	ssyncset.done $0x0  }
0xcc: {  	[sflag:s14] =	ssyncadd.s32 $0xFFFF8000  }
0xcd: {  	[hbm4b:s22+s2] =	stream.linear.scatter [tilespmem:s7], [sflag:$0x4], $0x8000, $0x38;
	[tilespmem:$0x18C00] =	vst v63  }
0xce: {  	_ =	swait.ge [sflag:s3], $0x8000  }
0xcf: {  	[sflag:s3] =	ssyncset.done $0x0  }
0xd0: {  	[sflag:s3] =	ssyncadd.s32 $0xFFFF8000  }
0xd1: {  	[tilespmem:s5], [sflag:$0x4] =	stream.linear.gather [hbm4b:s23+s2], $0x400, $0x38;
	[tilespmem:$0x18C00] =	vst v63  }
0xd2: {  	_ =	swait.ge [sflag:s3], $0x400  }
0xd3: {  	[sflag:s3] =	ssyncset.done $0x0  }
0xd4: {  	[sflag:s3] =	ssyncadd.s32 $0xFFFFFC00  }
0xd5: {  	[tilespmem:s7], [sflag:$0x2] =	stream.indirect.gather [hbm4b:s4+s5], $0x20, s5, s5, $0xb8;
	[tilespmem:$0x18C00] =	vst v63  }
0xd6: {  	_ =	swait.ge [sflag:s17], $0x8000  }
0xd7: {  	[sflag:s17] =	ssyncset.done $0x0  }
0xd8: {  	[sflag:s17] =	ssyncadd.s32 $0xFFFF8000  }
0xd9: {  	[hbm4b:s24+s2] =	stream.linear.scatter [tilespmem:s10], [sflag:$0x4], $0x8000, $0x38;
	[tilespmem:$0x18C00] =	vst v63  }
0xda: {  	_ =	swait.ge [sflag:s3], $0x8000  }
0xdb: {  	[sflag:s3] =	ssyncset.done $0x0  }
0xdc: {  	[sflag:s3] =	ssyncadd.s32 $0xFFFF8000  }
0xdd: {  	[tilespmem:s9], [sflag:$0x4] =	stream.linear.gather [hbm4b:s25+s2], $0x400, $0x38;
	[tilespmem:$0x18C00] =	vst v63  }
0xde: {  	_ =	swait.ge [sflag:s3], $0x400  }
0xdf: {  	[sflag:s3] =	ssyncset.done $0x0  }
0xe0: {  	[sflag:s3] =	ssyncadd.s32 $0xFFFFFC00  }
0xe1: {  	[tilespmem:s10], [sflag:$0x3] =	stream.indirect.gather [hbm4b:s4+s5], $0x20, s9, s5, $0xb8;
	[tilespmem:$0x18C00] =	vst v63  }
0xe2: {  	_ =	swait.ge [sflag:s11], $0x8000  }
0xe3: {  	[sflag:s11] =	ssyncset.done $0x0  }
0xe4: {  	[sflag:s11] =	ssyncadd.s32 $0xFFFF8000  }
0xe5: {  	[hbm4b:s26+s2] =	stream.linear.scatter [tilespmem:s6], [sflag:$0x4], $0x8000, $0x38;
	[tilespmem:$0x18C00] =	vst v63  }
0xe6: {  	_ =	swait.ge [sflag:s3], $0x8000  }
0xe7: {  	[sflag:s3] =	ssyncset.done $0x0  }
0xe8: {  	[sflag:s3] =	ssyncadd.s32 $0xFFFF8000  }
0xe9: {  	[tilespmem:s2], [sflag:$0x4] =	stream.linear.gather [hbm4b:s28+s2], $0x400, $0x38;
	[tilespmem:$0x18C00] =	vst v63  }
0xea: {  	_ =	swait.ge [sflag:s3], $0x400  }
0xeb: {  	[sflag:s3] =	ssyncset.done $0x0  }
0xec: {  	[sflag:s3] =	ssyncadd.s32 $0xFFFFFC00  }
0xed: {  	[tilespmem:s6], [sflag:$0x1] =	stream.indirect.gather [hbm4b:s4+s5], $0x20, s2, s5, $0xb8;
	[tilespmem:$0x18C00] =	vst v63  }
0xee: {  	_ =	swait.ge [sflag:s14], $0x8000  }
0xef: {  	[sflag:s14] =	ssyncset.done $0x0  }
0xf0: {  	[sflag:s14] =	ssyncadd.s32 $0xFFFF8000  }
0xf1: {  	[hbm4b:s29+s2] =	stream.linear.scatter [tilespmem:s7], [sflag:$0x4], $0x8000, $0x38;
	[tilespmem:$0x18C00] =	vst v63  }
0xf2: {  	_ =	swait.ge [sflag:s3], $0x8000  }
0xf3: {  	[sflag:s3] =	ssyncset.done $0x0  }
0xf4: {  	[sflag:s3] =	ssyncadd.s32 $0xFFFF8000  }
0xf5: {  	_ =	swait.ge [sflag:s17], $0x8000  }
0xf6: {  	[sflag:s17] =	ssyncset.done $0x0  }
0xf7: {  	[sflag:s17] =	ssyncadd.s32 $0xFFFF8000  }
0xf8: {  	[hbm4b:s30+s2] =	stream.linear.scatter [tilespmem:s10], [sflag:$0x4], $0x8000, $0x38;
	[tilespmem:$0x18C00] =	vst v63  }
0xf9: {  	_ =	swait.ge [sflag:s3], $0x8000  }
0xfa: {  	[sflag:s3] =	ssyncset.done $0x0  }
0xfb: {  	p0 =	sne.s32 s1, $0x1;
	[sflag:s3] =	ssyncadd.s32 $0xFFFF8000  }
.Ltmp1:
0xfc: {  	_ =	swait.ge [sflag:s11], $0x8000;
	(pc) =	sbr.rel @p0 .LBB2_1-.Ltmp1, $4  }
0xfd: {  	[sflag:s11] =	ssyncset.done $0x0  }
0xfe: {  	[sflag:s11] =	ssyncadd.s32 $0xFFFF8000  }
0xff: {  	[hbm4b:s31+s2] =	stream.linear.scatter [tilespmem:s6], [sflag:$0x4], $0x8000, $0x38;
	[tilespmem:$0x18C00] =	vst v63  }
0x100: {  	s1 =	sadd.s32 $0xFFFFFFFF, s1;
	_ =	swait.ge [sflag:s3], $0x8000  }
.LBB2_2:
0x101: {  	[sflag:s3] =	ssyncset.done $0x0  }
0x102: {  	[sflag:s3] =	ssyncadd.s32 $0xFFFF8000  }
0x103: {  	_ =	sfence.sel $0x180000  }
0x104: {  	[bflag:$0x0] =	sbarrier.arrive $0xFFFF  }
0x105: {  	_ =	strace $0x90000047  }
0x106: {  	s0 =	stileid.u32;
	[bflag:$0x2] =	sbarrier.arrive $0xFFFF  }
0x107: {  	p0 =	sne.s32 s0, $0x0;
	s0 =	rddreg [dreg:$0x1]  }
0x108: {  	s0 =	sadd.s32 @!p0 $0x100000, s0  }
0x109: {  	[sflag:s0] =	ssyncadd.tile.s32 @!p0 $0x1;
	_ =	shalt  }
.Lfunc_end2:
_tile_overlayer_lowered:
.L_overlay_start_2:
0x10a: {  	(tag) =	ssettag $0x2  }
0x10b: {  	s0 =	rddreg [dreg:$0x0];
	s2 =	stileid.u32  }
0x10c: {  	s1 =	rddreg [dreg:$0x1];
	p0 =	sne.s32 s2, $0x0  }
0x10d: {  	s3 =	rddreg [dreg:$0x2];
	[bflag:$0x3] =	sbarrier.arrive $0xFFFF;
	s2 =	simm.s32 @!p0 $0x1C04  }
0x10e: {  	[timem:s3], [sflag:s2] =	dma.local @!p0 [hbm:s0], s1  }
0x10f: {  	s0 =	simm.s32 @!p0 $0x4  }
0x110: {  	_ =	swait.ge @!p0 [sflag:s0], s1  }
0x111: {  	s1 =	ssub.s32 @!p0 $0x0, s1;
	[sflag:s0] =	ssyncset.done @!p0 $0x0  }
0x112: {  	[sflag:s0] =	ssyncadd.s32 @!p0 s1  }
0x113: {  	[bflag:$0x3] =	sbarrier.arrive $0xFFFF  }
0x114: {  	_ =	shalt  }

// kernel: kernel.7.cloned.1.call-start
scs
__scs_entry_jumppad:
0x0: {  	(pc) =	sbr.rel $0x88, $3  }
0x1: {  	(tag) =	ssettag $0x0;
	lr =	simm.s32 $0x1  }
0x2: {  	[smem:$0x3F9E] =	sst lr;
	_ =	strace $0xD0000000  }
0x3: {  	_ = 	snop  }
0x4: {  	_ = 	snop  }
0x5: {  	_ = 	snop  }
0x6: {  	_ = 	snop  }
0x7: {  	_ = 	snop  }
__scs_overlays_trampoline_lowered:
0x8: {  	[smem:$0x3FAD] =	sst s0  }
0x9: {  	[smem:$0x3FAE] =	sst s1  }
0xa: {  	[smem:$0x3FAF] =	sst s2  }
0xb: {  	[smem:$0x3FB0] =	sst s3  }
0xc: {  	[smem:$0x3FB1] =	sst s4  }
0xd: {  	[smem:$0x3FB2] =	sst s5  }
0xe: {  	[smem:$0x3FB3] =	sst s6  }
0xf: {  	[smem:$0x3FB4] =	sst s7  }
0x10: {  	[smem:$0x3FB5] =	sst s8  }
0x11: {  	[smem:$0x3FB6] =	sst s9;
	s0 =	simm.s32 @!p0 $0x0  }
0x12: {  	s1 =	sld [smem:$0x3F9C];
	s0 =	simm.s32 @p0 $0x1  }
0x13: {  	[smem:$0x3FB7] =	sst s0;
	s0 =	simm.s32 @!p1 $0x0  }
0x14: {  	s2 =	sld [smem:$0x3F9B];
	s0 =	simm.s32 @p1 $0x1  }
0x15: {  	[smem:$0x3FB8] =	sst s0;
	s0 =	simm.s32 @!p2 $0x0  }
0x16: {  	s3 =	sld [smem:$0x3FDB];
	s0 =	simm.s32 @p2 $0x1  }
0x17: {  	s4 =	simm.s32 $0x1BF5;
	[smem:$0x3FBA] =	sst s0  }
0x18: {  	s0 =	sld [smem:$0x3F9D];
	_ =	swait.ge [sflag:s4], $0x0  }
0x19: {  	s7 =	sld [smem:$0x3F9E]  }
0x1a: {  	s8 =	sadd.s32 $0xFFFFE003, lr  }
0x1b: {  	s9 =	sadd.s32 $0xFFFFFEF7, lr;
	s5 =	simm.s32 $0xFFFFFFFF;
	p2 =	slt.u32 s8, $0xFFFFF086  }
0x1c: {  	p1 =	slt.u32 s9, $0xF7A;
	s5 =	simm.s32 @!p2 $0x0  }
0x1d: {  	s5 =	simm.s32 @p1 $0x1;
	p0 =	seq.s32 s7, s2  }
0x1e: {  	s7 =	smul.u32 @!p0 $0xF7A, s2;
	p2 =	seq.s32 @!p0 s5, $0x0  }
0x1f: {  	s9 =	smul.u32 $0xF7A, s1;
	s8 =	simm.s32 @!p0 $0x1BF5;
	p2 =	por !p2, p0  }
0x20: {  	[sflag:s8] =	ssyncset.s32 @!p0 $0xFFFFF086;
	s6 =	sadd.s32 @!p0 s3, s7;
	s7 =	simm.s32 @!p0 $0x108  }
0x21: {  	s3 =	sadd.s32 s3, s9;
	s6 =	sadd.s32 @!p0 $0x88, s6;
	s7 =	simm.s32 @p2 $0x1082  }
0x22: {  	[simem:s7], [sflag:s8] =	dma.local @!p0 [hbm:s6], $0xF7A  }
0x23: {  	s9 =	sor.u32 $0xD0000000, s2;
	s6 =	simm.s32 $0x108;
	_ =	swait.ge @!p0 [sflag:s8], $0x0  }
0x24: {  	s3 =	sadd.s32 $0x88, s3;
	s6 =	simm.s32 @!p1 $0x1082;
	[sflag:s4] =	ssyncset.s32 $0xFFFFF086  }
0x25: {  	[simem:s6], [sflag:s4] =	dma.local [hbm:s3], $0xF7A  }
0x26: {  	[smem:$0x3F9E] =	sst s1;
	(tag) =	ssettag s2;
	_ =	strace s9  }
0x27: {  	s1 =	sld [smem:$0x3FAE]  }
0x28: {  	s2 =	sld [smem:$0x3FAF]  }
0x29: {  	s4 =	sld [smem:$0x3FB1]  }
0x2a: {  	p0 =	seq.s32 s5, $0x0;
	s5 =	sld [smem:$0x3FB2]  }
0x2b: {  	s6 =	sld [smem:$0x3FB3]  }
0x2c: {  	s7 =	sld [smem:$0x3FB4]  }
0x2d: {  	s3 =	simm.s32 $0x108;
	s8 =	sld [smem:$0x3FB5]  }
0x2e: {  	s3 =	simm.s32 @!p0 $0x1082;
	s9 =	sld [smem:$0x3FB6]  }
0x2f: {  	lr =	sadd.s32 s0, s3;
	s0 =	sld [smem:$0x3FAD]  }
0x30: {  	s3 =	sld [smem:$0x3FB0]  }
0x31: {  	[smem:$0x3FB9] =	sst s10  }
0x32: {  	s10 =	sld [smem:$0x3FB7];
	_ =	sdelay $0x3  }
0x33: {  	p0 =	seq.s32 s10, $0x1;
	s10 =	sld [smem:$0x3FB9];
	_ =	sdelay $0x3  }
0x34: {  	[smem:$0x3FB9] =	sst s10  }
0x35: {  	s10 =	sld [smem:$0x3FB8];
	_ =	sdelay $0x3  }
0x36: {  	p1 =	seq.s32 s10, $0x1;
	s10 =	sld [smem:$0x3FB9];
	_ =	sdelay $0x3  }
0x37: {  	[smem:$0x3FB9] =	sst s10  }
0x38: {  	s10 =	sld [smem:$0x3FBA]  }
0x39: {  	_ = 	snop;
	(pc) =	sbr.ind lr, $3  }
0x3a: {  	_ = 	snop  }
0x3b: {  	_ = 	snop  }
0x3c: {  	p2 =	seq.s32 s10, $0x1;
	s10 =	sld [smem:$0x3FB9]  }
0x3d: {  	_ =	shalt  }
0x3e: {  	_ =	shalt  }
0x3f: {  	_ =	shalt  }
0x40: {  	_ =	shalt  }
0x41: {  	_ =	shalt  }
0x42: {  	_ =	shalt  }
0x43: {  	_ =	shalt  }
0x44: {  	_ =	shalt  }
0x45: {  	_ =	shalt  }
0x46: {  	_ =	shalt  }
0x47: {  	_ =	shalt  }
0x48: {  	_ =	shalt  }
0x49: {  	_ =	shalt  }
0x4a: {  	_ =	shalt  }
0x4b: {  	_ =	shalt  }
0x4c: {  	_ =	shalt  }
0x4d: {  	_ =	shalt  }
0x4e: {  	_ =	shalt  }
0x4f: {  	_ =	shalt  }
0x50: {  	_ =	shalt  }
0x51: {  	_ =	shalt  }
0x52: {  	_ =	shalt  }
0x53: {  	_ =	shalt  }
0x54: {  	_ =	shalt  }
0x55: {  	_ =	shalt  }
0x56: {  	_ =	shalt  }
0x57: {  	_ =	shalt  }
0x58: {  	_ =	shalt  }
0x59: {  	_ =	shalt  }
0x5a: {  	_ =	shalt  }
0x5b: {  	_ =	shalt  }
0x5c: {  	_ =	shalt  }
0x5d: {  	_ =	shalt  }
0x5e: {  	_ =	shalt  }
0x5f: {  	_ =	shalt  }
0x60: {  	_ =	shalt  }
0x61: {  	_ =	shalt  }
0x62: {  	_ =	shalt  }
0x63: {  	_ =	shalt  }
0x64: {  	_ =	shalt  }
0x65: {  	_ =	shalt  }
0x66: {  	_ =	shalt  }
0x67: {  	_ =	shalt  }
0x68: {  	_ =	shalt  }
0x69: {  	_ =	shalt  }
0x6a: {  	_ =	shalt  }
0x6b: {  	_ =	shalt  }
0x6c: {  	_ =	shalt  }
0x6d: {  	_ =	shalt  }
0x6e: {  	_ =	shalt  }
0x6f: {  	_ =	shalt  }
0x70: {  	_ =	shalt  }
0x71: {  	_ =	shalt  }
0x72: {  	_ =	shalt  }
0x73: {  	_ =	shalt  }
0x74: {  	_ =	shalt  }
0x75: {  	_ =	shalt  }
0x76: {  	_ =	shalt  }
0x77: {  	_ =	shalt  }
0x78: {  	_ =	shalt  }
0x79: {  	_ =	shalt  }
0x7a: {  	_ =	shalt  }
0x7b: {  	_ =	shalt  }
0x7c: {  	_ =	shalt  }
0x7d: {  	_ =	shalt  }
0x7e: {  	_ =	shalt  }
0x7f: {  	_ =	shalt  }
0x80: {  	_ =	shalt  }
0x81: {  	_ =	shalt  }
0x82: {  	_ =	shalt  }
0x83: {  	_ =	shalt  }
0x84: {  	_ =	shalt  }
0x85: {  	_ =	shalt  }
0x86: {  	_ =	shalt  }
0x87: {  	_ =	shalt  }
.Lfunc_end0:
.L_simem_size_0:
called_computation.3_lowered:
.L_overlay_start_0:
0x88: {  	s2 =	sld [smem:$0x3FD9]  }
0x89: {  	s3 =	sld [smem:$0x3FFE];
	_ =	sdelay $0x1  }
0x8a: {  	s1 =	srdreg.scid  }
0x8b: {  	s0 =	sand.u32 $0x1, s1  }
0x8c: {  	s17 =	sshll.u32 s0, $0xA;
	s2 =	sadd.s32 s3, s2  }
0x8d: {  	s2 =	sadd.s32 s2, s17  }
0x8e: {  	[smem:$0x3FC5] =	sst s2  }
0x8f: {  	_ = 	snop  }
0x90: {  	s18 =	sld [smem:$0x3FD0];
	(tm) =	ssettm $0x1  }
0x91: {  	s19 =	sld [smem:$0x3FFB];
	_ =	sdelay $0x3  }
0x92: {  	_ =	strace s19  }
0x93: {  	s2 =	sld [smem:$0x3FFC];
	_ =	sdelay $0x3  }
0x94: {  	_ =	strace s2  }
0x95: {  	s2 =	sld [smem:$0x3FFD];
	_ =	sdelay $0x3  }
0x96: {  	_ =	strace s2  }
0x97: {  	_ =	strace $0x8FFFFFFF  }
0x98: {  	s20 =	sld [smem:$0x3FDB];
	_ =	sdelay $0x1  }
0x99: {  	s4 =	simm.s32 $_scs_section_size  }
0x9a: {  	s5 =	simm.s32 $_size__tile_overlayer_lowered;
	s6 =	simm.s32 $_tile_overlayer_lowered  }
0x9b: {  	s7 =	simm.s32 $0x1BFF;
	s21 =	sshll.u32 s6, $0x1;
	s4 =	sadd.s32 s4, s20  }
0x9c: {  	s22 =	simm.s32 $0x0;
	s5 =	sshll.u32 s5, $0x1;
	s6 =	sadd.s32 s21, s4  }
0x9d: {  	[timem:s22], [sflag:s7] =	dma.local [hbm:s6], s5  }
0x9e: {  	_ =	swait.ge [sflag:s7], s5  }
0x9f: {  	s5 =	ssub.s32 $0x0, s5;
	[sflag:s7] =	ssyncset.done $0x0  }
0xa0: {  	[sflag:s7] =	ssyncadd.s32 s5;
	_ =	sdelay $0x1  }
0xa1: {  	s23 =	simm.s32 $0x1B8B  }
0xa2: {  	_ =	swait.ge [sflag:s23], $0x1  }
0xa3: {  	[sflag:s23] =	ssyncset.done $0x0  }
0xa4: {  	[sflag:s23] =	ssyncadd.s32 $0xFFFFFFFF  }
0xa5: {  	s5 =	sld [smem:$0x0]  }
0xa6: {  	s6 =	sand.u32 $0xFFFFFFFE, s1  }
0xa7: {  	p0 =	sne.s32 s1, s6  }
0xa8: {  	s6 =	sshll.u32 @p0 s6, $0xE  }
0xa9: {  	s6 =	sadd.s32 @p0 $0x11B8D, s6;
	s7 =	sshll.u32 @p0 s5, $0x11  }
0xaa: {  	s6 =	sor.u32 @p0 s7, s6  }
0xab: {  	[sflag:s6] =	ssyncadd.remote.s32 @p0 $0x1;
	_ =	sdelay $0x1  }
0xac: {  	s6 =	simm.s32 @p0 $0x1B8D  }
0xad: {  	_ =	swait.eq @p0 [sflag:s6], $0x1  }
0xae: {  	[sflag:s6] =	ssyncadd.s32 @p0 $0xFFFFFFFF  }
0xaf: {  	s7 =	sshll.u32 @!p0 s1, $0xE  }
0xb0: {  	s7 =	sor.u32 @!p0 $0x4000, s7;
	s6 =	simm.s32 @!p0 $0x1B8D  }
0xb1: {  	s5 =	sshll.u32 @!p0 s5, $0x11;
	s7 =	sadd.s32 @!p0 $0x11B8D, s7;
	_ =	swait.eq @!p0 [sflag:s6], $0x1  }
0xb2: {  	s5 =	sor.u32 @!p0 s5, s7;
	[sflag:s6] =	ssyncadd.s32 @!p0 $0xFFFFFFFF  }
0xb3: {  	s25 =	simm.s32 $0x1B8E;
	s24 =	sld [smem:$0x3FFE];
	[sflag:s5] =	ssyncadd.remote.s32 @!p0 $0x1  }
0xb4: {  	s26 =	simm.s32 $execute0_lowered;
	[smem:$0x3FD2] =	sst s25  }
0xb5: {  	s6 =	sshll.u32 s26, $0x1;
	_ =	strace $0x80000049;
	[dreg:$0x1] =	wrdreg $0xFFFFFFFF  }
0xb6: {  	s28 =	simm.s32 $_size_execute0_lowered;
	s4 =	sadd.s32 s4, s6;
	[dreg:$0x0] =	wrdreg $0x0  }
0xb7: {  	s6 =	sshll.u32 s28, $0x1;
	[dreg:$0x2] =	wrdreg s4  }
0xb8: {  	[dreg:$0x3] =	wrdreg s6  }
0xb9: {  	[dreg:$0x4] =	wrdreg $0xC0  }
0xba: {  	_ =	task [dreg:s22], $0x5FFFF  }
0xbb: {  	[dreg:$0x1] =	wrdreg $0xFFFFFFFF  }
0xbc: {  	[dreg:$0x0] =	wrdreg $0x60  }
0xbd: {  	[dreg:$0x2] =	wrdreg s24  }
0xbe: {  	[dreg:$0x3] =	wrdreg s18  }
0xbf: {  	[dreg:$0x4] =	wrdreg $0xA  }
0xc0: {  	_ =	task.clear_ibuf [dreg:s22], $0x5FFFF;
	_ =	strace $0x90000049  }
0xc1: {  	s29 =	simm.s32 $0xA;
	_ =	strace $0x8000004B  }
0xc2: {  	_ =	swait.ge [sflag:s29], $0x1  }
0xc3: {  	[sflag:s29] =	ssyncadd.s32 $0xFFFFFFFF  }
0xc4: {  	_ =	strace $0x9000004B  }
0xc5: {  	_ =	sfence  }
0xc6: {  	s30 =	sld [smem:$0x0];
	_ =	sdelay $0x2  }
0xc7: {  	s31 =	sshll.u32 s1, $0xD;
	s1 =	sshrl.u32 s1, $0x2  }
0xc8: {  	s4 =	sand.u32 $0x4000, s31;
	s1 =	sadd.s32 s1, s30  }
0xc9: {  	s0 =	sor.u32 s4, s0;
	s1 =	sshll.u32 s1, $0x11  }
0xca: {  	s0 =	sor.u32 s1, s0  }
0xcb: {  	s0 =	sadd.s32 $0x8F2B, s0  }
0xcc: {  	[sflag:s0] =	ssyncadd.remote.s32 $0x1  }
0xcd: {  	_ =	sfence.sel $0xFFFF  }
0xce: {  	[dreg:$0x0] =	wrdreg $0xFFFFFFFF;
	(pc) =	sbr.abs _section_cstart, $3  }
0xcf: {  	[dreg:$0x1] =	wrdreg $0xFFFFFFFF  }
0xd0: {  	_ =	task.clear_ibuf [dreg:s22], $0x2FFFF;
	_ =	strace $0x9FFFFFFF  }
0xd1: {  	(tm) =	ssettm $0x7FFFFFFF  }
tec
execute0_lowered:
.L_overlay_start_1:
0x0: {  	(tag) =	ssettag $0x1  }
0x1: {  	s1 =	srdreg.scid;
	s0 =	stileid.u32  }
0x2: {  	s2 =	sand.u32 $0x1, s1;
	s26 =	sshll.u32 s0, $0x1  }
0x3: {  	s12 =	sor.u32 s2, s26  }
0x4: {  	s4 =	rddreg [dreg:$0x0];
	s29 =	smul.u32 $0x2800, s12  }
0x5: {  	s31 =	rddreg [dreg:$0x1];
	s28 =	sadd.s32 $0x14B400, s4  }
0x6: {  	[dreg:$0x5] =	wrdreg s2;
	s2 =	simm.s32 $0x0;
	s3 =	sshrl.u32 s29, $0x3  }
0x7: {  	[smem:$0x7FF] =	sst s2;
	s15 =	sor.u32 $0x400, s29;
	s3 =	sadd.s32 s28, s3  }
0x8: {  	_ =	strace $0x8000004A;
	s0 =	sshrl.u32 s15, $0x3;
	[dreg:$0x3] =	wrdreg s3  }
0x9: {  	s3 =	sadd.s32 s28, s0;
	s5 =	rddreg [dreg:$0x3]  }
0xa: {  	[dreg:$0x4] =	wrdreg s3;
	s3 =	simm.s32 $0x4  }
0xb: {  	[tilespmem:s2], [sflag:$0x4] =	stream.linear.gather [hbm4b:s5+s2], $0x400, $0x38;
	[tilespmem:$0x18C00] =	vst v63  }
0xc: {  	_ =	swait.ge [sflag:s3], $0x400  }
0xd: {  	s6 =	simm.s32 $0xC00;
	[sflag:s3] =	ssyncset.done $0x0  }
0xe: {  	s4 =	sadd.s32 $0x155400, s4;
	s5 =	simm.s32 $0x400;
	[sflag:s3] =	ssyncadd.s32 $0xFFFFFC00  }
0xf: {  	[tilespmem:s6], [sflag:$0x1] =	stream.indirect.gather [hbm4b:s4+s5], $0x20, s2, s5, $0xb8;
	[tilespmem:$0x18C00] =	vst v63  }
0x10: {  	s7 =	rddreg [dreg:$0x4]  }
0x11: {  	[tilespmem:s5], [sflag:$0x4] =	stream.linear.gather [hbm4b:s7+s2], $0x400, $0x38;
	[tilespmem:$0x18C00] =	vst v63  }
0x12: {  	_ =	swait.ge [sflag:s3], $0x400  }
0x13: {  	s18 =	sadd.s32 $0x800, s29;
	[sflag:s3] =	ssyncset.done $0x0  }
0x14: {  	s8 =	sshrl.u32 s18, $0x3;
	s7 =	simm.s32 $0x8C00;
	[sflag:s3] =	ssyncadd.s32 $0xFFFFFC00  }
0x15: {  	[tilespmem:s7], [sflag:$0x2] =	stream.indirect.gather [hbm4b:s4+s5], $0x20, s5, s5, $0xb8;
	[tilespmem:$0x18C00] =	vst v63  }
0x16: {  	s9 =	simm.s32 $0x800;
	s8 =	sadd.s32 s28, s8  }
0x17: {  	[tilespmem:s9], [sflag:$0x4] =	stream.linear.gather [hbm4b:s8+s2], $0x400, $0x38;
	[tilespmem:$0x18C00] =	vst v63  }
0x18: {  	_ =	swait.ge [sflag:s3], $0x400  }
0x19: {  	[sflag:s3] =	ssyncset.done $0x0  }
0x1a: {  	s10 =	simm.s32 $0x10C00;
	s11 =	simm.s32 $0x1;
	[sflag:s3] =	ssyncadd.s32 $0xFFFFFC00  }
0x1b: {  	[tilespmem:s10], [sflag:$0x3] =	stream.indirect.gather [hbm4b:s4+s5], $0x20, s9, s5, $0xb8;
	[tilespmem:$0x18C00] =	vst v63  }
0x1c: {  	s12 =	smul.u32 $0xA000, s12;
	_ =	swait.ge [sflag:s11], $0x8000  }
0x1d: {  	[sflag:s11] =	ssyncset.done $0x0  }
0x1e: {  	s12 =	sadd.s32 s31, s12;
	[sflag:s11] =	ssyncadd.s32 $0xFFFF8000  }
0x1f: {  	[hbm4b:s12+s2] =	stream.linear.scatter [tilespmem:s6], [sflag:$0x4], $0x8000, $0x38;
	[tilespmem:$0x18C00] =	vst v63  }
0x20: {  	s20 =	sadd.s32 $0xC00, s29;
	_ =	swait.ge [sflag:s3], $0x8000  }
0x21: {  	s13 =	sshrl.u32 s20, $0x3;
	[sflag:s3] =	ssyncset.done $0x0  }
0x22: {  	s13 =	sadd.s32 s28, s13;
	[sflag:s3] =	ssyncadd.s32 $0xFFFF8000  }
0x23: {  	[tilespmem:s2], [sflag:$0x4] =	stream.linear.gather [hbm4b:s13+s2], $0x400, $0x38;
	[tilespmem:$0x18C00] =	vst v63  }
0x24: {  	_ =	swait.ge [sflag:s3], $0x400  }
0x25: {  	[sflag:s3] =	ssyncset.done $0x0  }
0x26: {  	s14 =	simm.s32 $0x2;
	[sflag:s3] =	ssyncadd.s32 $0xFFFFFC00  }
0x27: {  	[tilespmem:s6], [sflag:$0x1] =	stream.indirect.gather [hbm4b:s4+s5], $0x20, s2, s5, $0xb8;
	[tilespmem:$0x18C00] =	vst v63  }
0x28: {  	_ =	swait.ge [sflag:s14], $0x8000  }
0x29: {  	s15 =	sshll.u32 s15, $0x2;
	[sflag:s14] =	ssyncset.done $0x0  }
0x2a: {  	s15 =	sadd.s32 s31, s15;
	[sflag:s14] =	ssyncadd.s32 $0xFFFF8000  }
0x2b: {  	[hbm4b:s15+s2] =	stream.linear.scatter [tilespmem:s7], [sflag:$0x4], $0x8000, $0x38;
	[tilespmem:$0x18C00] =	vst v63  }
0x2c: {  	s22 =	sadd.s32 $0x1000, s29;
	_ =	swait.ge [sflag:s3], $0x8000  }
0x2d: {  	s16 =	sshrl.u32 s22, $0x3;
	[sflag:s3] =	ssyncset.done $0x0  }
0x2e: {  	s16 =	sadd.s32 s28, s16;
	[sflag:s3] =	ssyncadd.s32 $0xFFFF8000  }
0x2f: {  	[tilespmem:s5], [sflag:$0x4] =	stream.linear.gather [hbm4b:s16+s2], $0x400, $0x38;
	[tilespmem:$0x18C00] =	vst v63  }
0x30: {  	_ =	swait.ge [sflag:s3], $0x400  }
0x31: {  	[sflag:s3] =	ssyncset.done $0x0  }
0x32: {  	s17 =	simm.s32 $0x3;
	[sflag:s3] =	ssyncadd.s32 $0xFFFFFC00  }
0x33: {  	[tilespmem:s7], [sflag:$0x2] =	stream.indirect.gather [hbm4b:s4+s5], $0x20, s5, s5, $0xb8;
	[tilespmem:$0x18C00] =	vst v63  }
0x34: {  	_ =	swait.ge [sflag:s17], $0x8000  }
0x35: {  	s18 =	sshll.u32 s18, $0x2;
	[sflag:s17] =	ssyncset.done $0x0  }
0x36: {  	s18 =	sadd.s32 s31, s18;
	[sflag:s17] =	ssyncadd.s32 $0xFFFF8000  }
0x37: {  	[hbm4b:s18+s2] =	stream.linear.scatter [tilespmem:s10], [sflag:$0x4], $0x8000, $0x38;
	[tilespmem:$0x18C00] =	vst v63  }
0x38: {  	s24 =	sadd.s32 $0x1400, s29;
	_ =	swait.ge [sflag:s3], $0x8000  }
0x39: {  	s19 =	sshrl.u32 s24, $0x3;
	[sflag:s3] =	ssyncset.done $0x0  }
0x3a: {  	s19 =	sadd.s32 s28, s19;
	[sflag:s3] =	ssyncadd.s32 $0xFFFF8000  }
0x3b: {  	[tilespmem:s9], [sflag:$0x4] =	stream.linear.gather [hbm4b:s19+s2], $0x400, $0x38;
	[tilespmem:$0x18C00] =	vst v63  }
0x3c: {  	_ =	swait.ge [sflag:s3], $0x400  }
0x3d: {  	[sflag:s3] =	ssyncset.done $0x0  }
0x3e: {  	[sflag:s3] =	ssyncadd.s32 $0xFFFFFC00  }
0x3f: {  	[tilespmem:s10], [sflag:$0x3] =	stream.indirect.gather [hbm4b:s4+s5], $0x20, s9, s5, $0xb8;
	[tilespmem:$0x18C00] =	vst v63  }
0x40: {  	_ =	swait.ge [sflag:s11], $0x8000  }
0x41: {  	s20 =	sshll.u32 s20, $0x2;
	[sflag:s11] =	ssyncset.done $0x0  }
0x42: {  	s20 =	sadd.s32 s31, s20;
	[sflag:s11] =	ssyncadd.s32 $0xFFFF8000  }
0x43: {  	[hbm4b:s20+s2] =	stream.linear.scatter [tilespmem:s6], [sflag:$0x4], $0x8000, $0x38;
	[tilespmem:$0x18C00] =	vst v63  }
0x44: {  	s26 =	sadd.s32 $0x1800, s29;
	_ =	swait.ge [sflag:s3], $0x8000  }
0x45: {  	s21 =	sshrl.u32 s26, $0x3;
	[sflag:s3] =	ssyncset.done $0x0  }
0x46: {  	s21 =	sadd.s32 s28, s21;
	[sflag:s3] =	ssyncadd.s32 $0xFFFF8000  }
0x47: {  	[tilespmem:s2], [sflag:$0x4] =	stream.linear.gather [hbm4b:s21+s2], $0x400, $0x38;
	[tilespmem:$0x18C00] =	vst v63  }
0x48: {  	_ =	swait.ge [sflag:s3], $0x400  }
0x49: {  	[sflag:s3] =	ssyncset.done $0x0  }
0x4a: {  	[sflag:s3] =	ssyncadd.s32 $0xFFFFFC00  }
0x4b: {  	[tilespmem:s6], [sflag:$0x1] =	stream.indirect.gather [hbm4b:s4+s5], $0x20, s2, s5, $0xb8;
	[tilespmem:$0x18C00] =	vst v63  }
0x4c: {  	_ =	swait.ge [sflag:s14], $0x8000  }
0x4d: {  	s22 =	sshll.u32 s22, $0x2;
	[sflag:s14] =	ssyncset.done $0x0  }
0x4e: {  	s22 =	sadd.s32 s31, s22;
	[sflag:s14] =	ssyncadd.s32 $0xFFFF8000  }
0x4f: {  	[hbm4b:s22+s2] =	stream.linear.scatter [tilespmem:s7], [sflag:$0x4], $0x8000, $0x38;
	[tilespmem:$0x18C00] =	vst v63  }
0x50: {  	s30 =	sadd.s32 $0x1C00, s29;
	_ =	swait.ge [sflag:s3], $0x8000  }
0x51: {  	s23 =	sshrl.u32 s30, $0x3;
	[sflag:s3] =	ssyncset.done $0x0  }
0x52: {  	s23 =	sadd.s32 s28, s23;
	[sflag:s3] =	ssyncadd.s32 $0xFFFF8000  }
0x53: {  	[tilespmem:s5], [sflag:$0x4] =	stream.linear.gather [hbm4b:s23+s2], $0x400, $0x38;
	[tilespmem:$0x18C00] =	vst v63  }
0x54: {  	_ =	swait.ge [sflag:s3], $0x400  }
0x55: {  	[sflag:s3] =	ssyncset.done $0x0  }
0x56: {  	[sflag:s3] =	ssyncadd.s32 $0xFFFFFC00  }
0x57: {  	[tilespmem:s7], [sflag:$0x2] =	stream.indirect.gather [hbm4b:s4+s5], $0x20, s5, s5, $0xb8;
	[tilespmem:$0x18C00] =	vst v63  }
0x58: {  	_ =	swait.ge [sflag:s17], $0x8000  }
0x59: {  	s24 =	sshll.u32 s24, $0x2;
	[sflag:s17] =	ssyncset.done $0x0  }
0x5a: {  	s24 =	sadd.s32 s31, s24;
	[sflag:s17] =	ssyncadd.s32 $0xFFFF8000  }
0x5b: {  	[hbm4b:s24+s2] =	stream.linear.scatter [tilespmem:s10], [sflag:$0x4], $0x8000, $0x38;
	[tilespmem:$0x18C00] =	vst v63  }
0x5c: {  	s1 =	sadd.s32 $0x2000, s29;
	_ =	swait.ge [sflag:s3], $0x8000  }
0x5d: {  	s25 =	sshrl.u32 s1, $0x3;
	[sflag:s3] =	ssyncset.done $0x0  }
0x5e: {  	s25 =	sadd.s32 s28, s25;
	[sflag:s3] =	ssyncadd.s32 $0xFFFF8000  }
0x5f: {  	[tilespmem:s9], [sflag:$0x4] =	stream.linear.gather [hbm4b:s25+s2], $0x400, $0x38;
	[tilespmem:$0x18C00] =	vst v63  }
0x60: {  	_ =	swait.ge [sflag:s3], $0x400  }
0x61: {  	[sflag:s3] =	ssyncset.done $0x0  }
0x62: {  	[sflag:s3] =	ssyncadd.s32 $0xFFFFFC00  }
0x63: {  	[tilespmem:s10], [sflag:$0x3] =	stream.indirect.gather [hbm4b:s4+s5], $0x20, s9, s5, $0xb8;
	[tilespmem:$0x18C00] =	vst v63  }
0x64: {  	_ =	swait.ge [sflag:s11], $0x8000  }
0x65: {  	s26 =	sshll.u32 s26, $0x2;
	[sflag:s11] =	ssyncset.done $0x0  }
0x66: {  	s26 =	sadd.s32 s31, s26;
	[sflag:s11] =	ssyncadd.s32 $0xFFFF8000  }
0x67: {  	[hbm4b:s26+s2] =	stream.linear.scatter [tilespmem:s6], [sflag:$0x4], $0x8000, $0x38;
	[tilespmem:$0x18C00] =	vst v63  }
0x68: {  	s0 =	sadd.s32 $0x2400, s29;
	_ =	swait.ge [sflag:s3], $0x8000  }
0x69: {  	s29 =	sshrl.u32 s0, $0x3;
	[sflag:s3] =	ssyncset.done $0x0  }
0x6a: {  	s28 =	sadd.s32 s28, s29;
	[sflag:s3] =	ssyncadd.s32 $0xFFFF8000  }
0x6b: {  	[tilespmem:s2], [sflag:$0x4] =	stream.linear.gather [hbm4b:s28+s2], $0x400, $0x38;
	[tilespmem:$0x18C00] =	vst v63  }
0x6c: {  	_ =	swait.ge [sflag:s3], $0x400  }
0x6d: {  	[sflag:s3] =	ssyncset.done $0x0  }
0x6e: {  	[sflag:s3] =	ssyncadd.s32 $0xFFFFFC00  }
0x6f: {  	[tilespmem:s6], [sflag:$0x1] =	stream.indirect.gather [hbm4b:s4+s5], $0x20, s2, s5, $0xb8;
	[tilespmem:$0x18C00] =	vst v63  }
0x70: {  	_ =	swait.ge [sflag:s14], $0x8000  }
0x71: {  	s29 =	sshll.u32 s30, $0x2;
	[sflag:s14] =	ssyncset.done $0x0  }
0x72: {  	s29 =	sadd.s32 s31, s29;
	[sflag:s14] =	ssyncadd.s32 $0xFFFF8000  }
0x73: {  	[hbm4b:s29+s2] =	stream.linear.scatter [tilespmem:s7], [sflag:$0x4], $0x8000, $0x38;
	[tilespmem:$0x18C00] =	vst v63  }
0x74: {  	_ =	swait.ge [sflag:s3], $0x8000  }
0x75: {  	[sflag:s3] =	ssyncset.done $0x0  }
0x76: {  	[sflag:s3] =	ssyncadd.s32 $0xFFFF8000  }
0x77: {  	_ =	swait.ge [sflag:s17], $0x8000  }
0x78: {  	s1 =	sshll.u32 s1, $0x2;
	[sflag:s17] =	ssyncset.done $0x0  }
0x79: {  	s30 =	sadd.s32 s31, s1;
	[sflag:s17] =	ssyncadd.s32 $0xFFFF8000  }
0x7a: {  	[hbm4b:s30+s2] =	stream.linear.scatter [tilespmem:s10], [sflag:$0x4], $0x8000, $0x38;
	[tilespmem:$0x18C00] =	vst v63  }
0x7b: {  	_ =	swait.ge [sflag:s3], $0x8000  }
0x7c: {  	s1 =	rddreg [dreg:$0x5]  }
0x7d: {  	s1 =	ssub.s32 $0x2, s1  }
0x7e: {  	s31 =	sshrl.u32 s1, $0x1  }
0x7f: {  	[sflag:s3] =	ssyncset.done $0x0;
	s1 =	ssub.s32 s1, s31  }
0x80: {  	[sflag:s3] =	ssyncadd.s32 $0xFFFF8000;
	s1 =	smax.u32 s1, $0x1  }
0x81: {  	_ =	swait.ge [sflag:s11], $0x8000;
	p0 =	sne.s32 s1, $0x1  }
.Ltmp0:
0x82: {  	[sflag:s11] =	ssyncset.done $0x0;
	(pc) =	sbr.rel @!p0 .LBB2_2-.Ltmp0, $4  }
0x83: {  	s0 =	sshll.u32 s0, $0x2;
	s31 =	rddreg [dreg:$0x1]  }
0x84: {  	[sflag:s11] =	ssyncadd.s32 $0xFFFF8000;
	s31 =	sadd.s32 s31, s0  }
0x85: {  	[hbm4b:s31+s2] =	stream.linear.scatter [tilespmem:s6], [sflag:$0x4], $0x8000, $0x38;
	[tilespmem:$0x18C00] =	vst v63  }
0x86: {  	s1 =	sadd.s32 $0xFFFFFFFF, s1;
	_ =	swait.ge [sflag:s3], $0x8000  }
.LBB2_1:
0x87: {  	[sflag:s3] =	ssyncset.done $0x0  }
0x88: {  	s0 =	rddreg [dreg:$0x3];
	[sflag:s3] =	ssyncadd.s32 $0xFFFF8000  }
0x89: {  	[tilespmem:s2], [sflag:$0x4] =	stream.linear.gather [hbm4b:s0+s2], $0x400, $0x38;
	[tilespmem:$0x18C00] =	vst v63  }
0x8a: {  	_ =	swait.ge [sflag:s3], $0x400  }
0x8b: {  	[sflag:s3] =	ssyncset.done $0x0  }
0x8c: {  	[sflag:s3] =	ssyncadd.s32 $0xFFFFFC00  }
0x8d: {  	[tilespmem:s6], [sflag:$0x1] =	stream.indirect.gather [hbm4b:s4+s5], $0x20, s2, s5, $0xb8;
	[tilespmem:$0x18C00] =	vst v63  }
0x8e: {  	s0 =	rddreg [dreg:$0x4]  }
0x8f: {  	[tilespmem:s5], [sflag:$0x4] =	stream.linear.gather [hbm4b:s0+s2], $0x400, $0x38;
	[tilespmem:$0x18C00] =	vst v63  }
0x90: {  	_ =	swait.ge [sflag:s3], $0x400  }
0x91: {  	[sflag:s3] =	ssyncset.done $0x0  }
0x92: {  	[sflag:s3] =	ssyncadd.s32 $0xFFFFFC00  }
0x93: {  	[tilespmem:s7], [sflag:$0x2] =	stream.indirect.gather [hbm4b:s4+s5], $0x20, s5, s5, $0xb8;
	[tilespmem:$0x18C00] =	vst v63  }
0x94: {  	_ = 	snop  }
0x95: {  	[tilespmem:s9], [sflag:$0x4] =	stream.linear.gather [hbm4b:s8+s2], $0x400, $0x38;
	[tilespmem:$0x18C00] =	vst v63  }
0x96: {  	_ =	swait.ge [sflag:s3], $0x400  }
0x97: {  	[sflag:s3] =	ssyncset.done $0x0  }
0x98: {  	[sflag:s3] =	ssyncadd.s32 $0xFFFFFC00  }
0x99: {  	[tilespmem:s10], [sflag:$0x3] =	stream.indirect.gather [hbm4b:s4+s5], $0x20, s9, s5, $0xb8;
	[tilespmem:$0x18C00] =	vst v63  }
0x9a: {  	_ =	swait.ge [sflag:s11], $0x8000  }
0x9b: {  	[sflag:s11] =	ssyncset.done $0x0  }
0x9c: {  	[sflag:s11] =	ssyncadd.s32 $0xFFFF8000  }
0x9d: {  	[hbm4b:s12+s2] =	stream.linear.scatter [tilespmem:s6], [sflag:$0x4], $0x8000, $0x38;
	[tilespmem:$0x18C00] =	vst v63  }
0x9e: {  	_ =	swait.ge [sflag:s3], $0x8000  }
0x9f: {  	[sflag:s3] =	ssyncset.done $0x0  }
0xa0: {  	[sflag:s3] =	ssyncadd.s32 $0xFFFF8000  }
0xa1: {  	[tilespmem:s2], [sflag:$0x4] =	stream.linear.gather [hbm4b:s13+s2], $0x400, $0x38;
	[tilespmem:$0x18C00] =	vst v63  }
0xa2: {  	_ =	swait.ge [sflag:s3], $0x400  }
0xa3: {  	[sflag:s3] =	ssyncset.done $0x0  }
0xa4: {  	[sflag:s3] =	ssyncadd.s32 $0xFFFFFC00  }
0xa5: {  	[tilespmem:s6], [sflag:$0x1] =	stream.indirect.gather [hbm4b:s4+s5], $0x20, s2, s5, $0xb8;
	[tilespmem:$0x18C00] =	vst v63  }
0xa6: {  	_ =	swait.ge [sflag:s14], $0x8000  }
0xa7: {  	[sflag:s14] =	ssyncset.done $0x0  }
0xa8: {  	[sflag:s14] =	ssyncadd.s32 $0xFFFF8000  }
0xa9: {  	[hbm4b:s15+s2] =	stream.linear.scatter [tilespmem:s7], [sflag:$0x4], $0x8000, $0x38;
	[tilespmem:$0x18C00] =	vst v63  }
0xaa: {  	_ =	swait.ge [sflag:s3], $0x8000  }
0xab: {  	[sflag:s3] =	ssyncset.done $0x0  }
0xac: {  	[sflag:s3] =	ssyncadd.s32 $0xFFFF8000  }
0xad: {  	[tilespmem:s5], [sflag:$0x4] =	stream.linear.gather [hbm4b:s16+s2], $0x400, $0x38;
	[tilespmem:$0x18C00] =	vst v63  }
0xae: {  	_ =	swait.ge [sflag:s3], $0x400  }
0xaf: {  	[sflag:s3] =	ssyncset.done $0x0  }
0xb0: {  	[sflag:s3] =	ssyncadd.s32 $0xFFFFFC00  }
0xb1: {  	[tilespmem:s7], [sflag:$0x2] =	stream.indirect.gather [hbm4b:s4+s5], $0x20, s5, s5, $0xb8;
	[tilespmem:$0x18C00] =	vst v63  }
0xb2: {  	_ =	swait.ge [sflag:s17], $0x8000  }
0xb3: {  	[sflag:s17] =	ssyncset.done $0x0  }
0xb4: {  	[sflag:s17] =	ssyncadd.s32 $0xFFFF8000  }
0xb5: {  	[hbm4b:s18+s2] =	stream.linear.scatter [tilespmem:s10], [sflag:$0x4], $0x8000, $0x38;
	[tilespmem:$0x18C00] =	vst v63  }
0xb6: {  	_ =	swait.ge [sflag:s3], $0x8000  }
0xb7: {  	[sflag:s3] =	ssyncset.done $0x0  }
0xb8: {  	[sflag:s3] =	ssyncadd.s32 $0xFFFF8000  }
0xb9: {  	[tilespmem:s9], [sflag:$0x4] =	stream.linear.gather [hbm4b:s19+s2], $0x400, $0x38;
	[tilespmem:$0x18C00] =	vst v63  }
0xba: {  	_ =	swait.ge [sflag:s3], $0x400  }
0xbb: {  	[sflag:s3] =	ssyncset.done $0x0  }
0xbc: {  	[sflag:s3] =	ssyncadd.s32 $0xFFFFFC00  }
0xbd: {  	[tilespmem:s10], [sflag:$0x3] =	stream.indirect.gather [hbm4b:s4+s5], $0x20, s9, s5, $0xb8;
	[tilespmem:$0x18C00] =	vst v63  }
0xbe: {  	_ =	swait.ge [sflag:s11], $0x8000  }
0xbf: {  	[sflag:s11] =	ssyncset.done $0x0  }
0xc0: {  	[sflag:s11] =	ssyncadd.s32 $0xFFFF8000  }
0xc1: {  	[hbm4b:s20+s2] =	stream.linear.scatter [tilespmem:s6], [sflag:$0x4], $0x8000, $0x38;
	[tilespmem:$0x18C00] =	vst v63  }
0xc2: {  	_ =	swait.ge [sflag:s3], $0x8000  }
0xc3: {  	[sflag:s3] =	ssyncset.done $0x0  }
0xc4: {  	[sflag:s3] =	ssyncadd.s32 $0xFFFF8000  }
0xc5: {  	[tilespmem:s2], [sflag:$0x4] =	stream.linear.gather [hbm4b:s21+s2], $0x400, $0x38;
	[tilespmem:$0x18C00] =	vst v63  }
0xc6: {  	_ =	swait.ge [sflag:s3], $0x400  }
0xc7: {  	[sflag:s3] =	ssyncset.done $0x0  }
0xc8: {  	[sflag:s3] =	ssyncadd.s32 $0xFFFFFC00  }
0xc9: {  	[tilespmem:s6], [sflag:$0x1] =	stream.indirect.gather [hbm4b:s4+s5], $0x20, s2, s5, $0xb8;
	[tilespmem:$0x18C00] =	vst v63  }
0xca: {  	_ =	swait.ge [sflag:s14], $0x8000  }
0xcb: {  	[sflag:s14] =	ssyncset.done $0x0  }
0xcc: {  	[sflag:s14] =	ssyncadd.s32 $0xFFFF8000  }
0xcd: {  	[hbm4b:s22+s2] =	stream.linear.scatter [tilespmem:s7], [sflag:$0x4], $0x8000, $0x38;
	[tilespmem:$0x18C00] =	vst v63  }
0xce: {  	_ =	swait.ge [sflag:s3], $0x8000  }
0xcf: {  	[sflag:s3] =	ssyncset.done $0x0  }
0xd0: {  	[sflag:s3] =	ssyncadd.s32 $0xFFFF8000  }
0xd1: {  	[tilespmem:s5], [sflag:$0x4] =	stream.linear.gather [hbm4b:s23+s2], $0x400, $0x38;
	[tilespmem:$0x18C00] =	vst v63  }
0xd2: {  	_ =	swait.ge [sflag:s3], $0x400  }
0xd3: {  	[sflag:s3] =	ssyncset.done $0x0  }
0xd4: {  	[sflag:s3] =	ssyncadd.s32 $0xFFFFFC00  }
0xd5: {  	[tilespmem:s7], [sflag:$0x2] =	stream.indirect.gather [hbm4b:s4+s5], $0x20, s5, s5, $0xb8;
	[tilespmem:$0x18C00] =	vst v63  }
0xd6: {  	_ =	swait.ge [sflag:s17], $0x8000  }
0xd7: {  	[sflag:s17] =	ssyncset.done $0x0  }
0xd8: {  	[sflag:s17] =	ssyncadd.s32 $0xFFFF8000  }
0xd9: {  	[hbm4b:s24+s2] =	stream.linear.scatter [tilespmem:s10], [sflag:$0x4], $0x8000, $0x38;
	[tilespmem:$0x18C00] =	vst v63  }
0xda: {  	_ =	swait.ge [sflag:s3], $0x8000  }
0xdb: {  	[sflag:s3] =	ssyncset.done $0x0  }
0xdc: {  	[sflag:s3] =	ssyncadd.s32 $0xFFFF8000  }
0xdd: {  	[tilespmem:s9], [sflag:$0x4] =	stream.linear.gather [hbm4b:s25+s2], $0x400, $0x38;
	[tilespmem:$0x18C00] =	vst v63  }
0xde: {  	_ =	swait.ge [sflag:s3], $0x400  }
0xdf: {  	[sflag:s3] =	ssyncset.done $0x0  }
0xe0: {  	[sflag:s3] =	ssyncadd.s32 $0xFFFFFC00  }
0xe1: {  	[tilespmem:s10], [sflag:$0x3] =	stream.indirect.gather [hbm4b:s4+s5], $0x20, s9, s5, $0xb8;
	[tilespmem:$0x18C00] =	vst v63  }
0xe2: {  	_ =	swait.ge [sflag:s11], $0x8000  }
0xe3: {  	[sflag:s11] =	ssyncset.done $0x0  }
0xe4: {  	[sflag:s11] =	ssyncadd.s32 $0xFFFF8000  }
0xe5: {  	[hbm4b:s26+s2] =	stream.linear.scatter [tilespmem:s6], [sflag:$0x4], $0x8000, $0x38;
	[tilespmem:$0x18C00] =	vst v63  }
0xe6: {  	_ =	swait.ge [sflag:s3], $0x8000  }
0xe7: {  	[sflag:s3] =	ssyncset.done $0x0  }
0xe8: {  	[sflag:s3] =	ssyncadd.s32 $0xFFFF8000  }
0xe9: {  	[tilespmem:s2], [sflag:$0x4] =	stream.linear.gather [hbm4b:s28+s2], $0x400, $0x38;
	[tilespmem:$0x18C00] =	vst v63  }
0xea: {  	_ =	swait.ge [sflag:s3], $0x400  }
0xeb: {  	[sflag:s3] =	ssyncset.done $0x0  }
0xec: {  	[sflag:s3] =	ssyncadd.s32 $0xFFFFFC00  }
0xed: {  	[tilespmem:s6], [sflag:$0x1] =	stream.indirect.gather [hbm4b:s4+s5], $0x20, s2, s5, $0xb8;
	[tilespmem:$0x18C00] =	vst v63  }
0xee: {  	_ =	swait.ge [sflag:s14], $0x8000  }
0xef: {  	[sflag:s14] =	ssyncset.done $0x0  }
0xf0: {  	[sflag:s14] =	ssyncadd.s32 $0xFFFF8000  }
0xf1: {  	[hbm4b:s29+s2] =	stream.linear.scatter [tilespmem:s7], [sflag:$0x4], $0x8000, $0x38;
	[tilespmem:$0x18C00] =	vst v63  }
0xf2: {  	_ =	swait.ge [sflag:s3], $0x8000  }
0xf3: {  	[sflag:s3] =	ssyncset.done $0x0  }
0xf4: {  	[sflag:s3] =	ssyncadd.s32 $0xFFFF8000  }
0xf5: {  	_ =	swait.ge [sflag:s17], $0x8000  }
0xf6: {  	[sflag:s17] =	ssyncset.done $0x0  }
0xf7: {  	[sflag:s17] =	ssyncadd.s32 $0xFFFF8000  }
0xf8: {  	[hbm4b:s30+s2] =	stream.linear.scatter [tilespmem:s10], [sflag:$0x4], $0x8000, $0x38;
	[tilespmem:$0x18C00] =	vst v63  }
0xf9: {  	_ =	swait.ge [sflag:s3], $0x8000  }
0xfa: {  	[sflag:s3] =	ssyncset.done $0x0  }
0xfb: {  	p0 =	sne.s32 s1, $0x1;
	[sflag:s3] =	ssyncadd.s32 $0xFFFF8000  }
.Ltmp1:
0xfc: {  	_ =	swait.ge [sflag:s11], $0x8000;
	(pc) =	sbr.rel @p0 .LBB2_1-.Ltmp1, $4  }
0xfd: {  	[sflag:s11] =	ssyncset.done $0x0  }
0xfe: {  	[sflag:s11] =	ssyncadd.s32 $0xFFFF8000  }
0xff: {  	[hbm4b:s31+s2] =	stream.linear.scatter [tilespmem:s6], [sflag:$0x4], $0x8000, $0x38;
	[tilespmem:$0x18C00] =	vst v63  }
0x100: {  	s1 =	sadd.s32 $0xFFFFFFFF, s1;
	_ =	swait.ge [sflag:s3], $0x8000  }
.LBB2_2:
0x101: {  	[sflag:s3] =	ssyncset.done $0x0  }
0x102: {  	[sflag:s3] =	ssyncadd.s32 $0xFFFF8000  }
0x103: {  	_ =	sfence.sel $0x180000  }
0x104: {  	[bflag:$0x0] =	sbarrier.arrive $0xFFFF  }
0x105: {  	_ =	strace $0x9000004A  }
0x106: {  	s0 =	stileid.u32;
	[bflag:$0x2] =	sbarrier.arrive $0xFFFF  }
0x107: {  	p0 =	sne.s32 s0, $0x0;
	s0 =	rddreg [dreg:$0x2]  }
0x108: {  	s0 =	sadd.s32 @!p0 $0x100000, s0  }
0x109: {  	[sflag:s0] =	ssyncadd.tile.s32 @!p0 $0x1;
	_ =	shalt  }
.Lfunc_end2:
_tile_overlayer_lowered:
.L_overlay_start_2:
0x10a: {  	(tag) =	ssettag $0x2  }
0x10b: {  	s0 =	rddreg [dreg:$0x0];
	s2 =	stileid.u32  }
0x10c: {  	s1 =	rddreg [dreg:$0x1];
	p0 =	sne.s32 s2, $0x0  }
0x10d: {  	s3 =	rddreg [dreg:$0x2];
	[bflag:$0x3] =	sbarrier.arrive $0xFFFF;
	s2 =	simm.s32 @!p0 $0x1C04  }
0x10e: {  	[timem:s3], [sflag:s2] =	dma.local @!p0 [hbm:s0], s1  }
0x10f: {  	s0 =	simm.s32 @!p0 $0x4  }
0x110: {  	_ =	swait.ge @!p0 [sflag:s0], s1  }
0x111: {  	s1 =	ssub.s32 @!p0 $0x0, s1;
	[sflag:s0] =	ssyncset.done @!p0 $0x0  }
0x112: {  	[sflag:s0] =	ssyncadd.s32 @!p0 s1  }
0x113: {  	[bflag:$0x3] =	sbarrier.arrive $0xFFFF  }
0x114: {  	_ =	shalt  }

// kernel: sparse-core-data-format-call.1.cloned.1.call-start
scs
called_computation.1_lowered:
.L_overlay_start_0:
0x0: {  	s2 =	sld [smem:$0x3FD9]  }
0x1: {  	s3 =	sld [smem:$0x3FFE];
	_ =	sdelay $0x1  }
0x2: {  	s1 =	srdreg.scid  }
0x3: {  	s0 =	sand.u32 $0x1, s1  }
0x4: {  	s18 =	sshll.u32 s0, $0xA;
	s2 =	sadd.s32 s3, s2  }
0x5: {  	s2 =	sadd.s32 s2, s18  }
0x6: {  	[smem:$0x3FC5] =	sst s2  }
0x7: {  	_ = 	snop  }
0x8: {  	(tm) =	ssettm $0x1  }
0x9: {  	s19 =	sld [smem:$0x3FFB];
	_ =	sdelay $0x3  }
0xa: {  	_ =	strace s19  }
0xb: {  	s2 =	sld [smem:$0x3FFC];
	_ =	sdelay $0x3  }
0xc: {  	_ =	strace s2  }
0xd: {  	s2 =	sld [smem:$0x3FFD];
	_ =	sdelay $0x3  }
0xe: {  	_ =	strace s2  }
0xf: {  	_ =	strace $0x8FFFFFFF  }
0x10: {  	s20 =	sld [smem:$0x3FDB];
	_ =	sdelay $0x1  }
0x11: {  	s21 =	simm.s32 $_scs_section_size  }
0x12: {  	s4 =	simm.s32 $_size__tile_overlayer_lowered;
	s5 =	simm.s32 $_tile_overlayer_lowered  }
0x13: {  	s6 =	simm.s32 $0x1BFF;
	s22 =	sshll.u32 s5, $0x1;
	s3 =	sadd.s32 s21, s20  }
0x14: {  	s23 =	simm.s32 $0x0;
	s4 =	sshll.u32 s4, $0x1;
	s5 =	sadd.s32 s22, s3  }
0x15: {  	[timem:s23], [sflag:s6] =	dma.local [hbm:s5], s4  }
0x16: {  	_ =	swait.ge [sflag:s6], s4  }
0x17: {  	s4 =	ssub.s32 $0x0, s4;
	[sflag:s6] =	ssyncset.done $0x0  }
0x18: {  	[sflag:s6] =	ssyncadd.s32 s4;
	_ =	sdelay $0x1  }
0x19: {  	s24 =	simm.s32 $0x1B8B  }
0x1a: {  	_ =	swait.ge [sflag:s24], $0x1  }
0x1b: {  	[sflag:s24] =	ssyncset.done $0x0  }
0x1c: {  	[sflag:s24] =	ssyncadd.s32 $0xFFFFFFFF  }
0x1d: {  	s4 =	sld [smem:$0x0]  }
0x1e: {  	s5 =	sand.u32 $0xFFFFFFFE, s1  }
0x1f: {  	p0 =	sne.s32 s1, s5  }
0x20: {  	s5 =	sshll.u32 @p0 s5, $0xE  }
0x21: {  	s5 =	sadd.s32 @p0 $0x11B8D, s5;
	s6 =	sshll.u32 @p0 s4, $0x11  }
0x22: {  	s5 =	sor.u32 @p0 s6, s5  }
0x23: {  	[sflag:s5] =	ssyncadd.remote.s32 @p0 $0x1;
	_ =	sdelay $0x1  }
0x24: {  	s5 =	simm.s32 @p0 $0x1B8D  }
0x25: {  	_ =	swait.eq @p0 [sflag:s5], $0x1  }
0x26: {  	[sflag:s5] =	ssyncadd.s32 @p0 $0xFFFFFFFF  }
0x27: {  	s6 =	sshll.u32 @!p0 s1, $0xE  }
0x28: {  	s6 =	sor.u32 @!p0 $0x4000, s6;
	s5 =	simm.s32 @!p0 $0x1B8D  }
0x29: {  	s4 =	sshll.u32 @!p0 s4, $0x11;
	s6 =	sadd.s32 @!p0 $0x11B8D, s6;
	_ =	swait.eq @!p0 [sflag:s5], $0x1  }
0x2a: {  	s4 =	sor.u32 @!p0 s4, s6;
	[sflag:s5] =	ssyncadd.s32 @!p0 $0xFFFFFFFF  }
0x2b: {  	s26 =	simm.s32 $0x1B8E;
	s25 =	sld [smem:$0x3FFE];
	[sflag:s4] =	ssyncadd.remote.s32 @!p0 $0x1  }
0x2c: {  	s27 =	simm.s32 $execute0_lowered;
	[smem:$0x3FD2] =	sst s26  }
0x2d: {  	s5 =	sshll.u32 s27, $0x1;
	_ =	strace $0x8000004F;
	[dreg:$0x1] =	wrdreg $0xFFFFFFFF  }
0x2e: {  	s28 =	simm.s32 $_size_execute0_lowered;
	s3 =	sadd.s32 s3, s5;
	[dreg:$0x0] =	wrdreg $0x0  }
0x2f: {  	s5 =	sshll.u32 s28, $0x1;
	[dreg:$0x2] =	wrdreg s3  }
0x30: {  	[dreg:$0x3] =	wrdreg s5  }
0x31: {  	[dreg:$0x4] =	wrdreg $0xC0  }
0x32: {  	_ =	task [dreg:s23], $0x5FFFF  }
0x33: {  	[dreg:$0x1] =	wrdreg $0xFFFFFFFF  }
0x34: {  	[dreg:$0x0] =	wrdreg $0x60  }
0x35: {  	[dreg:$0x2] =	wrdreg s25  }
0x36: {  	[dreg:$0x3] =	wrdreg $0xA  }
0x37: {  	_ =	task.clear_ibuf [dreg:s23], $0x4FFFF;
	_ =	strace $0x9000004F  }
0x38: {  	s29 =	simm.s32 $0xA;
	_ =	strace $0x80000051  }
0x39: {  	_ =	swait.ge [sflag:s29], $0x1  }
0x3a: {  	[sflag:s29] =	ssyncadd.s32 $0xFFFFFFFF  }
0x3b: {  	_ =	strace $0x90000051  }
0x3c: {  	_ =	sfence  }
0x3d: {  	s30 =	sld [smem:$0x0];
	_ =	sdelay $0x2  }
0x3e: {  	s31 =	sshll.u32 s1, $0xD;
	s1 =	sshrl.u32 s1, $0x2  }
0x3f: {  	s4 =	sand.u32 $0x4000, s31;
	s1 =	sadd.s32 s1, s30  }
0x40: {  	s0 =	sor.u32 s4, s0;
	s1 =	sshll.u32 s1, $0x11  }
0x41: {  	s0 =	sor.u32 s1, s0  }
0x42: {  	s0 =	sadd.s32 $0x8F2B, s0  }
0x43: {  	[sflag:s0] =	ssyncadd.remote.s32 $0x1  }
0x44: {  	_ =	sfence.sel $0xFFFF  }
0x45: {  	[dreg:$0x0] =	wrdreg $0xFFFFFFFF;
	(pc) =	sbr.abs _section_cstart, $3  }
0x46: {  	[dreg:$0x1] =	wrdreg $0xFFFFFFFF  }
0x47: {  	_ =	task.clear_ibuf [dreg:s23], $0x2FFFF;
	_ =	strace $0x9FFFFFFF  }
0x48: {  	(tm) =	ssettm $0x7FFFFFFF  }
0x49: {  	_ =	shalt  }
tec
execute0_lowered:
.L_overlay_start_1:
0x0: {  	(tag) =	ssettag $0x1  }
0x1: {  	s0 =	srdreg.scid  }
0x2: {  	s1 =	sshll.u32 s0, $0x4  }
0x3: {  	s0 =	stileid.u32;
	s1 =	sand.u32 $0x10, s1  }
0x4: {  	s1 =	sor.u32 s0, s1  }
0x5: {  	s6 =	rddreg [dreg:$0x0];
	s7 =	simm.s32 $0x2;
	s2 =	sshll.u32 s1, $0x7  }
0x6: {  	s12 =	simm.s32 $0x0;
	s8 =	simm.s32 $0x20000;
	s1 =	ssub.s32 $0x4000, s2  }
0x7: {  	s13 =	simm.s32 $0x0;
	s9 =	simm.s32 $0x0;
	s3 =	sand.u32 $0xF80, s1  }
0x8: {  	s11 =	simm.s32 $0x0;
	p0 =	sne.s32 s3, $0x0;
	s3 =	simm.s32 $0x1  }
.Ltmp0:
0x9: {  	s4 =	sshrl.u32 s1, $0xC;
	s3 =	simm.s32 @!p0 $0x0;
	(pc) =	sbr.rel .LBB1_1-.Ltmp0, $4  }
0xa: {  	s5 =	sadd.s32 $0xB25E00, s6;
	s1 =	rddreg [dreg:$0x1];
	s4 =	sadd.s32 s3, s4  }
0xb: {  	_ =	strace $0x80000050;
	s3 =	simm.s32 $0x1;
	s4 =	smul.u32 $0x14, s4  }
0xc: {  	s6 =	sadd.s32 $0x141400, s6;
	s10 =	smov.u32 s2;
	[sflag:s3] =	ssyncpa.u1 $0x0  }
0xd: {  	p0 =	por $0x0, $0x0;
	[sflag:s7] =	ssyncpa.u1 $0x0;
	s7 =	sor.u32 $0x1, s4  }
.LBB1_4:
0xe: {  	s16 =	sshll.u32 s13, $0x3;
	s17 =	sand.u32 $0x78, s13  }
0xf: {  	s30 =	sand.u32 $0xF800, s13;
	s12 =	sshll.u32 s12, $0x10;
	s16 =	sand.u32 $0x3C00, s16  }
0x10: {  	s31 =	sand.u32 $0x7, s13;
	s16 =	sor.u32 s17, s16;
	s17 =	sadd.s32 s6, s30  }
0x11: {  	s13 =	sshll.u32 s31, $0x12;
	s16 =	sshrl.u32 s16, $0x3;
	s12 =	sadd.s32 s12, s17  }
0x12: {  	[tilespmem:s15+$0x0 ss:$0x81] =	vst.msk $0xffff, v0;
	s13 =	sor.u32 $0x400, s13;
	s12 =	sadd.s32 s16, s12  }
0x13: {  	[hbm4b:s12+s13] =	stream.strided.scatter [tilespmem:s14], [sflag:$0x2], $0x1000, s8, s13, $0x20;
	[tilespmem:$0x4040] =	vst v63  }
.LBB1_5:
0x14: {  	s14 =	sadd.s32 $0x1, s9  }
0x15: {  	s12 =	sadd.s32 $0x1000, s10;
	s16 =	smov.u32 s10;
	p2 =	sgt.s32 s14, $0x13  }
0x16: {  	s16 =	smov.u32 @p2 s12  }
0x17: {  	s14 =	simm.s32 @p2 $0x0;
	p2 =	sgt.s32 s16, $0x3FFF  }
0x18: {  	s16 =	smov.u32 @p2 s2;
	p2 =	sne.s32 s11, s7  }
.Ltmp1:
0x19: {  	p1 =	slt.u32 s11, $0x2;
	(pc) =	sbr.rel @!p2 .LBB1_6-.Ltmp1, $4  }
0x1a: {  	s15 =	simm.s32 @!p1 $0x2  }
0x1b: {  	s13 =	smov.u32 s10;
	p0 =	por !p0, !p0;
	_ =	swait.ge @!p1 [sflag:s15], $0x1000  }
0x1c: {  	s12 =	smov.u32 s9;
	[sflag:s15] =	ssyncset.done @!p1 $0x0;
	s9 =	smov.u32 s14  }
0x1d: {  	s11 =	sadd.s32 $0x1, s11;
	[sflag:s15] =	ssyncadd.s32 @!p1 $0xFFFFF000;
	s10 =	smov.u32 s16  }
.LBB1_1:
0x1e: {  	p1 =	sge.u32 s11, s4  }
0x1f: {  	s14 =	sand.u32 @!p1 $0x1FFFFFF, s9  }
0x20: {  	s15 =	smulhi.u32 @!p1 $0xAAAAAAB, s14;
	_ =	sdelay $0x1  }
0x21: {  	s15 =	smul.u32 @!p1 $0x18, s15  }
0x22: {  	s16 =	sxor.u32 @!p1 $0xFFFFFFFF, s11;
	s17 =	smul.u32 @!p1 $0x180, s10  }
0x23: {  	s31 =	sadd.s32 $0xFFFFFFFF, s11;
	s16 =	sshll.u32 @!p1 s16, $0xC;
	s14 =	ssub.s32 @!p1 s14, s15  }
0x24: {  	s15 =	sand.u32 @!p1 $0x1000, s16;
	s16 =	sadd.s32 @!p1 s5, s17;
	s14 =	sshll.u32 @!p1 s14, $0x4  }
0x25: {  	s17 =	simm.s32 @!p1 $0xC00;
	s14 =	sadd.s32 @!p1 s14, s16;
	s16 =	simm.s32 @!p1 $0x20  }
0x26: {  	[tilespmem:s15], [sflag:$0x1] =	stream.strided.gather @!p1 [hbm4b:s14+s16], $0x1000, s17, s16, $0x38;
	[tilespmem:$0x4040] =	vst v63  }
0x27: {  	p1 =	sge.u32 s31, s4  }
.Ltmp2:
0x28: {  	_ = 	snop;
	(pc) =	sbr.rel @p1 .LBB1_5-.Ltmp2, $1  }
0x29: {  	_ =	sdelay $0x3  }
0x2a: {  	s14 =	simm.s32 $0x1  }
0x2b: {  	_ =	swait.ge [sflag:s3], $0x1000;
	s14 =	simm.s32 @!p0 $0x0  }
0x2c: {  	[sflag:s3] =	ssyncset.done $0x0;
	s15 =	sshll.u32 s14, $0xC  }
0x2d: {  	[sflag:s3] =	ssyncadd.s32 $0xFFFFF000;
	s18 =	sor.u32 $0x10, s15  }
0x2e: {  	s14 =	smul.u32 $0x4080, s14;
	v1 =	vld [tilespmem:s18+$0x0]  }
0x2f: {  	s30 =	sand.u32 $0x1, s11;
	v0 =	vld [tilespmem:s18+$0xFFFFFFF0]  }
0x30: {  	s15 =	smul.u32 $0x4080, s30;
	s14 =	sshrl.u32 s14, $0x2  }
0x31: {  	s16 =	sor.u32 $0x2000, s14  }
0x32: {  	s31 =	sshrl.u32 s15, $0x2;
	s15 =	sadd.s32 $0x0, s16  }
0x33: {  	s17 =	simm.s32 $0x4;
	s18 =	sadd.s32 $0x20, s18;
	s14 =	sor.u32 $0x2000, s31;
	[tilespmem:s15+$0x810 ss:$0x81] =	vst.msk $0xffff, v1  }
.LBB1_3:
0x34: {  	v1 =	vld [tilespmem:s18+$0x0];
	p1 =	sne.s32 s17, $0x1FC;
	[tilespmem:s15+$0x0 ss:$0x81] =	vst.msk $0xffff, v0;
	s15 =	smov.u32 s17;
	s17 =	sadd.s32 $0x4, s17  }
.Ltmp3:
0x35: {  	v0 =	vld [tilespmem:s18+$0xFFFFFFF0];
	(pc) =	sbr.rel @p1 .LBB1_3-.Ltmp3, $4  }
0x36: {  	_ = 	snop  }
0x37: {  	s15 =	sshra.s32 s15, $0x2  }
0x38: {  	s15 =	sadd.s32 s15, s16  }
0x39: {  	s18 =	sadd.s32 $0x20, s18;
	[tilespmem:s15+$0x810 ss:$0x81] =	vst.msk $0xffff, v1  }
.Ltmp4:
0x3a: {  	_ = 	snop;
	(pc) =	sbr.rel .LBB1_4-.Ltmp4, $1  }
0x3b: {  	_ =	sdelay $0x3  }
.LBB1_6:
0x3c: {  	_ =	sfence.sel $0x180000  }
0x3d: {  	s2 =	simm.s32 $0x1;
	[bflag:$0x0] =	sbarrier.arrive $0xFFFF  }
0x3e: {  	s31 =	simm.s32 $0x2;
	[sflag:s2] =	ssyncpa.u1 $0x1  }
0x3f: {  	[sflag:s31] =	ssyncpa.u1 $0x1  }
0x40: {  	p0 =	sne.s32 s0, $0x0;
	_ =	strace $0x90000050  }
0x41: {  	s0 =	sadd.s32 @!p0 $0x100000, s1;
	[bflag:$0x2] =	sbarrier.arrive $0xFFFF  }
0x42: {  	[sflag:s0] =	ssyncadd.tile.s32 @!p0 $0x1;
	_ =	shalt  }
.Lfunc_end1:
_tile_overlayer_lowered:
.L_overlay_start_2:
0x43: {  	(tag) =	ssettag $0x2  }
0x44: {  	s0 =	rddreg [dreg:$0x0];
	s2 =	stileid.u32  }
0x45: {  	s1 =	rddreg [dreg:$0x1];
	p0 =	sne.s32 s2, $0x0  }
0x46: {  	s3 =	rddreg [dreg:$0x2];
	[bflag:$0x3] =	sbarrier.arrive $0xFFFF;
	s2 =	simm.s32 @!p0 $0x1C01  }
0x47: {  	[timem:s3], [sflag:s2] =	dma.local @!p0 [hbm:s0], s1  }
0x48: {  	s0 =	simm.s32 @!p0 $0x1  }
0x49: {  	_ =	swait.ge @!p0 [sflag:s0], s1  }
0x4a: {  	s1 =	ssub.s32 @!p0 $0x0, s1;
	[sflag:s0] =	ssyncset.done @!p0 $0x0  }
0x4b: {  	[sflag:s0] =	ssyncadd.s32 @!p0 s1  }
0x4c: {  	[bflag:$0x3] =	sbarrier.arrive $0xFFFF  }
0x4d: {  	_ =	shalt  }

// kernel: sparse-core-data-format-call.cloned.1.call-start
scs
called_computation_lowered:
.L_overlay_start_0:
0x0: {  	s2 =	sld [smem:$0x3FD9]  }
0x1: {  	s3 =	sld [smem:$0x3FFE];
	_ =	sdelay $0x1  }
0x2: {  	s1 =	srdreg.scid  }
0x3: {  	s0 =	sand.u32 $0x1, s1  }
0x4: {  	s18 =	sshll.u32 s0, $0xA;
	s2 =	sadd.s32 s3, s2  }
0x5: {  	s2 =	sadd.s32 s2, s18  }
0x6: {  	[smem:$0x3FC5] =	sst s2  }
0x7: {  	_ = 	snop  }
0x8: {  	(tm) =	ssettm $0x1  }
0x9: {  	s19 =	sld [smem:$0x3FFB];
	_ =	sdelay $0x3  }
0xa: {  	_ =	strace s19  }
0xb: {  	s2 =	sld [smem:$0x3FFC];
	_ =	sdelay $0x3  }
0xc: {  	_ =	strace s2  }
0xd: {  	s2 =	sld [smem:$0x3FFD];
	_ =	sdelay $0x3  }
0xe: {  	_ =	strace s2  }
0xf: {  	_ =	strace $0x8FFFFFFF  }
0x10: {  	s20 =	sld [smem:$0x3FDB];
	_ =	sdelay $0x1  }
0x11: {  	s21 =	simm.s32 $_scs_section_size  }
0x12: {  	s4 =	simm.s32 $_size__tile_overlayer_lowered;
	s5 =	simm.s32 $_tile_overlayer_lowered  }
0x13: {  	s6 =	simm.s32 $0x1BFF;
	s22 =	sshll.u32 s5, $0x1;
	s3 =	sadd.s32 s21, s20  }
0x14: {  	s23 =	simm.s32 $0x0;
	s4 =	sshll.u32 s4, $0x1;
	s5 =	sadd.s32 s22, s3  }
0x15: {  	[timem:s23], [sflag:s6] =	dma.local [hbm:s5], s4  }
0x16: {  	_ =	swait.ge [sflag:s6], s4  }
0x17: {  	s4 =	ssub.s32 $0x0, s4;
	[sflag:s6] =	ssyncset.done $0x0  }
0x18: {  	[sflag:s6] =	ssyncadd.s32 s4;
	_ =	sdelay $0x1  }
0x19: {  	s24 =	simm.s32 $0x1B8B  }
0x1a: {  	_ =	swait.ge [sflag:s24], $0x1  }
0x1b: {  	[sflag:s24] =	ssyncset.done $0x0  }
0x1c: {  	[sflag:s24] =	ssyncadd.s32 $0xFFFFFFFF  }
0x1d: {  	s4 =	sld [smem:$0x0]  }
0x1e: {  	s5 =	sand.u32 $0xFFFFFFFE, s1  }
0x1f: {  	p0 =	sne.s32 s1, s5  }
0x20: {  	s5 =	sshll.u32 @p0 s5, $0xE  }
0x21: {  	s5 =	sadd.s32 @p0 $0x11B8D, s5;
	s6 =	sshll.u32 @p0 s4, $0x11  }
0x22: {  	s5 =	sor.u32 @p0 s6, s5  }
0x23: {  	[sflag:s5] =	ssyncadd.remote.s32 @p0 $0x1;
	_ =	sdelay $0x1  }
0x24: {  	s5 =	simm.s32 @p0 $0x1B8D  }
0x25: {  	_ =	swait.eq @p0 [sflag:s5], $0x1  }
0x26: {  	[sflag:s5] =	ssyncadd.s32 @p0 $0xFFFFFFFF  }
0x27: {  	s6 =	sshll.u32 @!p0 s1, $0xE  }
0x28: {  	s6 =	sor.u32 @!p0 $0x4000, s6;
	s5 =	simm.s32 @!p0 $0x1B8D  }
0x29: {  	s4 =	sshll.u32 @!p0 s4, $0x11;
	s6 =	sadd.s32 @!p0 $0x11B8D, s6;
	_ =	swait.eq @!p0 [sflag:s5], $0x1  }
0x2a: {  	s4 =	sor.u32 @!p0 s4, s6;
	[sflag:s5] =	ssyncadd.s32 @!p0 $0xFFFFFFFF  }
0x2b: {  	s26 =	simm.s32 $0x1B8E;
	s25 =	sld [smem:$0x3FFE];
	[sflag:s4] =	ssyncadd.remote.s32 @!p0 $0x1  }
0x2c: {  	s27 =	simm.s32 $execute0_lowered;
	[smem:$0x3FD2] =	sst s26  }
0x2d: {  	s5 =	sshll.u32 s27, $0x1;
	_ =	strace $0x8000004C;
	[dreg:$0x1] =	wrdreg $0xFFFFFFFF  }
0x2e: {  	s28 =	simm.s32 $_size_execute0_lowered;
	s3 =	sadd.s32 s3, s5;
	[dreg:$0x0] =	wrdreg $0x0  }
0x2f: {  	s5 =	sshll.u32 s28, $0x1;
	[dreg:$0x2] =	wrdreg s3  }
0x30: {  	[dreg:$0x3] =	wrdreg s5  }
0x31: {  	[dreg:$0x4] =	wrdreg $0xC0  }
0x32: {  	_ =	task [dreg:s23], $0x5FFFF  }
0x33: {  	[dreg:$0x1] =	wrdreg $0xFFFFFFFF  }
0x34: {  	[dreg:$0x0] =	wrdreg $0x60  }
0x35: {  	[dreg:$0x2] =	wrdreg s25  }
0x36: {  	[dreg:$0x3] =	wrdreg $0x9  }
0x37: {  	_ =	task.clear_ibuf [dreg:s23], $0x4FFFF;
	_ =	strace $0x9000004C  }
0x38: {  	s29 =	simm.s32 $0x9;
	_ =	strace $0x8000004E  }
0x39: {  	_ =	swait.ge [sflag:s29], $0x1  }
0x3a: {  	[sflag:s29] =	ssyncadd.s32 $0xFFFFFFFF  }
0x3b: {  	_ =	strace $0x9000004E  }
0x3c: {  	_ =	sfence  }
0x3d: {  	s30 =	sld [smem:$0x0];
	_ =	sdelay $0x2  }
0x3e: {  	s31 =	sshll.u32 s1, $0xD;
	s1 =	sshrl.u32 s1, $0x2  }
0x3f: {  	s4 =	sand.u32 $0x4000, s31;
	s1 =	sadd.s32 s1, s30  }
0x40: {  	s0 =	sor.u32 s4, s0;
	s1 =	sshll.u32 s1, $0x11  }
0x41: {  	s0 =	sor.u32 s1, s0  }
0x42: {  	s0 =	sadd.s32 $0x8F2B, s0  }
0x43: {  	[sflag:s0] =	ssyncadd.remote.s32 $0x1  }
0x44: {  	_ =	sfence.sel $0xFFFF  }
0x45: {  	[dreg:$0x0] =	wrdreg $0xFFFFFFFF;
	(pc) =	sbr.abs _section_cstart, $3  }
0x46: {  	[dreg:$0x1] =	wrdreg $0xFFFFFFFF  }
0x47: {  	_ =	task.clear_ibuf [dreg:s23], $0x2FFFF;
	_ =	strace $0x9FFFFFFF  }
0x48: {  	(tm) =	ssettm $0x7FFFFFFF  }
0x49: {  	_ =	shalt  }
tec
execute0_lowered:
.L_overlay_start_1:
0x0: {  	(tag) =	ssettag $0x1  }
0x1: {  	s0 =	srdreg.scid  }
0x2: {  	s1 =	sshll.u32 s0, $0x4  }
0x3: {  	s0 =	stileid.u32;
	s1 =	sand.u32 $0x10, s1  }
0x4: {  	s1 =	sor.u32 s0, s1  }
0x5: {  	s6 =	rddreg [dreg:$0x0];
	s7 =	simm.s32 $0x2;
	s2 =	sshll.u32 s1, $0x7  }
0x6: {  	s12 =	simm.s32 $0x0;
	s8 =	simm.s32 $0x20000;
	s1 =	ssub.s32 $0x4000, s2  }
0x7: {  	s13 =	simm.s32 $0x0;
	s9 =	simm.s32 $0x0;
	s3 =	sand.u32 $0xF80, s1  }
0x8: {  	s11 =	simm.s32 $0x0;
	p0 =	sne.s32 s3, $0x0;
	s3 =	simm.s32 $0x1  }
.Ltmp0:
0x9: {  	s4 =	sshrl.u32 s1, $0xC;
	s3 =	simm.s32 @!p0 $0x0;
	(pc) =	sbr.rel .LBB1_1-.Ltmp0, $4  }
0xa: {  	s5 =	sadd.s32 $0x525E00, s6;
	s1 =	rddreg [dreg:$0x1];
	s4 =	sadd.s32 s3, s4  }
0xb: {  	_ =	strace $0x8000004D;
	s3 =	simm.s32 $0x1;
	s4 =	smul.u32 $0x14, s4  }
0xc: {  	s6 =	sadd.s32 $0x1400, s6;
	s10 =	smov.u32 s2;
	[sflag:s3] =	ssyncpa.u1 $0x0  }
0xd: {  	p0 =	por $0x0, $0x0;
	[sflag:s7] =	ssyncpa.u1 $0x0;
	s7 =	sor.u32 $0x1, s4  }
.LBB1_4:
0xe: {  	s16 =	sshll.u32 s13, $0x3;
	s17 =	sand.u32 $0x78, s13  }
0xf: {  	s30 =	sand.u32 $0xF800, s13;
	s12 =	sshll.u32 s12, $0x10;
	s16 =	sand.u32 $0x3C00, s16  }
0x10: {  	s31 =	sand.u32 $0x7, s13;
	s16 =	sor.u32 s17, s16;
	s17 =	sadd.s32 s6, s30  }
0x11: {  	s13 =	sshll.u32 s31, $0x12;
	s16 =	sshrl.u32 s16, $0x3;
	s12 =	sadd.s32 s12, s17  }
0x12: {  	[tilespmem:s15+$0x0 ss:$0x81] =	vst.msk $0xffff, v0;
	s13 =	sor.u32 $0x400, s13;
	s12 =	sadd.s32 s16, s12  }
0x13: {  	[hbm4b:s12+s13] =	stream.strided.scatter [tilespmem:s14], [sflag:$0x2], $0x1000, s8, s13, $0x20;
	[tilespmem:$0x4040] =	vst v63  }
.LBB1_5:
0x14: {  	s14 =	sadd.s32 $0x1, s9  }
0x15: {  	s12 =	sadd.s32 $0x1000, s10;
	s16 =	smov.u32 s10;
	p2 =	sgt.s32 s14, $0x13  }
0x16: {  	s16 =	smov.u32 @p2 s12  }
0x17: {  	s14 =	simm.s32 @p2 $0x0;
	p2 =	sgt.s32 s16, $0x3FFF  }
0x18: {  	s16 =	smov.u32 @p2 s2;
	p2 =	sne.s32 s11, s7  }
.Ltmp1:
0x19: {  	p1 =	slt.u32 s11, $0x2;
	(pc) =	sbr.rel @!p2 .LBB1_6-.Ltmp1, $4  }
0x1a: {  	s15 =	simm.s32 @!p1 $0x2  }
0x1b: {  	s13 =	smov.u32 s10;
	p0 =	por !p0, !p0;
	_ =	swait.ge @!p1 [sflag:s15], $0x1000  }
0x1c: {  	s12 =	smov.u32 s9;
	[sflag:s15] =	ssyncset.done @!p1 $0x0;
	s9 =	smov.u32 s14  }
0x1d: {  	s11 =	sadd.s32 $0x1, s11;
	[sflag:s15] =	ssyncadd.s32 @!p1 $0xFFFFF000;
	s10 =	smov.u32 s16  }
.LBB1_1:
0x1e: {  	p1 =	sge.u32 s11, s4  }
0x1f: {  	s14 =	sand.u32 @!p1 $0x1FFFFFF, s9  }
0x20: {  	s15 =	smulhi.u32 @!p1 $0xAAAAAAB, s14;
	_ =	sdelay $0x1  }
0x21: {  	s15 =	smul.u32 @!p1 $0x18, s15  }
0x22: {  	s16 =	sxor.u32 @!p1 $0xFFFFFFFF, s11;
	s17 =	smul.u32 @!p1 $0x180, s10  }
0x23: {  	s31 =	sadd.s32 $0xFFFFFFFF, s11;
	s16 =	sshll.u32 @!p1 s16, $0xC;
	s14 =	ssub.s32 @!p1 s14, s15  }
0x24: {  	s15 =	sand.u32 @!p1 $0x1000, s16;
	s16 =	sadd.s32 @!p1 s5, s17;
	s14 =	sshll.u32 @!p1 s14, $0x4  }
0x25: {  	s17 =	simm.s32 @!p1 $0xC00;
	s14 =	sadd.s32 @!p1 s14, s16;
	s16 =	simm.s32 @!p1 $0x20  }
0x26: {  	[tilespmem:s15], [sflag:$0x1] =	stream.strided.gather @!p1 [hbm4b:s14+s16], $0x1000, s17, s16, $0x38;
	[tilespmem:$0x4040] =	vst v63  }
0x27: {  	p1 =	sge.u32 s31, s4  }
.Ltmp2:
0x28: {  	_ = 	snop;
	(pc) =	sbr.rel @p1 .LBB1_5-.Ltmp2, $1  }
0x29: {  	_ =	sdelay $0x3  }
0x2a: {  	s14 =	simm.s32 $0x1  }
0x2b: {  	_ =	swait.ge [sflag:s3], $0x1000;
	s14 =	simm.s32 @!p0 $0x0  }
0x2c: {  	[sflag:s3] =	ssyncset.done $0x0;
	s15 =	sshll.u32 s14, $0xC  }
0x2d: {  	[sflag:s3] =	ssyncadd.s32 $0xFFFFF000;
	s18 =	sor.u32 $0x10, s15  }
0x2e: {  	s14 =	smul.u32 $0x4080, s14;
	v1 =	vld [tilespmem:s18+$0x0]  }
0x2f: {  	s30 =	sand.u32 $0x1, s11;
	v0 =	vld [tilespmem:s18+$0xFFFFFFF0]  }
0x30: {  	s15 =	smul.u32 $0x4080, s30;
	s14 =	sshrl.u32 s14, $0x2  }
0x31: {  	s16 =	sor.u32 $0x2000, s14  }
0x32: {  	s31 =	sshrl.u32 s15, $0x2;
	s15 =	sadd.s32 $0x0, s16  }
0x33: {  	s17 =	simm.s32 $0x4;
	s18 =	sadd.s32 $0x20, s18;
	s14 =	sor.u32 $0x2000, s31;
	[tilespmem:s15+$0x810 ss:$0x81] =	vst.msk $0xffff, v1  }
.LBB1_3:
0x34: {  	v1 =	vld [tilespmem:s18+$0x0];
	p1 =	sne.s32 s17, $0x1FC;
	[tilespmem:s15+$0x0 ss:$0x81] =	vst.msk $0xffff, v0;
	s15 =	smov.u32 s17;
	s17 =	sadd.s32 $0x4, s17  }
.Ltmp3:
0x35: {  	v0 =	vld [tilespmem:s18+$0xFFFFFFF0];
	(pc) =	sbr.rel @p1 .LBB1_3-.Ltmp3, $4  }
0x36: {  	_ = 	snop  }
0x37: {  	s15 =	sshra.s32 s15, $0x2  }
0x38: {  	s15 =	sadd.s32 s15, s16  }
0x39: {  	s18 =	sadd.s32 $0x20, s18;
	[tilespmem:s15+$0x810 ss:$0x81] =	vst.msk $0xffff, v1  }
.Ltmp4:
0x3a: {  	_ = 	snop;
	(pc) =	sbr.rel .LBB1_4-.Ltmp4, $1  }
0x3b: {  	_ =	sdelay $0x3  }
.LBB1_6:
0x3c: {  	_ =	sfence.sel $0x180000  }
0x3d: {  	s2 =	simm.s32 $0x1;
	[bflag:$0x0] =	sbarrier.arrive $0xFFFF  }
0x3e: {  	s31 =	simm.s32 $0x2;
	[sflag:s2] =	ssyncpa.u1 $0x1  }
0x3f: {  	[sflag:s31] =	ssyncpa.u1 $0x1  }
0x40: {  	p0 =	sne.s32 s0, $0x0;
	_ =	strace $0x9000004D  }
0x41: {  	s0 =	sadd.s32 @!p0 $0x100000, s1;
	[bflag:$0x2] =	sbarrier.arrive $0xFFFF  }
0x42: {  	[sflag:s0] =	ssyncadd.tile.s32 @!p0 $0x1;
	_ =	shalt  }
.Lfunc_end1:
_tile_overlayer_lowered:
.L_overlay_start_2:
0x43: {  	(tag) =	ssettag $0x2  }
0x44: {  	s0 =	rddreg [dreg:$0x0];
	s2 =	stileid.u32  }
0x45: {  	s1 =	rddreg [dreg:$0x1];
	p0 =	sne.s32 s2, $0x0  }
0x46: {  	s3 =	rddreg [dreg:$0x2];
	[bflag:$0x3] =	sbarrier.arrive $0xFFFF;
	s2 =	simm.s32 @!p0 $0x1C01  }
0x47: {  	[timem:s3], [sflag:s2] =	dma.local @!p0 [hbm:s0], s1  }
0x48: {  	s0 =	simm.s32 @!p0 $0x1  }
0x49: {  	_ =	swait.ge @!p0 [sflag:s0], s1  }
0x4a: {  	s1 =	ssub.s32 @!p0 $0x0, s1;
	[sflag:s0] =	ssyncset.done @!p0 $0x0  }
0x4b: {  	[sflag:s0] =	ssyncadd.s32 @!p0 s1  }
0x4c: {  	[bflag:$0x3] =	sbarrier.arrive $0xFFFF  }
0x4d: {  	_ =	shalt  }

</sc_bundles>
